<compile_context>
chip_gen: v7x
topology: tpu7x:2x2x1
jax: 0.10.2.dev20260603
libtpu: 0.0.44.dev20260713+nightly
codegen_flags: <defaults>
</compile_context>

<pallas_src>
import dataclasses
import functools

import jax
import jax.numpy as jnp
from jax import lax
from jax.experimental import pallas as pl
from jax.experimental.pallas import tpu as pltpu
from jax.experimental.pallas import tpu_sc as plsc

_N = 100000
_V = 21
_VP = 32
_D = 64
_C = 256
_NFULL = _N // _C
_TAIL = _N - _NFULL * _C
_NW = 32
_K = 13


def kernel(x, table):
    idx = x.reshape(_N)
    tab_flat = jnp.pad(table.T, ((0, 0), (0, _VP - _V))).reshape(_VP * _D)
    mesh = plsc.VectorSubcoreMesh(core_axis_name="c", subcore_axis_name="s")
    cp = pltpu.CompilerParams()
    if "needs_layout_passes" in pltpu.CompilerParams.__dataclass_fields__:
        cp = dataclasses.replace(cp, needs_layout_passes=False)

    @functools.partial(
        pl.kernel,
        out_type=jax.ShapeDtypeStruct((_D, _N), table.dtype),
        mesh=mesh,
        compiler_params=cp,
        scratch_types=[
            pltpu.VMEM((_VP * _D,), jnp.float32),
            pltpu.VMEM((_C,), jnp.int32),
            pltpu.VMEM((_C,), jnp.int32),
            pltpu.VMEM((_D, _C), jnp.float32),
            pltpu.VMEM((_D, _C), jnp.float32),
            pltpu.VMEM((_TAIL,), jnp.int32),
            pltpu.VMEM((_D, _TAIL), jnp.float32),
            pltpu.SemaphoreType.DMA,
            pltpu.SemaphoreType.DMA,
            pltpu.SemaphoreType.DMA,
            pltpu.SemaphoreType.DMA,
        ],
    )
    def gather_kernel(
        tab_hbm,
        idx_hbm,
        out_hbm,
        tab_v,
        idx_a,
        idx_b,
        blk_a,
        blk_b,
        idxt_v,
        blkt_v,
        sem_a,
        sem_b,
        isem_a,
        isem_b,
    ):
        wid = lax.axis_index("s") * 2 + lax.axis_index("c")
        pltpu.sync_copy(tab_hbm, tab_v)

        def chunk_base(k):
            c_raw = wid + k * _NW
            return jnp.where(c_raw < _NFULL, c_raw, wid) * _C

        def fill(idx_ref, blk_ref, width):
            @pl.loop(0, width, step=16)
            def _(j):
                flat = idx_ref.at[pl.ds(j, 16)][...]
                for d in range(_D):
                    blk_ref.at[d, pl.ds(j, 16)][...] = plsc.load_gather(
                        tab_v.at[pl.ds(d * _VP, _VP)], [flat]
                    )

        def slot(k, idx_ref, blk_ref, sem, isem, not_first):
            base = chunk_base(k)
            pltpu.make_async_copy(
                idx_hbm.at[pl.ds(0, _C)], idx_ref, isem
            ).wait()

            @pl.when(not_first)
            def _():
                pltpu.make_async_copy(
                    blk_ref, out_hbm.at[:, pl.ds(0, _C)], sem
                ).wait()

            fill(idx_ref, blk_ref, _C)
            pltpu.async_copy(blk_ref, out_hbm.at[:, pl.ds(base, _C)], sem)

            @pl.when(k + 2 < _K)
            def _():
                nxt = chunk_base(k + 2)
                pltpu.async_copy(idx_hbm.at[pl.ds(nxt, _C)], idx_ref, isem)

        pltpu.async_copy(idx_hbm.at[pl.ds(chunk_base(0), _C)], idx_a, isem_a)
        pltpu.async_copy(idx_hbm.at[pl.ds(chunk_base(1), _C)], idx_b, isem_b)

        @pl.loop(0, _K - 1, step=2)
        def _(k):
            slot(k, idx_a, blk_a, sem_a, isem_a, k > 0)
            slot(k + 1, idx_b, blk_b, sem_b, isem_b, k > 0)

        klast = jnp.int32(_K - 1)
        slot(klast, idx_a, blk_a, sem_a, isem_a, klast > 0)

        pltpu.make_async_copy(blk_a, out_hbm.at[:, pl.ds(0, _C)], sem_a).wait()
        pltpu.make_async_copy(blk_b, out_hbm.at[:, pl.ds(0, _C)], sem_b).wait()

        @pl.when(wid == _NW - 1)
        def _():
            base = _NFULL * _C
            pltpu.sync_copy(idx_hbm.at[pl.ds(base, _TAIL)], idxt_v)
            fill(idxt_v, blkt_v, _TAIL)
            pltpu.sync_copy(blkt_v, out_hbm.at[:, pl.ds(base, _TAIL)])

    return gather_kernel(tab_flat, idx).T

# --- scband reference (transcript-rebuilt; emitter-appended) ---
"""Pipeline reference for scband-type-dict-node-encoder-39539468927444 (READ-ONLY COPY).

The authoritative reference and input builder live on the scoring server;
editing this copy changes nothing except your own understanding.
"""

import jax, jax.numpy as jnp
import numpy as np

N = 100000
NUM_TYPES = 21
EMB_DIM = 64

def setup_inputs(seed: int = 0) -> dict:
    key = jax.random.key(seed)
    k1, k2 = jax.random.split(key)
    x = jax.random.randint(k1, (N, 1), 0, NUM_TYPES, dtype=jnp.int64 if jax.config.jax_enable_x64 else jnp.int32)
    table = jax.random.normal(k2, (NUM_TYPES, EMB_DIM), dtype=jnp.float32)
    return {"x": x, "table": table}

def reference(x, table):
    # batch.x = self.encoder(batch.x[:, 0])  -> embedding lookup on first column
    idx = x[:, 0]
    out = jnp.take(table, idx, axis=0)
    return out

if __name__ == "__main__":
    import jax
    _d = setup_inputs()
    print(jax.jit(kernel)(*tuple(_d.values())))

</pallas_src>

<mosaic_0001>
#map = affine_map<(d0, d1) -> (0)>
#map1 = affine_map<(d0, d1) -> (0, 0)>
module attributes {stable_mosaic.version = 14 : i64} {
  func.func @gather_kernel(%arg0: i32, %arg1: i32, %arg2: memref<2048xf32, #tpu.memory_space<hbm>>, %arg3: memref<100000xi32, #tpu.memory_space<hbm>>, %arg4: memref<64x100000xf32, #tpu.memory_space<hbm>>, %arg5: memref<2048xf32, #tpu.memory_space<vmem>>, %arg6: memref<256xi32, #tpu.memory_space<vmem>>, %arg7: memref<256xi32, #tpu.memory_space<vmem>>, %arg8: memref<64x256xf32, #tpu.memory_space<vmem>>, %arg9: memref<64x256xf32, #tpu.memory_space<vmem>>, %arg10: memref<160xi32, #tpu.memory_space<vmem>>, %arg11: memref<64x160xf32, #tpu.memory_space<vmem>>, %arg12: memref<!tpu.dma_semaphore, #tpu.memory_space<semaphore_mem>>, %arg13: memref<!tpu.dma_semaphore, #tpu.memory_space<semaphore_mem>>, %arg14: memref<!tpu.dma_semaphore, #tpu.memory_space<semaphore_mem>>, %arg15: memref<!tpu.dma_semaphore, #tpu.memory_space<semaphore_mem>>) attributes {dimension_semantics = [#tpu.dimension_semantics<core_parallel>, #tpu.dimension_semantics<subcore_parallel>], iteration_bounds = array<i64: 2, 16>, scalar_prefetch = 0 : i64, scratch_operands = 11 : i64, tpu.core_type = #tpu.core_type<sc_vector_subcore>, window_params = [{transform_indices = #map}, {transform_indices = #map}, {transform_indices = #map1}]} {
    %mul3A = arith.constant 2 : i32
    %mul3A_0 = arith.muli %arg1, %mul3A : i32
    %add3A = arith.addi %mul3A_0, %arg0 : i32
    "tpu.region"() ({
      %run_scoped3A = tpu.sem_alloc : memref<!tpu.dma_semaphore, #tpu.memory_space<semaphore_mem>>
      tpu.enqueue_dma source(%arg2 : memref<2048xf32, #tpu.memory_space<hbm>>) target(%arg5 : memref<2048xf32, #tpu.memory_space<vmem>>) target_semaphore(%run_scoped3A : memref<!tpu.dma_semaphore, #tpu.memory_space<semaphore_mem>>)
      tpu.wait_dma2 semaphore(%run_scoped3A : memref<!tpu.dma_semaphore, #tpu.memory_space<semaphore_mem>>) src(%arg2 : memref<2048xf32, #tpu.memory_space<hbm>>) dst(%arg5 : memref<2048xf32, #tpu.memory_space<vmem>>)
      tpu.yield
    }) : () -> ()
    %add3A_1 = arith.constant 0 : i32
    %add3A_2 = arith.addi %add3A, %add3A_1 : i32
    %lt3A = arith.constant 390 : i32
    %lt3A_3 = arith.cmpi slt, %add3A_2, %lt3A : i32
    %select_n3A = arith.select %lt3A_3, %add3A_2, %add3A : i32
    %mul3A_4 = arith.constant 256 : i32
    %mul3A_5 = arith.muli %select_n3A, %mul3A_4 : i32
    %dma_start3A = tpu.memref_slice %arg3[%mul3A_5] : memref<100000xi32, #tpu.memory_space<hbm>> -> memref<256xi32, #tpu.memory_space<hbm>>
    %dma_start3A_6 = tpu.memref_slice %arg3[%mul3A_5] : memref<100000xi32, #tpu.memory_space<hbm>> -> memref<256xi32, #tpu.memory_space<hbm>>
    tpu.enqueue_dma source(%dma_start3A_6 : memref<256xi32, #tpu.memory_space<hbm>>) target(%arg6 : memref<256xi32, #tpu.memory_space<vmem>>) target_semaphore(%arg14 : memref<!tpu.dma_semaphore, #tpu.memory_space<semaphore_mem>>)
    %add3A_7 = arith.constant 32 : i32
    %add3A_8 = arith.addi %add3A, %add3A_7 : i32
    %lt3A_9 = arith.constant 390 : i32
    %lt3A_10 = arith.cmpi slt, %add3A_8, %lt3A_9 : i32
    %select_n3A_11 = arith.select %lt3A_10, %add3A_8, %add3A : i32
    %mul3A_12 = arith.constant 256 : i32
    %mul3A_13 = arith.muli %select_n3A_11, %mul3A_12 : i32
    %dma_start3A_14 = tpu.memref_slice %arg3[%mul3A_13] : memref<100000xi32, #tpu.memory_space<hbm>> -> memref<256xi32, #tpu.memory_space<hbm>>
    %dma_start3A_15 = tpu.memref_slice %arg3[%mul3A_13] : memref<100000xi32, #tpu.memory_space<hbm>> -> memref<256xi32, #tpu.memory_space<hbm>>
    tpu.enqueue_dma source(%dma_start3A_15 : memref<256xi32, #tpu.memory_space<hbm>>) target(%arg7 : memref<256xi32, #tpu.memory_space<vmem>>) target_semaphore(%arg15 : memref<!tpu.dma_semaphore, #tpu.memory_space<semaphore_mem>>)
    %scan3A = arith.constant 0 : i32
    %scan3A_16 = arith.constant 6 : i32
    %scan3A_17 = arith.addi %scan3A, %scan3A_16 : i32
    %scan3A_18 = arith.constant 1 : i32
    scf.for %scan3A_69 = %scan3A to %scan3A_17 step %scan3A_18  : i32 {
      %mul3A_70 = arith.constant 2 : i32
      %mul3A_71 = arith.muli %scan3A_69, %mul3A_70 : i32
      %add3A_72 = arith.constant 0 : i32
      %add3A_73 = arith.addi %add3A_72, %mul3A_71 : i32
      %gt3A_74 = arith.constant 0 : i32
      %gt3A_75 = arith.cmpi sgt, %add3A_73, %gt3A_74 : i32
      %mul3A_76 = arith.constant 32 : i32
      %mul3A_77 = arith.muli %add3A_73, %mul3A_76 : i32
      %add3A_78 = arith.addi %add3A, %mul3A_77 : i32
      %lt3A_79 = arith.constant 390 : i32
      %lt3A_80 = arith.cmpi slt, %add3A_78, %lt3A_79 : i32
      %select_n3A_81 = arith.select %lt3A_80, %add3A_78, %add3A : i32
      %mul3A_82 = arith.constant 256 : i32
      %mul3A_83 = arith.muli %select_n3A_81, %mul3A_82 : i32
      %dma_wait3A_84 = arith.constant 0 : i32
      %dma_wait3A_85 = tpu.memref_slice %arg3[%dma_wait3A_84] : memref<100000xi32, #tpu.memory_space<hbm>> -> memref<256xi32, #tpu.memory_space<hbm>>
      %dma_wait3A_86 = arith.constant 0 : i32
      %dma_wait3A_87 = tpu.memref_slice %arg3[%dma_wait3A_86] : memref<100000xi32, #tpu.memory_space<hbm>> -> memref<256xi32, #tpu.memory_space<hbm>>
      tpu.wait_dma2 semaphore(%arg14 : memref<!tpu.dma_semaphore, #tpu.memory_space<semaphore_mem>>) src(%dma_wait3A_87 : memref<256xi32, #tpu.memory_space<hbm>>) dst(%arg6 : memref<256xi32, #tpu.memory_space<vmem>>)
      %convert_element_type3A_88 = arith.extui %gt3A_75 : i1 to i32
      %cond3A_89 = arith.constant 0 : i32
      %cond3A_90 = arith.cmpi ne, %convert_element_type3A_88, %cond3A_89 : i32
      scf.if %cond3A_90 {
        %dma_wait3A_142 = arith.constant 0 : i32
        %dma_wait3A_143 = arith.constant 0 : i32
        %dma_wait3A_144 = tpu.memref_slice %arg4[%dma_wait3A_142, %dma_wait3A_143] : memref<64x100000xf32, #tpu.memory_space<hbm>> -> memref<64x256xf32, #tpu.memory_space<hbm>>
        %dma_wait3A_145 = arith.constant 0 : i32
        %dma_wait3A_146 = arith.constant 0 : i32
        %dma_wait3A_147 = tpu.memref_slice %arg4[%dma_wait3A_145, %dma_wait3A_146] : memref<64x100000xf32, #tpu.memory_space<hbm>> -> memref<64x256xf32, #tpu.memory_space<hbm>>
        tpu.wait_dma2 semaphore(%arg12 : memref<!tpu.dma_semaphore, #tpu.memory_space<semaphore_mem>>) src(%arg8 : memref<64x256xf32, #tpu.memory_space<vmem>>) dst(%dma_wait3A_147 : memref<64x256xf32, #tpu.memory_space<hbm>>)
      } else {
      }
      %scan3A_91 = arith.constant 0 : i32
      %scan3A_92 = arith.constant 16 : i32
      %scan3A_93 = arith.addi %scan3A_91, %scan3A_92 : i32
      %scan3A_94 = arith.constant 1 : i32
      scf.for %scan3A_142 = %scan3A_91 to %scan3A_93 step %scan3A_94  : i32 {
        %mul3A_143 = arith.constant 16 : i32
        %mul3A_144 = arith.muli %scan3A_142, %mul3A_143 : i32
        %add3A_145 = arith.constant 0 : i32
        %add3A_146 = arith.addi %add3A_145, %mul3A_144 : i32
        %get3A = arith.index_cast %add3A_146 : i32 to index
        %get3A_147 = tpu.vector_load %arg6[%get3A] {strides = array<i32>} : memref<256xi32, #tpu.memory_space<vmem>>, vector<16xi32>,
        %gather3A = arith.constant 0 : i32
        %gather3A_148 = tpu.memref_slice %arg5[%gather3A] : memref<2048xf32, #tpu.memory_space<vmem>> -> memref<32xf32, #tpu.memory_space<vmem>>
        %gather3A_149 = tpu.vector_load_idx %gather3A_148[%get3A_147] : memref<32xf32, #tpu.memory_space<vmem>>[vector<16xi32>], vector<16xf32>,
        %swap3A = arith.constant 0 : i32
        %swap3A_150 = arith.index_cast %swap3A : i32 to index
        %swap3A_151 = arith.index_cast %add3A_146 : i32 to index
        %swap3A_152 = tpu.vector_load %arg8[%swap3A_150, %swap3A_151] {strides = array<i32>} : memref<64x256xf32, #tpu.memory_space<vmem>>, vector<16xf32>,
        tpu.vector_store %arg8[%swap3A_150, %swap3A_151], %gather3A_149 {strides = array<i32>} : memref<64x256xf32, #tpu.memory_space<vmem>>, vector<16xf32>,
        %gather3A_153 = arith.constant 32 : i32
        %gather3A_154 = tpu.memref_slice %arg5[%gather3A_153] : memref<2048xf32, #tpu.memory_space<vmem>> -> memref<32xf32, #tpu.memory_space<vmem>>
        %gather3A_155 = tpu.vector_load_idx %gather3A_154[%get3A_147] : memref<32xf32, #tpu.memory_space<vmem>>[vector<16xi32>], vector<16xf32>,
        %swap3A_156 = arith.constant 1 : i32
        %swap3A_157 = arith.index_cast %swap3A_156 : i32 to index
        %swap3A_158 = arith.index_cast %add3A_146 : i32 to index
        %swap3A_159 = tpu.vector_load %arg8[%swap3A_157, %swap3A_158] {strides = array<i32>} : memref<64x256xf32, #tpu.memory_space<vmem>>, vector<16xf32>,
        tpu.vector_store %arg8[%swap3A_157, %swap3A_158], %gather3A_155 {strides = array<i32>} : memref<64x256xf32, #tpu.memory_space<vmem>>, vector<16xf32>,
        %gather3A_160 = arith.constant 64 : i32
        %gather3A_161 = tpu.memref_slice %arg5[%gather3A_160] : memref<2048xf32, #tpu.memory_space<vmem>> -> memref<32xf32, #tpu.memory_space<vmem>>
        %gather3A_162 = tpu.vector_load_idx %gather3A_161[%get3A_147] : memref<32xf32, #tpu.memory_space<vmem>>[vector<16xi32>], vector<16xf32>,
        %swap3A_163 = arith.constant 2 : i32
        %swap3A_164 = arith.index_cast %swap3A_163 : i32 to index
        %swap3A_165 = arith.index_cast %add3A_146 : i32 to index
        %swap3A_166 = tpu.vector_load %arg8[%swap3A_164, %swap3A_165] {strides = array<i32>} : memref<64x256xf32, #tpu.memory_space<vmem>>, vector<16xf32>,
        tpu.vector_store %arg8[%swap3A_164, %swap3A_165], %gather3A_162 {strides = array<i32>} : memref<64x256xf32, #tpu.memory_space<vmem>>, vector<16xf32>,
        %gather3A_167 = arith.constant 96 : i32
        %gather3A_168 = tpu.memref_slice %arg5[%gather3A_167] : memref<2048xf32, #tpu.memory_space<vmem>> -> memref<32xf32, #tpu.memory_space<vmem>>
        %gather3A_169 = tpu.vector_load_idx %gather3A_168[%get3A_147] : memref<32xf32, #tpu.memory_space<vmem>>[vector<16xi32>], vector<16xf32>,
        %swap3A_170 = arith.constant 3 : i32
        %swap3A_171 = arith.index_cast %swap3A_170 : i32 to index
        %swap3A_172 = arith.index_cast %add3A_146 : i32 to index
        %swap3A_173 = tpu.vector_load %arg8[%swap3A_171, %swap3A_172] {strides = array<i32>} : memref<64x256xf32, #tpu.memory_space<vmem>>, vector<16xf32>,
        tpu.vector_store %arg8[%swap3A_171, %swap3A_172], %gather3A_169 {strides = array<i32>} : memref<64x256xf32, #tpu.memory_space<vmem>>, vector<16xf32>,
        %gather3A_174 = arith.constant 128 : i32
        %gather3A_175 = tpu.memref_slice %arg5[%gather3A_174] : memref<2048xf32, #tpu.memory_space<vmem>> -> memref<32xf32, #tpu.memory_space<vmem>>
        %gather3A_176 = tpu.vector_load_idx %gather3A_175[%get3A_147] : memref<32xf32, #tpu.memory_space<vmem>>[vector<16xi32>], vector<16xf32>,
        %swap3A_177 = arith.constant 4 : i32
        %swap3A_178 = arith.index_cast %swap3A_177 : i32 to index
        %swap3A_179 = arith.index_cast %add3A_146 : i32 to index
        %swap3A_180 = tpu.vector_load %arg8[%swap3A_178, %swap3A_179] {strides = array<i32>} : memref<64x256xf32, #tpu.memory_space<vmem>>, vector<16xf32>,
        tpu.vector_store %arg8[%swap3A_178, %swap3A_179], %gather3A_176 {strides = array<i32>} : memref<64x256xf32, #tpu.memory_space<vmem>>, vector<16xf32>,
        %gather3A_181 = arith.constant 160 : i32
        %gather3A_182 = tpu.memref_slice %arg5[%gather3A_181] : memref<2048xf32, #tpu.memory_space<vmem>> -> memref<32xf32, #tpu.memory_space<vmem>>
        %gather3A_183 = tpu.vector_load_idx %gather3A_182[%get3A_147] : memref<32xf32, #tpu.memory_space<vmem>>[vector<16xi32>], vector<16xf32>,
        %swap3A_184 = arith.constant 5 : i32
        %swap3A_185 = arith.index_cast %swap3A_184 : i32 to index
        %swap3A_186 = arith.index_cast %add3A_146 : i32 to index
        %swap3A_187 = tpu.vector_load %arg8[%swap3A_185, %swap3A_186] {strides = array<i32>} : memref<64x256xf32, #tpu.memory_space<vmem>>, vector<16xf32>,
        tpu.vector_store %arg8[%swap3A_185, %swap3A_186], %gather3A_183 {strides = array<i32>} : memref<64x256xf32, #tpu.memory_space<vmem>>, vector<16xf32>,
        %gather3A_188 = arith.constant 192 : i32
        %gather3A_189 = tpu.memref_slice %arg5[%gather3A_188] : memref<2048xf32, #tpu.memory_space<vmem>> -> memref<32xf32, #tpu.memory_space<vmem>>
        %gather3A_190 = tpu.vector_load_idx %gather3A_189[%get3A_147] : memref<32xf32, #tpu.memory_space<vmem>>[vector<16xi32>], vector<16xf32>,
        %swap3A_191 = arith.constant 6 : i32
        %swap3A_192 = arith.index_cast %swap3A_191 : i32 to index
        %swap3A_193 = arith.index_cast %add3A_146 : i32 to index
        %swap3A_194 = tpu.vector_load %arg8[%swap3A_192, %swap3A_193] {strides = array<i32>} : memref<64x256xf32, #tpu.memory_space<vmem>>, vector<16xf32>,
        tpu.vector_store %arg8[%swap3A_192, %swap3A_193], %gather3A_190 {strides = array<i32>} : memref<64x256xf32, #tpu.memory_space<vmem>>, vector<16xf32>,
        %gather3A_195 = arith.constant 224 : i32
        %gather3A_196 = tpu.memref_slice %arg5[%gather3A_195] : memref<2048xf32, #tpu.memory_space<vmem>> -> memref<32xf32, #tpu.memory_space<vmem>>
        %gather3A_197 = tpu.vector_load_idx %gather3A_196[%get3A_147] : memref<32xf32, #tpu.memory_space<vmem>>[vector<16xi32>], vector<16xf32>,
        %swap3A_198 = arith.constant 7 : i32
        %swap3A_199 = arith.index_cast %swap3A_198 : i32 to index
        %swap3A_200 = arith.index_cast %add3A_146 : i32 to index
        %swap3A_201 = tpu.vector_load %arg8[%swap3A_199, %swap3A_200] {strides = array<i32>} : memref<64x256xf32, #tpu.memory_space<vmem>>, vector<16xf32>,
        tpu.vector_store %arg8[%swap3A_199, %swap3A_200], %gather3A_197 {strides = array<i32>} : memref<64x256xf32, #tpu.memory_space<vmem>>, vector<16xf32>,
        %gather3A_202 = arith.constant 256 : i32
        %gather3A_203 = tpu.memref_slice %arg5[%gather3A_202] : memref<2048xf32, #tpu.memory_space<vmem>> -> memref<32xf32, #tpu.memory_space<vmem>>
        %gather3A_204 = tpu.vector_load_idx %gather3A_203[%get3A_147] : memref<32xf32, #tpu.memory_space<vmem>>[vector<16xi32>], vector<16xf32>,
        %swap3A_205 = arith.constant 8 : i32
        %swap3A_206 = arith.index_cast %swap3A_205 : i32 to index
        %swap3A_207 = arith.index_cast %add3A_146 : i32 to index
        %swap3A_208 = tpu.vector_load %arg8[%swap3A_206, %swap3A_207] {strides = array<i32>} : memref<64x256xf32, #tpu.memory_space<vmem>>, vector<16xf32>,
        tpu.vector_store %arg8[%swap3A_206, %swap3A_207], %gather3A_204 {strides = array<i32>} : memref<64x256xf32, #tpu.memory_space<vmem>>, vector<16xf32>,
        %gather3A_209 = arith.constant 288 : i32
        %gather3A_210 = tpu.memref_slice %arg5[%gather3A_209] : memref<2048xf32, #tpu.memory_space<vmem>> -> memref<32xf32, #tpu.memory_space<vmem>>
        %gather3A_211 = tpu.vector_load_idx %gather3A_210[%get3A_147] : memref<32xf32, #tpu.memory_space<vmem>>[vector<16xi32>], vector<16xf32>,
        %swap3A_212 = arith.constant 9 : i32
        %swap3A_213 = arith.index_cast %swap3A_212 : i32 to index
        %swap3A_214 = arith.index_cast %add3A_146 : i32 to index
        %swap3A_215 = tpu.vector_load %arg8[%swap3A_213, %swap3A_214] {strides = array<i32>} : memref<64x256xf32, #tpu.memory_space<vmem>>, vector<16xf32>,
        tpu.vector_store %arg8[%swap3A_213, %swap3A_214], %gather3A_211 {strides = array<i32>} : memref<64x256xf32, #tpu.memory_space<vmem>>, vector<16xf32>,
        %gather3A_216 = arith.constant 320 : i32
        %gather3A_217 = tpu.memref_slice %arg5[%gather3A_216] : memref<2048xf32, #tpu.memory_space<vmem>> -> memref<32xf32, #tpu.memory_space<vmem>>
        %gather3A_218 = tpu.vector_load_idx %gather3A_217[%get3A_147] : memref<32xf32, #tpu.memory_space<vmem>>[vector<16xi32>], vector<16xf32>,
        %swap3A_219 = arith.constant 10 : i32
        %swap3A_220 = arith.index_cast %swap3A_219 : i32 to index
        %swap3A_221 = arith.index_cast %add3A_146 : i32 to index
        %swap3A_222 = tpu.vector_load %arg8[%swap3A_220, %swap3A_221] {strides = array<i32>} : memref<64x256xf32, #tpu.memory_space<vmem>>, vector<16xf32>,
        tpu.vector_store %arg8[%swap3A_220, %swap3A_221], %gather3A_218 {strides = array<i32>} : memref<64x256xf32, #tpu.memory_space<vmem>>, vector<16xf32>,
        %gather3A_223 = arith.constant 352 : i32
        %gather3A_224 = tpu.memref_slice %arg5[%gather3A_223] : memref<2048xf32, #tpu.memory_space<vmem>> -> memref<32xf32, #tpu.memory_space<vmem>>
        %gather3A_225 = tpu.vector_load_idx %gather3A_224[%get3A_147] : memref<32xf32, #tpu.memory_space<vmem>>[vector<16xi32>], vector<16xf32>,
        %swap3A_226 = arith.constant 11 : i32
        %swap3A_227 = arith.index_cast %swap3A_226 : i32 to index
        %swap3A_228 = arith.index_cast %add3A_146 : i32 to index
        %swap3A_229 = tpu.vector_load %arg8[%swap3A_227, %swap3A_228] {strides = array<i32>} : memref<64x256xf32, #tpu.memory_space<vmem>>, vector<16xf32>,
        tpu.vector_store %arg8[%swap3A_227, %swap3A_228], %gather3A_225 {strides = array<i32>} : memref<64x256xf32, #tpu.memory_space<vmem>>, vector<16xf32>,
        %gather3A_230 = arith.constant 384 : i32
        %gather3A_231 = tpu.memref_slice %arg5[%gather3A_230] : memref<2048xf32, #tpu.memory_space<vmem>> -> memref<32xf32, #tpu.memory_space<vmem>>
        %gather3A_232 = tpu.vector_load_idx %gather3A_231[%get3A_147] : memref<32xf32, #tpu.memory_space<vmem>>[vector<16xi32>], vector<16xf32>,
        %swap3A_233 = arith.constant 12 : i32
        %swap3A_234 = arith.index_cast %swap3A_233 : i32 to index
        %swap3A_235 = arith.index_cast %add3A_146 : i32 to index
        %swap3A_236 = tpu.vector_load %arg8[%swap3A_234, %swap3A_235] {strides = array<i32>} : memref<64x256xf32, #tpu.memory_space<vmem>>, vector<16xf32>,
        tpu.vector_store %arg8[%swap3A_234, %swap3A_235], %gather3A_232 {strides = array<i32>} : memref<64x256xf32, #tpu.memory_space<vmem>>, vector<16xf32>,
        %gather3A_237 = arith.constant 416 : i32
        %gather3A_238 = tpu.memref_slice %arg5[%gather3A_237] : memref<2048xf32, #tpu.memory_space<vmem>> -> memref<32xf32, #tpu.memory_space<vmem>>
        %gather3A_239 = tpu.vector_load_idx %gather3A_238[%get3A_147] : memref<32xf32, #tpu.memory_space<vmem>>[vector<16xi32>], vector<16xf32>,
        %swap3A_240 = arith.constant 13 : i32
        %swap3A_241 = arith.index_cast %swap3A_240 : i32 to index
        %swap3A_242 = arith.index_cast %add3A_146 : i32 to index
        %swap3A_243 = tpu.vector_load %arg8[%swap3A_241, %swap3A_242] {strides = array<i32>} : memref<64x256xf32, #tpu.memory_space<vmem>>, vector<16xf32>,
        tpu.vector_store %arg8[%swap3A_241, %swap3A_242], %gather3A_239 {strides = array<i32>} : memref<64x256xf32, #tpu.memory_space<vmem>>, vector<16xf32>,
        %gather3A_244 = arith.constant 448 : i32
        %gather3A_245 = tpu.memref_slice %arg5[%gather3A_244] : memref<2048xf32, #tpu.memory_space<vmem>> -> memref<32xf32, #tpu.memory_space<vmem>>
        %gather3A_246 = tpu.vector_load_idx %gather3A_245[%get3A_147] : memref<32xf32, #tpu.memory_space<vmem>>[vector<16xi32>], vector<16xf32>,
        %swap3A_247 = arith.constant 14 : i32
        %swap3A_248 = arith.index_cast %swap3A_247 : i32 to index
        %swap3A_249 = arith.index_cast %add3A_146 : i32 to index
        %swap3A_250 = tpu.vector_load %arg8[%swap3A_248, %swap3A_249] {strides = array<i32>} : memref<64x256xf32, #tpu.memory_space<vmem>>, vector<16xf32>,
        tpu.vector_store %arg8[%swap3A_248, %swap3A_249], %gather3A_246 {strides = array<i32>} : memref<64x256xf32, #tpu.memory_space<vmem>>, vector<16xf32>,
        %gather3A_251 = arith.constant 480 : i32
        %gather3A_252 = tpu.memref_slice %arg5[%gather3A_251] : memref<2048xf32, #tpu.memory_space<vmem>> -> memref<32xf32, #tpu.memory_space<vmem>>
        %gather3A_253 = tpu.vector_load_idx %gather3A_252[%get3A_147] : memref<32xf32, #tpu.memory_space<vmem>>[vector<16xi32>], vector<16xf32>,
        %swap3A_254 = arith.constant 15 : i32
        %swap3A_255 = arith.index_cast %swap3A_254 : i32 to index
        %swap3A_256 = arith.index_cast %add3A_146 : i32 to index
        %swap3A_257 = tpu.vector_load %arg8[%swap3A_255, %swap3A_256] {strides = array<i32>} : memref<64x256xf32, #tpu.memory_space<vmem>>, vector<16xf32>,
        tpu.vector_store %arg8[%swap3A_255, %swap3A_256], %gather3A_253 {strides = array<i32>} : memref<64x256xf32, #tpu.memory_space<vmem>>, vector<16xf32>,
        %gather3A_258 = arith.constant 512 : i32
        %gather3A_259 = tpu.memref_slice %arg5[%gather3A_258] : memref<2048xf32, #tpu.memory_space<vmem>> -> memref<32xf32, #tpu.memory_space<vmem>>
        %gather3A_260 = tpu.vector_load_idx %gather3A_259[%get3A_147] : memref<32xf32, #tpu.memory_space<vmem>>[vector<16xi32>], vector<16xf32>,
        %swap3A_261 = arith.constant 16 : i32
        %swap3A_262 = arith.index_cast %swap3A_261 : i32 to index
        %swap3A_263 = arith.index_cast %add3A_146 : i32 to index
        %swap3A_264 = tpu.vector_load %arg8[%swap3A_262, %swap3A_263] {strides = array<i32>} : memref<64x256xf32, #tpu.memory_space<vmem>>, vector<16xf32>,
        tpu.vector_store %arg8[%swap3A_262, %swap3A_263], %gather3A_260 {strides = array<i32>} : memref<64x256xf32, #tpu.memory_space<vmem>>, vector<16xf32>,
        %gather3A_265 = arith.constant 544 : i32
        %gather3A_266 = tpu.memref_slice %arg5[%gather3A_265] : memref<2048xf32, #tpu.memory_space<vmem>> -> memref<32xf32, #tpu.memory_space<vmem>>
        %gather3A_267 = tpu.vector_load_idx %gather3A_266[%get3A_147] : memref<32xf32, #tpu.memory_space<vmem>>[vector<16xi32>], vector<16xf32>,
        %swap3A_268 = arith.constant 17 : i32
        %swap3A_269 = arith.index_cast %swap3A_268 : i32 to index
        %swap3A_270 = arith.index_cast %add3A_146 : i32 to index
        %swap3A_271 = tpu.vector_load %arg8[%swap3A_269, %swap3A_270] {strides = array<i32>} : memref<64x256xf32, #tpu.memory_space<vmem>>, vector<16xf32>,
        tpu.vector_store %arg8[%swap3A_269, %swap3A_270], %gather3A_267 {strides = array<i32>} : memref<64x256xf32, #tpu.memory_space<vmem>>, vector<16xf32>,
        %gather3A_272 = arith.constant 576 : i32
        %gather3A_273 = tpu.memref_slice %arg5[%gather3A_272] : memref<2048xf32, #tpu.memory_space<vmem>> -> memref<32xf32, #tpu.memory_space<vmem>>
        %gather3A_274 = tpu.vector_load_idx %gather3A_273[%get3A_147] : memref<32xf32, #tpu.memory_space<vmem>>[vector<16xi32>], vector<16xf32>,
        %swap3A_275 = arith.constant 18 : i32
        %swap3A_276 = arith.index_cast %swap3A_275 : i32 to index
        %swap3A_277 = arith.index_cast %add3A_146 : i32 to index
        %swap3A_278 = tpu.vector_load %arg8[%swap3A_276, %swap3A_277] {strides = array<i32>} : memref<64x256xf32, #tpu.memory_space<vmem>>, vector<16xf32>,
        tpu.vector_store %arg8[%swap3A_276, %swap3A_277], %gather3A_274 {strides = array<i32>} : memref<64x256xf32, #tpu.memory_space<vmem>>, vector<16xf32>,
        %gather3A_279 = arith.constant 608 : i32
        %gather3A_280 = tpu.memref_slice %arg5[%gather3A_279] : memref<2048xf32, #tpu.memory_space<vmem>> -> memref<32xf32, #tpu.memory_space<vmem>>
        %gather3A_281 = tpu.vector_load_idx %gather3A_280[%get3A_147] : memref<32xf32, #tpu.memory_space<vmem>>[vector<16xi32>], vector<16xf32>,
        %swap3A_282 = arith.constant 19 : i32
        %swap3A_283 = arith.index_cast %swap3A_282 : i32 to index
        %swap3A_284 = arith.index_cast %add3A_146 : i32 to index
        %swap3A_285 = tpu.vector_load %arg8[%swap3A_283, %swap3A_284] {strides = array<i32>} : memref<64x256xf32, #tpu.memory_space<vmem>>, vector<16xf32>,
        tpu.vector_store %arg8[%swap3A_283, %swap3A_284], %gather3A_281 {strides = array<i32>} : memref<64x256xf32, #tpu.memory_space<vmem>>, vector<16xf32>,
        %gather3A_286 = arith.constant 640 : i32
        %gather3A_287 = tpu.memref_slice %arg5[%gather3A_286] : memref<2048xf32, #tpu.memory_space<vmem>> -> memref<32xf32, #tpu.memory_space<vmem>>
        %gather3A_288 = tpu.vector_load_idx %gather3A_287[%get3A_147] : memref<32xf32, #tpu.memory_space<vmem>>[vector<16xi32>], vector<16xf32>,
        %swap3A_289 = arith.constant 20 : i32
        %swap3A_290 = arith.index_cast %swap3A_289 : i32 to index
        %swap3A_291 = arith.index_cast %add3A_146 : i32 to index
        %swap3A_292 = tpu.vector_load %arg8[%swap3A_290, %swap3A_291] {strides = array<i32>} : memref<64x256xf32, #tpu.memory_space<vmem>>, vector<16xf32>,
        tpu.vector_store %arg8[%swap3A_290, %swap3A_291], %gather3A_288 {strides = array<i32>} : memref<64x256xf32, #tpu.memory_space<vmem>>, vector<16xf32>,
        %gather3A_293 = arith.constant 672 : i32
        %gather3A_294 = tpu.memref_slice %arg5[%gather3A_293] : memref<2048xf32, #tpu.memory_space<vmem>> -> memref<32xf32, #tpu.memory_space<vmem>>
        %gather3A_295 = tpu.vector_load_idx %gather3A_294[%get3A_147] : memref<32xf32, #tpu.memory_space<vmem>>[vector<16xi32>], vector<16xf32>,
        %swap3A_296 = arith.constant 21 : i32
        %swap3A_297 = arith.index_cast %swap3A_296 : i32 to index
        %swap3A_298 = arith.index_cast %add3A_146 : i32 to index
        %swap3A_299 = tpu.vector_load %arg8[%swap3A_297, %swap3A_298] {strides = array<i32>} : memref<64x256xf32, #tpu.memory_space<vmem>>, vector<16xf32>,
        tpu.vector_store %arg8[%swap3A_297, %swap3A_298], %gather3A_295 {strides = array<i32>} : memref<64x256xf32, #tpu.memory_space<vmem>>, vector<16xf32>,
        %gather3A_300 = arith.constant 704 : i32
        %gather3A_301 = tpu.memref_slice %arg5[%gather3A_300] : memref<2048xf32, #tpu.memory_space<vmem>> -> memref<32xf32, #tpu.memory_space<vmem>>
        %gather3A_302 = tpu.vector_load_idx %gather3A_301[%get3A_147] : memref<32xf32, #tpu.memory_space<vmem>>[vector<16xi32>], vector<16xf32>,
        %swap3A_303 = arith.constant 22 : i32
        %swap3A_304 = arith.index_cast %swap3A_303 : i32 to index
        %swap3A_305 = arith.index_cast %add3A_146 : i32 to index
        %swap3A_306 = tpu.vector_load %arg8[%swap3A_304, %swap3A_305] {strides = array<i32>} : memref<64x256xf32, #tpu.memory_space<vmem>>, vector<16xf32>,
        tpu.vector_store %arg8[%swap3A_304, %swap3A_305], %gather3A_302 {strides = array<i32>} : memref<64x256xf32, #tpu.memory_space<vmem>>, vector<16xf32>,
        %gather3A_307 = arith.constant 736 : i32
        %gather3A_308 = tpu.memref_slice %arg5[%gather3A_307] : memref<2048xf32, #tpu.memory_space<vmem>> -> memref<32xf32, #tpu.memory_space<vmem>>
        %gather3A_309 = tpu.vector_load_idx %gather3A_308[%get3A_147] : memref<32xf32, #tpu.memory_space<vmem>>[vector<16xi32>], vector<16xf32>,
        %swap3A_310 = arith.constant 23 : i32
        %swap3A_311 = arith.index_cast %swap3A_310 : i32 to index
        %swap3A_312 = arith.index_cast %add3A_146 : i32 to index
        %swap3A_313 = tpu.vector_load %arg8[%swap3A_311, %swap3A_312] {strides = array<i32>} : memref<64x256xf32, #tpu.memory_space<vmem>>, vector<16xf32>,
        tpu.vector_store %arg8[%swap3A_311, %swap3A_312], %gather3A_309 {strides = array<i32>} : memref<64x256xf32, #tpu.memory_space<vmem>>, vector<16xf32>,
        %gather3A_314 = arith.constant 768 : i32
        %gather3A_315 = tpu.memref_slice %arg5[%gather3A_314] : memref<2048xf32, #tpu.memory_space<vmem>> -> memref<32xf32, #tpu.memory_space<vmem>>
        %gather3A_316 = tpu.vector_load_idx %gather3A_315[%get3A_147] : memref<32xf32, #tpu.memory_space<vmem>>[vector<16xi32>], vector<16xf32>,
        %swap3A_317 = arith.constant 24 : i32
        %swap3A_318 = arith.index_cast %swap3A_317 : i32 to index
        %swap3A_319 = arith.index_cast %add3A_146 : i32 to index
        %swap3A_320 = tpu.vector_load %arg8[%swap3A_318, %swap3A_319] {strides = array<i32>} : memref<64x256xf32, #tpu.memory_space<vmem>>, vector<16xf32>,
        tpu.vector_store %arg8[%swap3A_318, %swap3A_319], %gather3A_316 {strides = array<i32>} : memref<64x256xf32, #tpu.memory_space<vmem>>, vector<16xf32>,
        %gather3A_321 = arith.constant 800 : i32
        %gather3A_322 = tpu.memref_slice %arg5[%gather3A_321] : memref<2048xf32, #tpu.memory_space<vmem>> -> memref<32xf32, #tpu.memory_space<vmem>>
        %gather3A_323 = tpu.vector_load_idx %gather3A_322[%get3A_147] : memref<32xf32, #tpu.memory_space<vmem>>[vector<16xi32>], vector<16xf32>,
        %swap3A_324 = arith.constant 25 : i32
        %swap3A_325 = arith.index_cast %swap3A_324 : i32 to index
        %swap3A_326 = arith.index_cast %add3A_146 : i32 to index
        %swap3A_327 = tpu.vector_load %arg8[%swap3A_325, %swap3A_326] {strides = array<i32>} : memref<64x256xf32, #tpu.memory_space<vmem>>, vector<16xf32>,
        tpu.vector_store %arg8[%swap3A_325, %swap3A_326], %gather3A_323 {strides = array<i32>} : memref<64x256xf32, #tpu.memory_space<vmem>>, vector<16xf32>,
        %gather3A_328 = arith.constant 832 : i32
        %gather3A_329 = tpu.memref_slice %arg5[%gather3A_328] : memref<2048xf32, #tpu.memory_space<vmem>> -> memref<32xf32, #tpu.memory_space<vmem>>
        %gather3A_330 = tpu.vector_load_idx %gather3A_329[%get3A_147] : memref<32xf32, #tpu.memory_space<vmem>>[vector<16xi32>], vector<16xf32>,
        %swap3A_331 = arith.constant 26 : i32
        %swap3A_332 = arith.index_cast %swap3A_331 : i32 to index
        %swap3A_333 = arith.index_cast %add3A_146 : i32 to index
        %swap3A_334 = tpu.vector_load %arg8[%swap3A_332, %swap3A_333] {strides = array<i32>} : memref<64x256xf32, #tpu.memory_space<vmem>>, vector<16xf32>,
        tpu.vector_store %arg8[%swap3A_332, %swap3A_333], %gather3A_330 {strides = array<i32>} : memref<64x256xf32, #tpu.memory_space<vmem>>, vector<16xf32>,
        %gather3A_335 = arith.constant 864 : i32
        %gather3A_336 = tpu.memref_slice %arg5[%gather3A_335] : memref<2048xf32, #tpu.memory_space<vmem>> -> memref<32xf32, #tpu.memory_space<vmem>>
        %gather3A_337 = tpu.vector_load_idx %gather3A_336[%get3A_147] : memref<32xf32, #tpu.memory_space<vmem>>[vector<16xi32>], vector<16xf32>,
        %swap3A_338 = arith.constant 27 : i32
        %swap3A_339 = arith.index_cast %swap3A_338 : i32 to index
        %swap3A_340 = arith.index_cast %add3A_146 : i32 to index
        %swap3A_341 = tpu.vector_load %arg8[%swap3A_339, %swap3A_340] {strides = array<i32>} : memref<64x256xf32, #tpu.memory_space<vmem>>, vector<16xf32>,
        tpu.vector_store %arg8[%swap3A_339, %swap3A_340], %gather3A_337 {strides = array<i32>} : memref<64x256xf32, #tpu.memory_space<vmem>>, vector<16xf32>,
        %gather3A_342 = arith.constant 896 : i32
        %gather3A_343 = tpu.memref_slice %arg5[%gather3A_342] : memref<2048xf32, #tpu.memory_space<vmem>> -> memref<32xf32, #tpu.memory_space<vmem>>
        %gather3A_344 = tpu.vector_load_idx %gather3A_343[%get3A_147] : memref<32xf32, #tpu.memory_space<vmem>>[vector<16xi32>], vector<16xf32>,
        %swap3A_345 = arith.constant 28 : i32
        %swap3A_346 = arith.index_cast %swap3A_345 : i32 to index
        %swap3A_347 = arith.index_cast %add3A_146 : i32 to index
        %swap3A_348 = tpu.vector_load %arg8[%swap3A_346, %swap3A_347] {strides = array<i32>} : memref<64x256xf32, #tpu.memory_space<vmem>>, vector<16xf32>,
        tpu.vector_store %arg8[%swap3A_346, %swap3A_347], %gather3A_344 {strides = array<i32>} : memref<64x256xf32, #tpu.memory_space<vmem>>, vector<16xf32>,
        %gather3A_349 = arith.constant 928 : i32
        %gather3A_350 = tpu.memref_slice %arg5[%gather3A_349] : memref<2048xf32, #tpu.memory_space<vmem>> -> memref<32xf32, #tpu.memory_space<vmem>>
        %gather3A_351 = tpu.vector_load_idx %gather3A_350[%get3A_147] : memref<32xf32, #tpu.memory_space<vmem>>[vector<16xi32>], vector<16xf32>,
        %swap3A_352 = arith.constant 29 : i32
        %swap3A_353 = arith.index_cast %swap3A_352 : i32 to index
        %swap3A_354 = arith.index_cast %add3A_146 : i32 to index
        %swap3A_355 = tpu.vector_load %arg8[%swap3A_353, %swap3A_354] {strides = array<i32>} : memref<64x256xf32, #tpu.memory_space<vmem>>, vector<16xf32>,
        tpu.vector_store %arg8[%swap3A_353, %swap3A_354], %gather3A_351 {strides = array<i32>} : memref<64x256xf32, #tpu.memory_space<vmem>>, vector<16xf32>,
        %gather3A_356 = arith.constant 960 : i32
        %gather3A_357 = tpu.memref_slice %arg5[%gather3A_356] : memref<2048xf32, #tpu.memory_space<vmem>> -> memref<32xf32, #tpu.memory_space<vmem>>
        %gather3A_358 = tpu.vector_load_idx %gather3A_357[%get3A_147] : memref<32xf32, #tpu.memory_space<vmem>>[vector<16xi32>], vector<16xf32>,
        %swap3A_359 = arith.constant 30 : i32
        %swap3A_360 = arith.index_cast %swap3A_359 : i32 to index
        %swap3A_361 = arith.index_cast %add3A_146 : i32 to index
        %swap3A_362 = tpu.vector_load %arg8[%swap3A_360, %swap3A_361] {strides = array<i32>} : memref<64x256xf32, #tpu.memory_space<vmem>>, vector<16xf32>,
        tpu.vector_store %arg8[%swap3A_360, %swap3A_361], %gather3A_358 {strides = array<i32>} : memref<64x256xf32, #tpu.memory_space<vmem>>, vector<16xf32>,
        %gather3A_363 = arith.constant 992 : i32
        %gather3A_364 = tpu.memref_slice %arg5[%gather3A_363] : memref<2048xf32, #tpu.memory_space<vmem>> -> memref<32xf32, #tpu.memory_space<vmem>>
        %gather3A_365 = tpu.vector_load_idx %gather3A_364[%get3A_147] : memref<32xf32, #tpu.memory_space<vmem>>[vector<16xi32>], vector<16xf32>,
        %swap3A_366 = arith.constant 31 : i32
        %swap3A_367 = arith.index_cast %swap3A_366 : i32 to index
        %swap3A_368 = arith.index_cast %add3A_146 : i32 to index
        %swap3A_369 = tpu.vector_load %arg8[%swap3A_367, %swap3A_368] {strides = array<i32>} : memref<64x256xf32, #tpu.memory_space<vmem>>, vector<16xf32>,
        tpu.vector_store %arg8[%swap3A_367, %swap3A_368], %gather3A_365 {strides = array<i32>} : memref<64x256xf32, #tpu.memory_space<vmem>>, vector<16xf32>,
        %gather3A_370 = arith.constant 1024 : i32
        %gather3A_371 = tpu.memref_slice %arg5[%gather3A_370] : memref<2048xf32, #tpu.memory_space<vmem>> -> memref<32xf32, #tpu.memory_space<vmem>>
        %gather3A_372 = tpu.vector_load_idx %gather3A_371[%get3A_147] : memref<32xf32, #tpu.memory_space<vmem>>[vector<16xi32>], vector<16xf32>,
        %swap3A_373 = arith.constant 32 : i32
        %swap3A_374 = arith.index_cast %swap3A_373 : i32 to index
        %swap3A_375 = arith.index_cast %add3A_146 : i32 to index
        %swap3A_376 = tpu.vector_load %arg8[%swap3A_374, %swap3A_375] {strides = array<i32>} : memref<64x256xf32, #tpu.memory_space<vmem>>, vector<16xf32>,
        tpu.vector_store %arg8[%swap3A_374, %swap3A_375], %gather3A_372 {strides = array<i32>} : memref<64x256xf32, #tpu.memory_space<vmem>>, vector<16xf32>,
        %gather3A_377 = arith.constant 1056 : i32
        %gather3A_378 = tpu.memref_slice %arg5[%gather3A_377] : memref<2048xf32, #tpu.memory_space<vmem>> -> memref<32xf32, #tpu.memory_space<vmem>>
        %gather3A_379 = tpu.vector_load_idx %gather3A_378[%get3A_147] : memref<32xf32, #tpu.memory_space<vmem>>[vector<16xi32>], vector<16xf32>,
        %swap3A_380 = arith.constant 33 : i32
        %swap3A_381 = arith.index_cast %swap3A_380 : i32 to index
        %swap3A_382 = arith.index_cast %add3A_146 : i32 to index
        %swap3A_383 = tpu.vector_load %arg8[%swap3A_381, %swap3A_382] {strides = array<i32>} : memref<64x256xf32, #tpu.memory_space<vmem>>, vector<16xf32>,
        tpu.vector_store %arg8[%swap3A_381, %swap3A_382], %gather3A_379 {strides = array<i32>} : memref<64x256xf32, #tpu.memory_space<vmem>>, vector<16xf32>,
        %gather3A_384 = arith.constant 1088 : i32
        %gather3A_385 = tpu.memref_slice %arg5[%gather3A_384] : memref<2048xf32, #tpu.memory_space<vmem>> -> memref<32xf32, #tpu.memory_space<vmem>>
        %gather3A_386 = tpu.vector_load_idx %gather3A_385[%get3A_147] : memref<32xf32, #tpu.memory_space<vmem>>[vector<16xi32>], vector<16xf32>,
        %swap3A_387 = arith.constant 34 : i32
        %swap3A_388 = arith.index_cast %swap3A_387 : i32 to index
        %swap3A_389 = arith.index_cast %add3A_146 : i32 to index
        %swap3A_390 = tpu.vector_load %arg8[%swap3A_388, %swap3A_389] {strides = array<i32>} : memref<64x256xf32, #tpu.memory_space<vmem>>, vector<16xf32>,
        tpu.vector_store %arg8[%swap3A_388, %swap3A_389], %gather3A_386 {strides = array<i32>} : memref<64x256xf32, #tpu.memory_space<vmem>>, vector<16xf32>,
        %gather3A_391 = arith.constant 1120 : i32
        %gather3A_392 = tpu.memref_slice %arg5[%gather3A_391] : memref<2048xf32, #tpu.memory_space<vmem>> -> memref<32xf32, #tpu.memory_space<vmem>>
        %gather3A_393 = tpu.vector_load_idx %gather3A_392[%get3A_147] : memref<32xf32, #tpu.memory_space<vmem>>[vector<16xi32>], vector<16xf32>,
        %swap3A_394 = arith.constant 35 : i32
        %swap3A_395 = arith.index_cast %swap3A_394 : i32 to index
        %swap3A_396 = arith.index_cast %add3A_146 : i32 to index
        %swap3A_397 = tpu.vector_load %arg8[%swap3A_395, %swap3A_396] {strides = array<i32>} : memref<64x256xf32, #tpu.memory_space<vmem>>, vector<16xf32>,
        tpu.vector_store %arg8[%swap3A_395, %swap3A_396], %gather3A_393 {strides = array<i32>} : memref<64x256xf32, #tpu.memory_space<vmem>>, vector<16xf32>,
        %gather3A_398 = arith.constant 1152 : i32
        %gather3A_399 = tpu.memref_slice %arg5[%gather3A_398] : memref<2048xf32, #tpu.memory_space<vmem>> -> memref<32xf32, #tpu.memory_space<vmem>>
        %gather3A_400 = tpu.vector_load_idx %gather3A_399[%get3A_147] : memref<32xf32, #tpu.memory_space<vmem>>[vector<16xi32>], vector<16xf32>,
        %swap3A_401 = arith.constant 36 : i32
        %swap3A_402 = arith.index_cast %swap3A_401 : i32 to index
        %swap3A_403 = arith.index_cast %add3A_146 : i32 to index
        %swap3A_404 = tpu.vector_load %arg8[%swap3A_402, %swap3A_403] {strides = array<i32>} : memref<64x256xf32, #tpu.memory_space<vmem>>, vector<16xf32>,
        tpu.vector_store %arg8[%swap3A_402, %swap3A_403], %gather3A_400 {strides = array<i32>} : memref<64x256xf32, #tpu.memory_space<vmem>>, vector<16xf32>,
        %gather3A_405 = arith.constant 1184 : i32
        %gather3A_406 = tpu.memref_slice %arg5[%gather3A_405] : memref<2048xf32, #tpu.memory_space<vmem>> -> memref<32xf32, #tpu.memory_space<vmem>>
        %gather3A_407 = tpu.vector_load_idx %gather3A_406[%get3A_147] : memref<32xf32, #tpu.memory_space<vmem>>[vector<16xi32>], vector<16xf32>,
        %swap3A_408 = arith.constant 37 : i32
        %swap3A_409 = arith.index_cast %swap3A_408 : i32 to index
        %swap3A_410 = arith.index_cast %add3A_146 : i32 to index
        %swap3A_411 = tpu.vector_load %arg8[%swap3A_409, %swap3A_410] {strides = array<i32>} : memref<64x256xf32, #tpu.memory_space<vmem>>, vector<16xf32>,
        tpu.vector_store %arg8[%swap3A_409, %swap3A_410], %gather3A_407 {strides = array<i32>} : memref<64x256xf32, #tpu.memory_space<vmem>>, vector<16xf32>,
        %gather3A_412 = arith.constant 1216 : i32
        %gather3A_413 = tpu.memref_slice %arg5[%gather3A_412] : memref<2048xf32, #tpu.memory_space<vmem>> -> memref<32xf32, #tpu.memory_space<vmem>>
        %gather3A_414 = tpu.vector_load_idx %gather3A_413[%get3A_147] : memref<32xf32, #tpu.memory_space<vmem>>[vector<16xi32>], vector<16xf32>,
        %swap3A_415 = arith.constant 38 : i32
        %swap3A_416 = arith.index_cast %swap3A_415 : i32 to index
        %swap3A_417 = arith.index_cast %add3A_146 : i32 to index
        %swap3A_418 = tpu.vector_load %arg8[%swap3A_416, %swap3A_417] {strides = array<i32>} : memref<64x256xf32, #tpu.memory_space<vmem>>, vector<16xf32>,
        tpu.vector_store %arg8[%swap3A_416, %swap3A_417], %gather3A_414 {strides = array<i32>} : memref<64x256xf32, #tpu.memory_space<vmem>>, vector<16xf32>,
        %gather3A_419 = arith.constant 1248 : i32
        %gather3A_420 = tpu.memref_slice %arg5[%gather3A_419] : memref<2048xf32, #tpu.memory_space<vmem>> -> memref<32xf32, #tpu.memory_space<vmem>>
        %gather3A_421 = tpu.vector_load_idx %gather3A_420[%get3A_147] : memref<32xf32, #tpu.memory_space<vmem>>[vector<16xi32>], vector<16xf32>,
        %swap3A_422 = arith.constant 39 : i32
        %swap3A_423 = arith.index_cast %swap3A_422 : i32 to index
        %swap3A_424 = arith.index_cast %add3A_146 : i32 to index
        %swap3A_425 = tpu.vector_load %arg8[%swap3A_423, %swap3A_424] {strides = array<i32>} : memref<64x256xf32, #tpu.memory_space<vmem>>, vector<16xf32>,
        tpu.vector_store %arg8[%swap3A_423, %swap3A_424], %gather3A_421 {strides = array<i32>} : memref<64x256xf32, #tpu.memory_space<vmem>>, vector<16xf32>,
        %gather3A_426 = arith.constant 1280 : i32
        %gather3A_427 = tpu.memref_slice %arg5[%gather3A_426] : memref<2048xf32, #tpu.memory_space<vmem>> -> memref<32xf32, #tpu.memory_space<vmem>>
        %gather3A_428 = tpu.vector_load_idx %gather3A_427[%get3A_147] : memref<32xf32, #tpu.memory_space<vmem>>[vector<16xi32>], vector<16xf32>,
        %swap3A_429 = arith.constant 40 : i32
        %swap3A_430 = arith.index_cast %swap3A_429 : i32 to index
        %swap3A_431 = arith.index_cast %add3A_146 : i32 to index
        %swap3A_432 = tpu.vector_load %arg8[%swap3A_430, %swap3A_431] {strides = array<i32>} : memref<64x256xf32, #tpu.memory_space<vmem>>, vector<16xf32>,
        tpu.vector_store %arg8[%swap3A_430, %swap3A_431], %gather3A_428 {strides = array<i32>} : memref<64x256xf32, #tpu.memory_space<vmem>>, vector<16xf32>,
        %gather3A_433 = arith.constant 1312 : i32
        %gather3A_434 = tpu.memref_slice %arg5[%gather3A_433] : memref<2048xf32, #tpu.memory_space<vmem>> -> memref<32xf32, #tpu.memory_space<vmem>>
        %gather3A_435 = tpu.vector_load_idx %gather3A_434[%get3A_147] : memref<32xf32, #tpu.memory_space<vmem>>[vector<16xi32>], vector<16xf32>,
        %swap3A_436 = arith.constant 41 : i32
        %swap3A_437 = arith.index_cast %swap3A_436 : i32 to index
        %swap3A_438 = arith.index_cast %add3A_146 : i32 to index
        %swap3A_439 = tpu.vector_load %arg8[%swap3A_437, %swap3A_438] {strides = array<i32>} : memref<64x256xf32, #tpu.memory_space<vmem>>, vector<16xf32>,
        tpu.vector_store %arg8[%swap3A_437, %swap3A_438], %gather3A_435 {strides = array<i32>} : memref<64x256xf32, #tpu.memory_space<vmem>>, vector<16xf32>,
        %gather3A_440 = arith.constant 1344 : i32
        %gather3A_441 = tpu.memref_slice %arg5[%gather3A_440] : memref<2048xf32, #tpu.memory_space<vmem>> -> memref<32xf32, #tpu.memory_space<vmem>>
        %gather3A_442 = tpu.vector_load_idx %gather3A_441[%get3A_147] : memref<32xf32, #tpu.memory_space<vmem>>[vector<16xi32>], vector<16xf32>,
        %swap3A_443 = arith.constant 42 : i32
        %swap3A_444 = arith.index_cast %swap3A_443 : i32 to index
        %swap3A_445 = arith.index_cast %add3A_146 : i32 to index
        %swap3A_446 = tpu.vector_load %arg8[%swap3A_444, %swap3A_445] {strides = array<i32>} : memref<64x256xf32, #tpu.memory_space<vmem>>, vector<16xf32>,
        tpu.vector_store %arg8[%swap3A_444, %swap3A_445], %gather3A_442 {strides = array<i32>} : memref<64x256xf32, #tpu.memory_space<vmem>>, vector<16xf32>,
        %gather3A_447 = arith.constant 1376 : i32
        %gather3A_448 = tpu.memref_slice %arg5[%gather3A_447] : memref<2048xf32, #tpu.memory_space<vmem>> -> memref<32xf32, #tpu.memory_space<vmem>>
        %gather3A_449 = tpu.vector_load_idx %gather3A_448[%get3A_147] : memref<32xf32, #tpu.memory_space<vmem>>[vector<16xi32>], vector<16xf32>,
        %swap3A_450 = arith.constant 43 : i32
        %swap3A_451 = arith.index_cast %swap3A_450 : i32 to index
        %swap3A_452 = arith.index_cast %add3A_146 : i32 to index
        %swap3A_453 = tpu.vector_load %arg8[%swap3A_451, %swap3A_452] {strides = array<i32>} : memref<64x256xf32, #tpu.memory_space<vmem>>, vector<16xf32>,
        tpu.vector_store %arg8[%swap3A_451, %swap3A_452], %gather3A_449 {strides = array<i32>} : memref<64x256xf32, #tpu.memory_space<vmem>>, vector<16xf32>,
        %gather3A_454 = arith.constant 1408 : i32
        %gather3A_455 = tpu.memref_slice %arg5[%gather3A_454] : memref<2048xf32, #tpu.memory_space<vmem>> -> memref<32xf32, #tpu.memory_space<vmem>>
        %gather3A_456 = tpu.vector_load_idx %gather3A_455[%get3A_147] : memref<32xf32, #tpu.memory_space<vmem>>[vector<16xi32>], vector<16xf32>,
        %swap3A_457 = arith.constant 44 : i32
        %swap3A_458 = arith.index_cast %swap3A_457 : i32 to index
        %swap3A_459 = arith.index_cast %add3A_146 : i32 to index
        %swap3A_460 = tpu.vector_load %arg8[%swap3A_458, %swap3A_459] {strides = array<i32>} : memref<64x256xf32, #tpu.memory_space<vmem>>, vector<16xf32>,
        tpu.vector_store %arg8[%swap3A_458, %swap3A_459], %gather3A_456 {strides = array<i32>} : memref<64x256xf32, #tpu.memory_space<vmem>>, vector<16xf32>,
        %gather3A_461 = arith.constant 1440 : i32
        %gather3A_462 = tpu.memref_slice %arg5[%gather3A_461] : memref<2048xf32, #tpu.memory_space<vmem>> -> memref<32xf32, #tpu.memory_space<vmem>>
        %gather3A_463 = tpu.vector_load_idx %gather3A_462[%get3A_147] : memref<32xf32, #tpu.memory_space<vmem>>[vector<16xi32>], vector<16xf32>,
        %swap3A_464 = arith.constant 45 : i32
        %swap3A_465 = arith.index_cast %swap3A_464 : i32 to index
        %swap3A_466 = arith.index_cast %add3A_146 : i32 to index
        %swap3A_467 = tpu.vector_load %arg8[%swap3A_465, %swap3A_466] {strides = array<i32>} : memref<64x256xf32, #tpu.memory_space<vmem>>, vector<16xf32>,
        tpu.vector_store %arg8[%swap3A_465, %swap3A_466], %gather3A_463 {strides = array<i32>} : memref<64x256xf32, #tpu.memory_space<vmem>>, vector<16xf32>,
        %gather3A_468 = arith.constant 1472 : i32
        %gather3A_469 = tpu.memref_slice %arg5[%gather3A_468] : memref<2048xf32, #tpu.memory_space<vmem>> -> memref<32xf32, #tpu.memory_space<vmem>>
        %gather3A_470 = tpu.vector_load_idx %gather3A_469[%get3A_147] : memref<32xf32, #tpu.memory_space<vmem>>[vector<16xi32>], vector<16xf32>,
        %swap3A_471 = arith.constant 46 : i32
        %swap3A_472 = arith.index_cast %swap3A_471 : i32 to index
        %swap3A_473 = arith.index_cast %add3A_146 : i32 to index
        %swap3A_474 = tpu.vector_load %arg8[%swap3A_472, %swap3A_473] {strides = array<i32>} : memref<64x256xf32, #tpu.memory_space<vmem>>, vector<16xf32>,
        tpu.vector_store %arg8[%swap3A_472, %swap3A_473], %gather3A_470 {strides = array<i32>} : memref<64x256xf32, #tpu.memory_space<vmem>>, vector<16xf32>,
        %gather3A_475 = arith.constant 1504 : i32
        %gather3A_476 = tpu.memref_slice %arg5[%gather3A_475] : memref<2048xf32, #tpu.memory_space<vmem>> -> memref<32xf32, #tpu.memory_space<vmem>>
        %gather3A_477 = tpu.vector_load_idx %gather3A_476[%get3A_147] : memref<32xf32, #tpu.memory_space<vmem>>[vector<16xi32>], vector<16xf32>,
        %swap3A_478 = arith.constant 47 : i32
        %swap3A_479 = arith.index_cast %swap3A_478 : i32 to index
        %swap3A_480 = arith.index_cast %add3A_146 : i32 to index
        %swap3A_481 = tpu.vector_load %arg8[%swap3A_479, %swap3A_480] {strides = array<i32>} : memref<64x256xf32, #tpu.memory_space<vmem>>, vector<16xf32>,
        tpu.vector_store %arg8[%swap3A_479, %swap3A_480], %gather3A_477 {strides = array<i32>} : memref<64x256xf32, #tpu.memory_space<vmem>>, vector<16xf32>,
        %gather3A_482 = arith.constant 1536 : i32
        %gather3A_483 = tpu.memref_slice %arg5[%gather3A_482] : memref<2048xf32, #tpu.memory_space<vmem>> -> memref<32xf32, #tpu.memory_space<vmem>>
        %gather3A_484 = tpu.vector_load_idx %gather3A_483[%get3A_147] : memref<32xf32, #tpu.memory_space<vmem>>[vector<16xi32>], vector<16xf32>,
        %swap3A_485 = arith.constant 48 : i32
        %swap3A_486 = arith.index_cast %swap3A_485 : i32 to index
        %swap3A_487 = arith.index_cast %add3A_146 : i32 to index
        %swap3A_488 = tpu.vector_load %arg8[%swap3A_486, %swap3A_487] {strides = array<i32>} : memref<64x256xf32, #tpu.memory_space<vmem>>, vector<16xf32>,
        tpu.vector_store %arg8[%swap3A_486, %swap3A_487], %gather3A_484 {strides = array<i32>} : memref<64x256xf32, #tpu.memory_space<vmem>>, vector<16xf32>,
        %gather3A_489 = arith.constant 1568 : i32
        %gather3A_490 = tpu.memref_slice %arg5[%gather3A_489] : memref<2048xf32, #tpu.memory_space<vmem>> -> memref<32xf32, #tpu.memory_space<vmem>>
        %gather3A_491 = tpu.vector_load_idx %gather3A_490[%get3A_147] : memref<32xf32, #tpu.memory_space<vmem>>[vector<16xi32>], vector<16xf32>,
        %swap3A_492 = arith.constant 49 : i32
        %swap3A_493 = arith.index_cast %swap3A_492 : i32 to index
        %swap3A_494 = arith.index_cast %add3A_146 : i32 to index
        %swap3A_495 = tpu.vector_load %arg8[%swap3A_493, %swap3A_494] {strides = array<i32>} : memref<64x256xf32, #tpu.memory_space<vmem>>, vector<16xf32>,
        tpu.vector_store %arg8[%swap3A_493, %swap3A_494], %gather3A_491 {strides = array<i32>} : memref<64x256xf32, #tpu.memory_space<vmem>>, vector<16xf32>,
        %gather3A_496 = arith.constant 1600 : i32
        %gather3A_497 = tpu.memref_slice %arg5[%gather3A_496] : memref<2048xf32, #tpu.memory_space<vmem>> -> memref<32xf32, #tpu.memory_space<vmem>>
        %gather3A_498 = tpu.vector_load_idx %gather3A_497[%get3A_147] : memref<32xf32, #tpu.memory_space<vmem>>[vector<16xi32>], vector<16xf32>,
        %swap3A_499 = arith.constant 50 : i32
        %swap3A_500 = arith.index_cast %swap3A_499 : i32 to index
        %swap3A_501 = arith.index_cast %add3A_146 : i32 to index
        %swap3A_502 = tpu.vector_load %arg8[%swap3A_500, %swap3A_501] {strides = array<i32>} : memref<64x256xf32, #tpu.memory_space<vmem>>, vector<16xf32>,
        tpu.vector_store %arg8[%swap3A_500, %swap3A_501], %gather3A_498 {strides = array<i32>} : memref<64x256xf32, #tpu.memory_space<vmem>>, vector<16xf32>,
        %gather3A_503 = arith.constant 1632 : i32
        %gather3A_504 = tpu.memref_slice %arg5[%gather3A_503] : memref<2048xf32, #tpu.memory_space<vmem>> -> memref<32xf32, #tpu.memory_space<vmem>>
        %gather3A_505 = tpu.vector_load_idx %gather3A_504[%get3A_147] : memref<32xf32, #tpu.memory_space<vmem>>[vector<16xi32>], vector<16xf32>,
        %swap3A_506 = arith.constant 51 : i32
        %swap3A_507 = arith.index_cast %swap3A_506 : i32 to index
        %swap3A_508 = arith.index_cast %add3A_146 : i32 to index
        %swap3A_509 = tpu.vector_load %arg8[%swap3A_507, %swap3A_508] {strides = array<i32>} : memref<64x256xf32, #tpu.memory_space<vmem>>, vector<16xf32>,
        tpu.vector_store %arg8[%swap3A_507, %swap3A_508], %gather3A_505 {strides = array<i32>} : memref<64x256xf32, #tpu.memory_space<vmem>>, vector<16xf32>,
        %gather3A_510 = arith.constant 1664 : i32
        %gather3A_511 = tpu.memref_slice %arg5[%gather3A_510] : memref<2048xf32, #tpu.memory_space<vmem>> -> memref<32xf32, #tpu.memory_space<vmem>>
        %gather3A_512 = tpu.vector_load_idx %gather3A_511[%get3A_147] : memref<32xf32, #tpu.memory_space<vmem>>[vector<16xi32>], vector<16xf32>,
        %swap3A_513 = arith.constant 52 : i32
        %swap3A_514 = arith.index_cast %swap3A_513 : i32 to index
        %swap3A_515 = arith.index_cast %add3A_146 : i32 to index
        %swap3A_516 = tpu.vector_load %arg8[%swap3A_514, %swap3A_515] {strides = array<i32>} : memref<64x256xf32, #tpu.memory_space<vmem>>, vector<16xf32>,
        tpu.vector_store %arg8[%swap3A_514, %swap3A_515], %gather3A_512 {strides = array<i32>} : memref<64x256xf32, #tpu.memory_space<vmem>>, vector<16xf32>,
        %gather3A_517 = arith.constant 1696 : i32
        %gather3A_518 = tpu.memref_slice %arg5[%gather3A_517] : memref<2048xf32, #tpu.memory_space<vmem>> -> memref<32xf32, #tpu.memory_space<vmem>>
        %gather3A_519 = tpu.vector_load_idx %gather3A_518[%get3A_147] : memref<32xf32, #tpu.memory_space<vmem>>[vector<16xi32>], vector<16xf32>,
        %swap3A_520 = arith.constant 53 : i32
        %swap3A_521 = arith.index_cast %swap3A_520 : i32 to index
        %swap3A_522 = arith.index_cast %add3A_146 : i32 to index
        %swap3A_523 = tpu.vector_load %arg8[%swap3A_521, %swap3A_522] {strides = array<i32>} : memref<64x256xf32, #tpu.memory_space<vmem>>, vector<16xf32>,
        tpu.vector_store %arg8[%swap3A_521, %swap3A_522], %gather3A_519 {strides = array<i32>} : memref<64x256xf32, #tpu.memory_space<vmem>>, vector<16xf32>,
        %gather3A_524 = arith.constant 1728 : i32
        %gather3A_525 = tpu.memref_slice %arg5[%gather3A_524] : memref<2048xf32, #tpu.memory_space<vmem>> -> memref<32xf32, #tpu.memory_space<vmem>>
        %gather3A_526 = tpu.vector_load_idx %gather3A_525[%get3A_147] : memref<32xf32, #tpu.memory_space<vmem>>[vector<16xi32>], vector<16xf32>,
        %swap3A_527 = arith.constant 54 : i32
        %swap3A_528 = arith.index_cast %swap3A_527 : i32 to index
        %swap3A_529 = arith.index_cast %add3A_146 : i32 to index
        %swap3A_530 = tpu.vector_load %arg8[%swap3A_528, %swap3A_529] {strides = array<i32>} : memref<64x256xf32, #tpu.memory_space<vmem>>, vector<16xf32>,
        tpu.vector_store %arg8[%swap3A_528, %swap3A_529], %gather3A_526 {strides = array<i32>} : memref<64x256xf32, #tpu.memory_space<vmem>>, vector<16xf32>,
        %gather3A_531 = arith.constant 1760 : i32
        %gather3A_532 = tpu.memref_slice %arg5[%gather3A_531] : memref<2048xf32, #tpu.memory_space<vmem>> -> memref<32xf32, #tpu.memory_space<vmem>>
        %gather3A_533 = tpu.vector_load_idx %gather3A_532[%get3A_147] : memref<32xf32, #tpu.memory_space<vmem>>[vector<16xi32>], vector<16xf32>,
        %swap3A_534 = arith.constant 55 : i32
        %swap3A_535 = arith.index_cast %swap3A_534 : i32 to index
        %swap3A_536 = arith.index_cast %add3A_146 : i32 to index
        %swap3A_537 = tpu.vector_load %arg8[%swap3A_535, %swap3A_536] {strides = array<i32>} : memref<64x256xf32, #tpu.memory_space<vmem>>, vector<16xf32>,
        tpu.vector_store %arg8[%swap3A_535, %swap3A_536], %gather3A_533 {strides = array<i32>} : memref<64x256xf32, #tpu.memory_space<vmem>>, vector<16xf32>,
        %gather3A_538 = arith.constant 1792 : i32
        %gather3A_539 = tpu.memref_slice %arg5[%gather3A_538] : memref<2048xf32, #tpu.memory_space<vmem>> -> memref<32xf32, #tpu.memory_space<vmem>>
        %gather3A_540 = tpu.vector_load_idx %gather3A_539[%get3A_147] : memref<32xf32, #tpu.memory_space<vmem>>[vector<16xi32>], vector<16xf32>,
        %swap3A_541 = arith.constant 56 : i32
        %swap3A_542 = arith.index_cast %swap3A_541 : i32 to index
        %swap3A_543 = arith.index_cast %add3A_146 : i32 to index
        %swap3A_544 = tpu.vector_load %arg8[%swap3A_542, %swap3A_543] {strides = array<i32>} : memref<64x256xf32, #tpu.memory_space<vmem>>, vector<16xf32>,
        tpu.vector_store %arg8[%swap3A_542, %swap3A_543], %gather3A_540 {strides = array<i32>} : memref<64x256xf32, #tpu.memory_space<vmem>>, vector<16xf32>,
        %gather3A_545 = arith.constant 1824 : i32
        %gather3A_546 = tpu.memref_slice %arg5[%gather3A_545] : memref<2048xf32, #tpu.memory_space<vmem>> -> memref<32xf32, #tpu.memory_space<vmem>>
        %gather3A_547 = tpu.vector_load_idx %gather3A_546[%get3A_147] : memref<32xf32, #tpu.memory_space<vmem>>[vector<16xi32>], vector<16xf32>,
        %swap3A_548 = arith.constant 57 : i32
        %swap3A_549 = arith.index_cast %swap3A_548 : i32 to index
        %swap3A_550 = arith.index_cast %add3A_146 : i32 to index
        %swap3A_551 = tpu.vector_load %arg8[%swap3A_549, %swap3A_550] {strides = array<i32>} : memref<64x256xf32, #tpu.memory_space<vmem>>, vector<16xf32>,
        tpu.vector_store %arg8[%swap3A_549, %swap3A_550], %gather3A_547 {strides = array<i32>} : memref<64x256xf32, #tpu.memory_space<vmem>>, vector<16xf32>,
        %gather3A_552 = arith.constant 1856 : i32
        %gather3A_553 = tpu.memref_slice %arg5[%gather3A_552] : memref<2048xf32, #tpu.memory_space<vmem>> -> memref<32xf32, #tpu.memory_space<vmem>>
        %gather3A_554 = tpu.vector_load_idx %gather3A_553[%get3A_147] : memref<32xf32, #tpu.memory_space<vmem>>[vector<16xi32>], vector<16xf32>,
        %swap3A_555 = arith.constant 58 : i32
        %swap3A_556 = arith.index_cast %swap3A_555 : i32 to index
        %swap3A_557 = arith.index_cast %add3A_146 : i32 to index
        %swap3A_558 = tpu.vector_load %arg8[%swap3A_556, %swap3A_557] {strides = array<i32>} : memref<64x256xf32, #tpu.memory_space<vmem>>, vector<16xf32>,
        tpu.vector_store %arg8[%swap3A_556, %swap3A_557], %gather3A_554 {strides = array<i32>} : memref<64x256xf32, #tpu.memory_space<vmem>>, vector<16xf32>,
        %gather3A_559 = arith.constant 1888 : i32
        %gather3A_560 = tpu.memref_slice %arg5[%gather3A_559] : memref<2048xf32, #tpu.memory_space<vmem>> -> memref<32xf32, #tpu.memory_space<vmem>>
        %gather3A_561 = tpu.vector_load_idx %gather3A_560[%get3A_147] : memref<32xf32, #tpu.memory_space<vmem>>[vector<16xi32>], vector<16xf32>,
        %swap3A_562 = arith.constant 59 : i32
        %swap3A_563 = arith.index_cast %swap3A_562 : i32 to index
        %swap3A_564 = arith.index_cast %add3A_146 : i32 to index
        %swap3A_565 = tpu.vector_load %arg8[%swap3A_563, %swap3A_564] {strides = array<i32>} : memref<64x256xf32, #tpu.memory_space<vmem>>, vector<16xf32>,
        tpu.vector_store %arg8[%swap3A_563, %swap3A_564], %gather3A_561 {strides = array<i32>} : memref<64x256xf32, #tpu.memory_space<vmem>>, vector<16xf32>,
        %gather3A_566 = arith.constant 1920 : i32
        %gather3A_567 = tpu.memref_slice %arg5[%gather3A_566] : memref<2048xf32, #tpu.memory_space<vmem>> -> memref<32xf32, #tpu.memory_space<vmem>>
        %gather3A_568 = tpu.vector_load_idx %gather3A_567[%get3A_147] : memref<32xf32, #tpu.memory_space<vmem>>[vector<16xi32>], vector<16xf32>,
        %swap3A_569 = arith.constant 60 : i32
        %swap3A_570 = arith.index_cast %swap3A_569 : i32 to index
        %swap3A_571 = arith.index_cast %add3A_146 : i32 to index
        %swap3A_572 = tpu.vector_load %arg8[%swap3A_570, %swap3A_571] {strides = array<i32>} : memref<64x256xf32, #tpu.memory_space<vmem>>, vector<16xf32>,
        tpu.vector_store %arg8[%swap3A_570, %swap3A_571], %gather3A_568 {strides = array<i32>} : memref<64x256xf32, #tpu.memory_space<vmem>>, vector<16xf32>,
        %gather3A_573 = arith.constant 1952 : i32
        %gather3A_574 = tpu.memref_slice %arg5[%gather3A_573] : memref<2048xf32, #tpu.memory_space<vmem>> -> memref<32xf32, #tpu.memory_space<vmem>>
        %gather3A_575 = tpu.vector_load_idx %gather3A_574[%get3A_147] : memref<32xf32, #tpu.memory_space<vmem>>[vector<16xi32>], vector<16xf32>,
        %swap3A_576 = arith.constant 61 : i32
        %swap3A_577 = arith.index_cast %swap3A_576 : i32 to index
        %swap3A_578 = arith.index_cast %add3A_146 : i32 to index
        %swap3A_579 = tpu.vector_load %arg8[%swap3A_577, %swap3A_578] {strides = array<i32>} : memref<64x256xf32, #tpu.memory_space<vmem>>, vector<16xf32>,
        tpu.vector_store %arg8[%swap3A_577, %swap3A_578], %gather3A_575 {strides = array<i32>} : memref<64x256xf32, #tpu.memory_space<vmem>>, vector<16xf32>,
        %gather3A_580 = arith.constant 1984 : i32
        %gather3A_581 = tpu.memref_slice %arg5[%gather3A_580] : memref<2048xf32, #tpu.memory_space<vmem>> -> memref<32xf32, #tpu.memory_space<vmem>>
        %gather3A_582 = tpu.vector_load_idx %gather3A_581[%get3A_147] : memref<32xf32, #tpu.memory_space<vmem>>[vector<16xi32>], vector<16xf32>,
        %swap3A_583 = arith.constant 62 : i32
        %swap3A_584 = arith.index_cast %swap3A_583 : i32 to index
        %swap3A_585 = arith.index_cast %add3A_146 : i32 to index
        %swap3A_586 = tpu.vector_load %arg8[%swap3A_584, %swap3A_585] {strides = array<i32>} : memref<64x256xf32, #tpu.memory_space<vmem>>, vector<16xf32>,
        tpu.vector_store %arg8[%swap3A_584, %swap3A_585], %gather3A_582 {strides = array<i32>} : memref<64x256xf32, #tpu.memory_space<vmem>>, vector<16xf32>,
        %gather3A_587 = arith.constant 2016 : i32
        %gather3A_588 = tpu.memref_slice %arg5[%gather3A_587] : memref<2048xf32, #tpu.memory_space<vmem>> -> memref<32xf32, #tpu.memory_space<vmem>>
        %gather3A_589 = tpu.vector_load_idx %gather3A_588[%get3A_147] : memref<32xf32, #tpu.memory_space<vmem>>[vector<16xi32>], vector<16xf32>,
        %swap3A_590 = arith.constant 63 : i32
        %swap3A_591 = arith.index_cast %swap3A_590 : i32 to index
        %swap3A_592 = arith.index_cast %add3A_146 : i32 to index
        %swap3A_593 = tpu.vector_load %arg8[%swap3A_591, %swap3A_592] {strides = array<i32>} : memref<64x256xf32, #tpu.memory_space<vmem>>, vector<16xf32>,
        tpu.vector_store %arg8[%swap3A_591, %swap3A_592], %gather3A_589 {strides = array<i32>} : memref<64x256xf32, #tpu.memory_space<vmem>>, vector<16xf32>,
      }
      %scan3A_95 = arith.constant 16 : i32
      %dma_start3A_96 = arith.constant 0 : i32
      %dma_start3A_97 = tpu.memref_slice %arg4[%dma_start3A_96, %mul3A_83] : memref<64x100000xf32, #tpu.memory_space<hbm>> -> memref<64x256xf32, #tpu.memory_space<hbm>>
      %dma_start3A_98 = arith.constant 0 : i32
      %dma_start3A_99 = tpu.memref_slice %arg4[%dma_start3A_98, %mul3A_83] : memref<64x100000xf32, #tpu.memory_space<hbm>> -> memref<64x256xf32, #tpu.memory_space<hbm>>
      tpu.enqueue_dma source(%arg8 : memref<64x256xf32, #tpu.memory_space<vmem>>) target(%dma_start3A_99 : memref<64x256xf32, #tpu.memory_space<hbm>>) target_semaphore(%arg12 : memref<!tpu.dma_semaphore, #tpu.memory_space<semaphore_mem>>)
      %add3A_100 = arith.constant 2 : i32
      %add3A_101 = arith.addi %add3A_73, %add3A_100 : i32
      %lt3A_102 = arith.constant 13 : i32
      %lt3A_103 = arith.cmpi slt, %add3A_101, %lt3A_102 : i32
      %convert_element_type3A_104 = arith.extui %lt3A_103 : i1 to i32
      %cond3A_105 = arith.constant 0 : i32
      %cond3A_106 = arith.cmpi ne, %convert_element_type3A_104, %cond3A_105 : i32
      scf.if %cond3A_106 {
        %add3A_142 = arith.constant 2 : i32
        %add3A_143 = arith.addi %add3A_73, %add3A_142 : i32
        %mul3A_144 = arith.constant 32 : i32
        %mul3A_145 = arith.muli %add3A_143, %mul3A_144 : i32
        %add3A_146 = arith.addi %add3A, %mul3A_145 : i32
        %lt3A_147 = arith.constant 390 : i32
        %lt3A_148 = arith.cmpi slt, %add3A_146, %lt3A_147 : i32
        %select_n3A_149 = arith.select %lt3A_148, %add3A_146, %add3A : i32
        %mul3A_150 = arith.constant 256 : i32
        %mul3A_151 = arith.muli %select_n3A_149, %mul3A_150 : i32
        %dma_start3A_152 = tpu.memref_slice %arg3[%mul3A_151] : memref<100000xi32, #tpu.memory_space<hbm>> -> memref<256xi32, #tpu.memory_space<hbm>>
        %dma_start3A_153 = tpu.memref_slice %arg3[%mul3A_151] : memref<100000xi32, #tpu.memory_space<hbm>> -> memref<256xi32, #tpu.memory_space<hbm>>
        tpu.enqueue_dma source(%dma_start3A_153 : memref<256xi32, #tpu.memory_space<hbm>>) target(%arg6 : memref<256xi32, #tpu.memory_space<vmem>>) target_semaphore(%arg14 : memref<!tpu.dma_semaphore, #tpu.memory_space<semaphore_mem>>)
      } else {
      }
      %add3A_107 = arith.constant 1 : i32
      %add3A_108 = arith.addi %add3A_73, %add3A_107 : i32
      %gt3A_109 = arith.constant 0 : i32
      %gt3A_110 = arith.cmpi sgt, %add3A_73, %gt3A_109 : i32
      %mul3A_111 = arith.constant 32 : i32
      %mul3A_112 = arith.muli %add3A_108, %mul3A_111 : i32
      %add3A_113 = arith.addi %add3A, %mul3A_112 : i32
      %lt3A_114 = arith.constant 390 : i32
      %lt3A_115 = arith.cmpi slt, %add3A_113, %lt3A_114 : i32
      %select_n3A_116 = arith.select %lt3A_115, %add3A_113, %add3A : i32
      %mul3A_117 = arith.constant 256 : i32
      %mul3A_118 = arith.muli %select_n3A_116, %mul3A_117 : i32
      %dma_wait3A_119 = arith.constant 0 : i32
      %dma_wait3A_120 = tpu.memref_slice %arg3[%dma_wait3A_119] : memref<100000xi32, #tpu.memory_space<hbm>> -> memref<256xi32, #tpu.memory_space<hbm>>
      %dma_wait3A_121 = arith.constant 0 : i32
      %dma_wait3A_122 = tpu.memref_slice %arg3[%dma_wait3A_121] : memref<100000xi32, #tpu.memory_space<hbm>> -> memref<256xi32, #tpu.memory_space<hbm>>
      tpu.wait_dma2 semaphore(%arg15 : memref<!tpu.dma_semaphore, #tpu.memory_space<semaphore_mem>>) src(%dma_wait3A_122 : memref<256xi32, #tpu.memory_space<hbm>>) dst(%arg7 : memref<256xi32, #tpu.memory_space<vmem>>)
      %convert_element_type3A_123 = arith.extui %gt3A_110 : i1 to i32
      %cond3A_124 = arith.constant 0 : i32
      %cond3A_125 = arith.cmpi ne, %convert_element_type3A_123, %cond3A_124 : i32
      scf.if %cond3A_125 {
        %dma_wait3A_142 = arith.constant 0 : i32
        %dma_wait3A_143 = arith.constant 0 : i32
        %dma_wait3A_144 = tpu.memref_slice %arg4[%dma_wait3A_142, %dma_wait3A_143] : memref<64x100000xf32, #tpu.memory_space<hbm>> -> memref<64x256xf32, #tpu.memory_space<hbm>>
        %dma_wait3A_145 = arith.constant 0 : i32
        %dma_wait3A_146 = arith.constant 0 : i32
        %dma_wait3A_147 = tpu.memref_slice %arg4[%dma_wait3A_145, %dma_wait3A_146] : memref<64x100000xf32, #tpu.memory_space<hbm>> -> memref<64x256xf32, #tpu.memory_space<hbm>>
        tpu.wait_dma2 semaphore(%arg13 : memref<!tpu.dma_semaphore, #tpu.memory_space<semaphore_mem>>) src(%arg9 : memref<64x256xf32, #tpu.memory_space<vmem>>) dst(%dma_wait3A_147 : memref<64x256xf32, #tpu.memory_space<hbm>>)
      } else {
      }
      %scan3A_126 = arith.constant 0 : i32
      %scan3A_127 = arith.constant 16 : i32
      %scan3A_128 = arith.addi %scan3A_126, %scan3A_127 : i32
      %scan3A_129 = arith.constant 1 : i32
      scf.for %scan3A_142 = %scan3A_126 to %scan3A_128 step %scan3A_129  : i32 {
        %mul3A_143 = arith.constant 16 : i32
        %mul3A_144 = arith.muli %scan3A_142, %mul3A_143 : i32
        %add3A_145 = arith.constant 0 : i32
        %add3A_146 = arith.addi %add3A_145, %mul3A_144 : i32
        %get3A = arith.index_cast %add3A_146 : i32 to index
        %get3A_147 = tpu.vector_load %arg7[%get3A] {strides = array<i32>} : memref<256xi32, #tpu.memory_space<vmem>>, vector<16xi32>,
        %gather3A = arith.constant 0 : i32
        %gather3A_148 = tpu.memref_slice %arg5[%gather3A] : memref<2048xf32, #tpu.memory_space<vmem>> -> memref<32xf32, #tpu.memory_space<vmem>>
        %gather3A_149 = tpu.vector_load_idx %gather3A_148[%get3A_147] : memref<32xf32, #tpu.memory_space<vmem>>[vector<16xi32>], vector<16xf32>,
        %swap3A = arith.constant 0 : i32
        %swap3A_150 = arith.index_cast %swap3A : i32 to index
        %swap3A_151 = arith.index_cast %add3A_146 : i32 to index
        %swap3A_152 = tpu.vector_load %arg9[%swap3A_150, %swap3A_151] {strides = array<i32>} : memref<64x256xf32, #tpu.memory_space<vmem>>, vector<16xf32>,
        tpu.vector_store %arg9[%swap3A_150, %swap3A_151], %gather3A_149 {strides = array<i32>} : memref<64x256xf32, #tpu.memory_space<vmem>>, vector<16xf32>,
        %gather3A_153 = arith.constant 32 : i32
        %gather3A_154 = tpu.memref_slice %arg5[%gather3A_153] : memref<2048xf32, #tpu.memory_space<vmem>> -> memref<32xf32, #tpu.memory_space<vmem>>
        %gather3A_155 = tpu.vector_load_idx %gather3A_154[%get3A_147] : memref<32xf32, #tpu.memory_space<vmem>>[vector<16xi32>], vector<16xf32>,
        %swap3A_156 = arith.constant 1 : i32
        %swap3A_157 = arith.index_cast %swap3A_156 : i32 to index
        %swap3A_158 = arith.index_cast %add3A_146 : i32 to index
        %swap3A_159 = tpu.vector_load %arg9[%swap3A_157, %swap3A_158] {strides = array<i32>} : memref<64x256xf32, #tpu.memory_space<vmem>>, vector<16xf32>,
        tpu.vector_store %arg9[%swap3A_157, %swap3A_158], %gather3A_155 {strides = array<i32>} : memref<64x256xf32, #tpu.memory_space<vmem>>, vector<16xf32>,
        %gather3A_160 = arith.constant 64 : i32
        %gather3A_161 = tpu.memref_slice %arg5[%gather3A_160] : memref<2048xf32, #tpu.memory_space<vmem>> -> memref<32xf32, #tpu.memory_space<vmem>>
        %gather3A_162 = tpu.vector_load_idx %gather3A_161[%get3A_147] : memref<32xf32, #tpu.memory_space<vmem>>[vector<16xi32>], vector<16xf32>,
        %swap3A_163 = arith.constant 2 : i32
        %swap3A_164 = arith.index_cast %swap3A_163 : i32 to index
        %swap3A_165 = arith.index_cast %add3A_146 : i32 to index
        %swap3A_166 = tpu.vector_load %arg9[%swap3A_164, %swap3A_165] {strides = array<i32>} : memref<64x256xf32, #tpu.memory_space<vmem>>, vector<16xf32>,
        tpu.vector_store %arg9[%swap3A_164, %swap3A_165], %gather3A_162 {strides = array<i32>} : memref<64x256xf32, #tpu.memory_space<vmem>>, vector<16xf32>,
        %gather3A_167 = arith.constant 96 : i32
        %gather3A_168 = tpu.memref_slice %arg5[%gather3A_167] : memref<2048xf32, #tpu.memory_space<vmem>> -> memref<32xf32, #tpu.memory_space<vmem>>
        %gather3A_169 = tpu.vector_load_idx %gather3A_168[%get3A_147] : memref<32xf32, #tpu.memory_space<vmem>>[vector<16xi32>], vector<16xf32>,
        %swap3A_170 = arith.constant 3 : i32
        %swap3A_171 = arith.index_cast %swap3A_170 : i32 to index
        %swap3A_172 = arith.index_cast %add3A_146 : i32 to index
        %swap3A_173 = tpu.vector_load %arg9[%swap3A_171, %swap3A_172] {strides = array<i32>} : memref<64x256xf32, #tpu.memory_space<vmem>>, vector<16xf32>,
        tpu.vector_store %arg9[%swap3A_171, %swap3A_172], %gather3A_169 {strides = array<i32>} : memref<64x256xf32, #tpu.memory_space<vmem>>, vector<16xf32>,
        %gather3A_174 = arith.constant 128 : i32
        %gather3A_175 = tpu.memref_slice %arg5[%gather3A_174] : memref<2048xf32, #tpu.memory_space<vmem>> -> memref<32xf32, #tpu.memory_space<vmem>>
        %gather3A_176 = tpu.vector_load_idx %gather3A_175[%get3A_147] : memref<32xf32, #tpu.memory_space<vmem>>[vector<16xi32>], vector<16xf32>,
        %swap3A_177 = arith.constant 4 : i32
        %swap3A_178 = arith.index_cast %swap3A_177 : i32 to index
        %swap3A_179 = arith.index_cast %add3A_146 : i32 to index
        %swap3A_180 = tpu.vector_load %arg9[%swap3A_178, %swap3A_179] {strides = array<i32>} : memref<64x256xf32, #tpu.memory_space<vmem>>, vector<16xf32>,
        tpu.vector_store %arg9[%swap3A_178, %swap3A_179], %gather3A_176 {strides = array<i32>} : memref<64x256xf32, #tpu.memory_space<vmem>>, vector<16xf32>,
        %gather3A_181 = arith.constant 160 : i32
        %gather3A_182 = tpu.memref_slice %arg5[%gather3A_181] : memref<2048xf32, #tpu.memory_space<vmem>> -> memref<32xf32, #tpu.memory_space<vmem>>
        %gather3A_183 = tpu.vector_load_idx %gather3A_182[%get3A_147] : memref<32xf32, #tpu.memory_space<vmem>>[vector<16xi32>], vector<16xf32>,
        %swap3A_184 = arith.constant 5 : i32
        %swap3A_185 = arith.index_cast %swap3A_184 : i32 to index
        %swap3A_186 = arith.index_cast %add3A_146 : i32 to index
        %swap3A_187 = tpu.vector_load %arg9[%swap3A_185, %swap3A_186] {strides = array<i32>} : memref<64x256xf32, #tpu.memory_space<vmem>>, vector<16xf32>,
        tpu.vector_store %arg9[%swap3A_185, %swap3A_186], %gather3A_183 {strides = array<i32>} : memref<64x256xf32, #tpu.memory_space<vmem>>, vector<16xf32>,
        %gather3A_188 = arith.constant 192 : i32
        %gather3A_189 = tpu.memref_slice %arg5[%gather3A_188] : memref<2048xf32, #tpu.memory_space<vmem>> -> memref<32xf32, #tpu.memory_space<vmem>>
        %gather3A_190 = tpu.vector_load_idx %gather3A_189[%get3A_147] : memref<32xf32, #tpu.memory_space<vmem>>[vector<16xi32>], vector<16xf32>,
        %swap3A_191 = arith.constant 6 : i32
        %swap3A_192 = arith.index_cast %swap3A_191 : i32 to index
        %swap3A_193 = arith.index_cast %add3A_146 : i32 to index
        %swap3A_194 = tpu.vector_load %arg9[%swap3A_192, %swap3A_193] {strides = array<i32>} : memref<64x256xf32, #tpu.memory_space<vmem>>, vector<16xf32>,
        tpu.vector_store %arg9[%swap3A_192, %swap3A_193], %gather3A_190 {strides = array<i32>} : memref<64x256xf32, #tpu.memory_space<vmem>>, vector<16xf32>,
        %gather3A_195 = arith.constant 224 : i32
        %gather3A_196 = tpu.memref_slice %arg5[%gather3A_195] : memref<2048xf32, #tpu.memory_space<vmem>> -> memref<32xf32, #tpu.memory_space<vmem>>
        %gather3A_197 = tpu.vector_load_idx %gather3A_196[%get3A_147] : memref<32xf32, #tpu.memory_space<vmem>>[vector<16xi32>], vector<16xf32>,
        %swap3A_198 = arith.constant 7 : i32
        %swap3A_199 = arith.index_cast %swap3A_198 : i32 to index
        %swap3A_200 = arith.index_cast %add3A_146 : i32 to index
        %swap3A_201 = tpu.vector_load %arg9[%swap3A_199, %swap3A_200] {strides = array<i32>} : memref<64x256xf32, #tpu.memory_space<vmem>>, vector<16xf32>,
        tpu.vector_store %arg9[%swap3A_199, %swap3A_200], %gather3A_197 {strides = array<i32>} : memref<64x256xf32, #tpu.memory_space<vmem>>, vector<16xf32>,
        %gather3A_202 = arith.constant 256 : i32
        %gather3A_203 = tpu.memref_slice %arg5[%gather3A_202] : memref<2048xf32, #tpu.memory_space<vmem>> -> memref<32xf32, #tpu.memory_space<vmem>>
        %gather3A_204 = tpu.vector_load_idx %gather3A_203[%get3A_147] : memref<32xf32, #tpu.memory_space<vmem>>[vector<16xi32>], vector<16xf32>,
        %swap3A_205 = arith.constant 8 : i32
        %swap3A_206 = arith.index_cast %swap3A_205 : i32 to index
        %swap3A_207 = arith.index_cast %add3A_146 : i32 to index
        %swap3A_208 = tpu.vector_load %arg9[%swap3A_206, %swap3A_207] {strides = array<i32>} : memref<64x256xf32, #tpu.memory_space<vmem>>, vector<16xf32>,
        tpu.vector_store %arg9[%swap3A_206, %swap3A_207], %gather3A_204 {strides = array<i32>} : memref<64x256xf32, #tpu.memory_space<vmem>>, vector<16xf32>,
        %gather3A_209 = arith.constant 288 : i32
        %gather3A_210 = tpu.memref_slice %arg5[%gather3A_209] : memref<2048xf32, #tpu.memory_space<vmem>> -> memref<32xf32, #tpu.memory_space<vmem>>
        %gather3A_211 = tpu.vector_load_idx %gather3A_210[%get3A_147] : memref<32xf32, #tpu.memory_space<vmem>>[vector<16xi32>], vector<16xf32>,
        %swap3A_212 = arith.constant 9 : i32
        %swap3A_213 = arith.index_cast %swap3A_212 : i32 to index
        %swap3A_214 = arith.index_cast %add3A_146 : i32 to index
        %swap3A_215 = tpu.vector_load %arg9[%swap3A_213, %swap3A_214] {strides = array<i32>} : memref<64x256xf32, #tpu.memory_space<vmem>>, vector<16xf32>,
        tpu.vector_store %arg9[%swap3A_213, %swap3A_214], %gather3A_211 {strides = array<i32>} : memref<64x256xf32, #tpu.memory_space<vmem>>, vector<16xf32>,
        %gather3A_216 = arith.constant 320 : i32
        %gather3A_217 = tpu.memref_slice %arg5[%gather3A_216] : memref<2048xf32, #tpu.memory_space<vmem>> -> memref<32xf32, #tpu.memory_space<vmem>>
        %gather3A_218 = tpu.vector_load_idx %gather3A_217[%get3A_147] : memref<32xf32, #tpu.memory_space<vmem>>[vector<16xi32>], vector<16xf32>,
        %swap3A_219 = arith.constant 10 : i32
        %swap3A_220 = arith.index_cast %swap3A_219 : i32 to index
        %swap3A_221 = arith.index_cast %add3A_146 : i32 to index
        %swap3A_222 = tpu.vector_load %arg9[%swap3A_220, %swap3A_221] {strides = array<i32>} : memref<64x256xf32, #tpu.memory_space<vmem>>, vector<16xf32>,
        tpu.vector_store %arg9[%swap3A_220, %swap3A_221], %gather3A_218 {strides = array<i32>} : memref<64x256xf32, #tpu.memory_space<vmem>>, vector<16xf32>,
        %gather3A_223 = arith.constant 352 : i32
        %gather3A_224 = tpu.memref_slice %arg5[%gather3A_223] : memref<2048xf32, #tpu.memory_space<vmem>> -> memref<32xf32, #tpu.memory_space<vmem>>
        %gather3A_225 = tpu.vector_load_idx %gather3A_224[%get3A_147] : memref<32xf32, #tpu.memory_space<vmem>>[vector<16xi32>], vector<16xf32>,
        %swap3A_226 = arith.constant 11 : i32
        %swap3A_227 = arith.index_cast %swap3A_226 : i32 to index
        %swap3A_228 = arith.index_cast %add3A_146 : i32 to index
        %swap3A_229 = tpu.vector_load %arg9[%swap3A_227, %swap3A_228] {strides = array<i32>} : memref<64x256xf32, #tpu.memory_space<vmem>>, vector<16xf32>,
        tpu.vector_store %arg9[%swap3A_227, %swap3A_228], %gather3A_225 {strides = array<i32>} : memref<64x256xf32, #tpu.memory_space<vmem>>, vector<16xf32>,
        %gather3A_230 = arith.constant 384 : i32
        %gather3A_231 = tpu.memref_slice %arg5[%gather3A_230] : memref<2048xf32, #tpu.memory_space<vmem>> -> memref<32xf32, #tpu.memory_space<vmem>>
        %gather3A_232 = tpu.vector_load_idx %gather3A_231[%get3A_147] : memref<32xf32, #tpu.memory_space<vmem>>[vector<16xi32>], vector<16xf32>,
        %swap3A_233 = arith.constant 12 : i32
        %swap3A_234 = arith.index_cast %swap3A_233 : i32 to index
        %swap3A_235 = arith.index_cast %add3A_146 : i32 to index
        %swap3A_236 = tpu.vector_load %arg9[%swap3A_234, %swap3A_235] {strides = array<i32>} : memref<64x256xf32, #tpu.memory_space<vmem>>, vector<16xf32>,
        tpu.vector_store %arg9[%swap3A_234, %swap3A_235], %gather3A_232 {strides = array<i32>} : memref<64x256xf32, #tpu.memory_space<vmem>>, vector<16xf32>,
        %gather3A_237 = arith.constant 416 : i32
        %gather3A_238 = tpu.memref_slice %arg5[%gather3A_237] : memref<2048xf32, #tpu.memory_space<vmem>> -> memref<32xf32, #tpu.memory_space<vmem>>
        %gather3A_239 = tpu.vector_load_idx %gather3A_238[%get3A_147] : memref<32xf32, #tpu.memory_space<vmem>>[vector<16xi32>], vector<16xf32>,
        %swap3A_240 = arith.constant 13 : i32
        %swap3A_241 = arith.index_cast %swap3A_240 : i32 to index
        %swap3A_242 = arith.index_cast %add3A_146 : i32 to index
        %swap3A_243 = tpu.vector_load %arg9[%swap3A_241, %swap3A_242] {strides = array<i32>} : memref<64x256xf32, #tpu.memory_space<vmem>>, vector<16xf32>,
        tpu.vector_store %arg9[%swap3A_241, %swap3A_242], %gather3A_239 {strides = array<i32>} : memref<64x256xf32, #tpu.memory_space<vmem>>, vector<16xf32>,
        %gather3A_244 = arith.constant 448 : i32
        %gather3A_245 = tpu.memref_slice %arg5[%gather3A_244] : memref<2048xf32, #tpu.memory_space<vmem>> -> memref<32xf32, #tpu.memory_space<vmem>>
        %gather3A_246 = tpu.vector_load_idx %gather3A_245[%get3A_147] : memref<32xf32, #tpu.memory_space<vmem>>[vector<16xi32>], vector<16xf32>,
        %swap3A_247 = arith.constant 14 : i32
        %swap3A_248 = arith.index_cast %swap3A_247 : i32 to index
        %swap3A_249 = arith.index_cast %add3A_146 : i32 to index
        %swap3A_250 = tpu.vector_load %arg9[%swap3A_248, %swap3A_249] {strides = array<i32>} : memref<64x256xf32, #tpu.memory_space<vmem>>, vector<16xf32>,
        tpu.vector_store %arg9[%swap3A_248, %swap3A_249], %gather3A_246 {strides = array<i32>} : memref<64x256xf32, #tpu.memory_space<vmem>>, vector<16xf32>,
        %gather3A_251 = arith.constant 480 : i32
        %gather3A_252 = tpu.memref_slice %arg5[%gather3A_251] : memref<2048xf32, #tpu.memory_space<vmem>> -> memref<32xf32, #tpu.memory_space<vmem>>
        %gather3A_253 = tpu.vector_load_idx %gather3A_252[%get3A_147] : memref<32xf32, #tpu.memory_space<vmem>>[vector<16xi32>], vector<16xf32>,
        %swap3A_254 = arith.constant 15 : i32
        %swap3A_255 = arith.index_cast %swap3A_254 : i32 to index
        %swap3A_256 = arith.index_cast %add3A_146 : i32 to index
        %swap3A_257 = tpu.vector_load %arg9[%swap3A_255, %swap3A_256] {strides = array<i32>} : memref<64x256xf32, #tpu.memory_space<vmem>>, vector<16xf32>,
        tpu.vector_store %arg9[%swap3A_255, %swap3A_256], %gather3A_253 {strides = array<i32>} : memref<64x256xf32, #tpu.memory_space<vmem>>, vector<16xf32>,
        %gather3A_258 = arith.constant 512 : i32
        %gather3A_259 = tpu.memref_slice %arg5[%gather3A_258] : memref<2048xf32, #tpu.memory_space<vmem>> -> memref<32xf32, #tpu.memory_space<vmem>>
        %gather3A_260 = tpu.vector_load_idx %gather3A_259[%get3A_147] : memref<32xf32, #tpu.memory_space<vmem>>[vector<16xi32>], vector<16xf32>,
        %swap3A_261 = arith.constant 16 : i32
        %swap3A_262 = arith.index_cast %swap3A_261 : i32 to index
        %swap3A_263 = arith.index_cast %add3A_146 : i32 to index
        %swap3A_264 = tpu.vector_load %arg9[%swap3A_262, %swap3A_263] {strides = array<i32>} : memref<64x256xf32, #tpu.memory_space<vmem>>, vector<16xf32>,
        tpu.vector_store %arg9[%swap3A_262, %swap3A_263], %gather3A_260 {strides = array<i32>} : memref<64x256xf32, #tpu.memory_space<vmem>>, vector<16xf32>,
        %gather3A_265 = arith.constant 544 : i32
        %gather3A_266 = tpu.memref_slice %arg5[%gather3A_265] : memref<2048xf32, #tpu.memory_space<vmem>> -> memref<32xf32, #tpu.memory_space<vmem>>
        %gather3A_267 = tpu.vector_load_idx %gather3A_266[%get3A_147] : memref<32xf32, #tpu.memory_space<vmem>>[vector<16xi32>], vector<16xf32>,
        %swap3A_268 = arith.constant 17 : i32
        %swap3A_269 = arith.index_cast %swap3A_268 : i32 to index
        %swap3A_270 = arith.index_cast %add3A_146 : i32 to index
        %swap3A_271 = tpu.vector_load %arg9[%swap3A_269, %swap3A_270] {strides = array<i32>} : memref<64x256xf32, #tpu.memory_space<vmem>>, vector<16xf32>,
        tpu.vector_store %arg9[%swap3A_269, %swap3A_270], %gather3A_267 {strides = array<i32>} : memref<64x256xf32, #tpu.memory_space<vmem>>, vector<16xf32>,
        %gather3A_272 = arith.constant 576 : i32
        %gather3A_273 = tpu.memref_slice %arg5[%gather3A_272] : memref<2048xf32, #tpu.memory_space<vmem>> -> memref<32xf32, #tpu.memory_space<vmem>>
        %gather3A_274 = tpu.vector_load_idx %gather3A_273[%get3A_147] : memref<32xf32, #tpu.memory_space<vmem>>[vector<16xi32>], vector<16xf32>,
        %swap3A_275 = arith.constant 18 : i32
        %swap3A_276 = arith.index_cast %swap3A_275 : i32 to index
        %swap3A_277 = arith.index_cast %add3A_146 : i32 to index
        %swap3A_278 = tpu.vector_load %arg9[%swap3A_276, %swap3A_277] {strides = array<i32>} : memref<64x256xf32, #tpu.memory_space<vmem>>, vector<16xf32>,
        tpu.vector_store %arg9[%swap3A_276, %swap3A_277], %gather3A_274 {strides = array<i32>} : memref<64x256xf32, #tpu.memory_space<vmem>>, vector<16xf32>,
        %gather3A_279 = arith.constant 608 : i32
        %gather3A_280 = tpu.memref_slice %arg5[%gather3A_279] : memref<2048xf32, #tpu.memory_space<vmem>> -> memref<32xf32, #tpu.memory_space<vmem>>
        %gather3A_281 = tpu.vector_load_idx %gather3A_280[%get3A_147] : memref<32xf32, #tpu.memory_space<vmem>>[vector<16xi32>], vector<16xf32>,
        %swap3A_282 = arith.constant 19 : i32
        %swap3A_283 = arith.index_cast %swap3A_282 : i32 to index
        %swap3A_284 = arith.index_cast %add3A_146 : i32 to index
        %swap3A_285 = tpu.vector_load %arg9[%swap3A_283, %swap3A_284] {strides = array<i32>} : memref<64x256xf32, #tpu.memory_space<vmem>>, vector<16xf32>,
        tpu.vector_store %arg9[%swap3A_283, %swap3A_284], %gather3A_281 {strides = array<i32>} : memref<64x256xf32, #tpu.memory_space<vmem>>, vector<16xf32>,
        %gather3A_286 = arith.constant 640 : i32
        %gather3A_287 = tpu.memref_slice %arg5[%gather3A_286] : memref<2048xf32, #tpu.memory_space<vmem>> -> memref<32xf32, #tpu.memory_space<vmem>>
        %gather3A_288 = tpu.vector_load_idx %gather3A_287[%get3A_147] : memref<32xf32, #tpu.memory_space<vmem>>[vector<16xi32>], vector<16xf32>,
        %swap3A_289 = arith.constant 20 : i32
        %swap3A_290 = arith.index_cast %swap3A_289 : i32 to index
        %swap3A_291 = arith.index_cast %add3A_146 : i32 to index
        %swap3A_292 = tpu.vector_load %arg9[%swap3A_290, %swap3A_291] {strides = array<i32>} : memref<64x256xf32, #tpu.memory_space<vmem>>, vector<16xf32>,
        tpu.vector_store %arg9[%swap3A_290, %swap3A_291], %gather3A_288 {strides = array<i32>} : memref<64x256xf32, #tpu.memory_space<vmem>>, vector<16xf32>,
        %gather3A_293 = arith.constant 672 : i32
        %gather3A_294 = tpu.memref_slice %arg5[%gather3A_293] : memref<2048xf32, #tpu.memory_space<vmem>> -> memref<32xf32, #tpu.memory_space<vmem>>
        %gather3A_295 = tpu.vector_load_idx %gather3A_294[%get3A_147] : memref<32xf32, #tpu.memory_space<vmem>>[vector<16xi32>], vector<16xf32>,
        %swap3A_296 = arith.constant 21 : i32
        %swap3A_297 = arith.index_cast %swap3A_296 : i32 to index
        %swap3A_298 = arith.index_cast %add3A_146 : i32 to index
        %swap3A_299 = tpu.vector_load %arg9[%swap3A_297, %swap3A_298] {strides = array<i32>} : memref<64x256xf32, #tpu.memory_space<vmem>>, vector<16xf32>,
        tpu.vector_store %arg9[%swap3A_297, %swap3A_298], %gather3A_295 {strides = array<i32>} : memref<64x256xf32, #tpu.memory_space<vmem>>, vector<16xf32>,
        %gather3A_300 = arith.constant 704 : i32
        %gather3A_301 = tpu.memref_slice %arg5[%gather3A_300] : memref<2048xf32, #tpu.memory_space<vmem>> -> memref<32xf32, #tpu.memory_space<vmem>>
        %gather3A_302 = tpu.vector_load_idx %gather3A_301[%get3A_147] : memref<32xf32, #tpu.memory_space<vmem>>[vector<16xi32>], vector<16xf32>,
        %swap3A_303 = arith.constant 22 : i32
        %swap3A_304 = arith.index_cast %swap3A_303 : i32 to index
        %swap3A_305 = arith.index_cast %add3A_146 : i32 to index
        %swap3A_306 = tpu.vector_load %arg9[%swap3A_304, %swap3A_305] {strides = array<i32>} : memref<64x256xf32, #tpu.memory_space<vmem>>, vector<16xf32>,
        tpu.vector_store %arg9[%swap3A_304, %swap3A_305], %gather3A_302 {strides = array<i32>} : memref<64x256xf32, #tpu.memory_space<vmem>>, vector<16xf32>,
        %gather3A_307 = arith.constant 736 : i32
        %gather3A_308 = tpu.memref_slice %arg5[%gather3A_307] : memref<2048xf32, #tpu.memory_space<vmem>> -> memref<32xf32, #tpu.memory_space<vmem>>
        %gather3A_309 = tpu.vector_load_idx %gather3A_308[%get3A_147] : memref<32xf32, #tpu.memory_space<vmem>>[vector<16xi32>], vector<16xf32>,
        %swap3A_310 = arith.constant 23 : i32
        %swap3A_311 = arith.index_cast %swap3A_310 : i32 to index
        %swap3A_312 = arith.index_cast %add3A_146 : i32 to index
        %swap3A_313 = tpu.vector_load %arg9[%swap3A_311, %swap3A_312] {strides = array<i32>} : memref<64x256xf32, #tpu.memory_space<vmem>>, vector<16xf32>,
        tpu.vector_store %arg9[%swap3A_311, %swap3A_312], %gather3A_309 {strides = array<i32>} : memref<64x256xf32, #tpu.memory_space<vmem>>, vector<16xf32>,
        %gather3A_314 = arith.constant 768 : i32
        %gather3A_315 = tpu.memref_slice %arg5[%gather3A_314] : memref<2048xf32, #tpu.memory_space<vmem>> -> memref<32xf32, #tpu.memory_space<vmem>>
        %gather3A_316 = tpu.vector_load_idx %gather3A_315[%get3A_147] : memref<32xf32, #tpu.memory_space<vmem>>[vector<16xi32>], vector<16xf32>,
        %swap3A_317 = arith.constant 24 : i32
        %swap3A_318 = arith.index_cast %swap3A_317 : i32 to index
        %swap3A_319 = arith.index_cast %add3A_146 : i32 to index
        %swap3A_320 = tpu.vector_load %arg9[%swap3A_318, %swap3A_319] {strides = array<i32>} : memref<64x256xf32, #tpu.memory_space<vmem>>, vector<16xf32>,
        tpu.vector_store %arg9[%swap3A_318, %swap3A_319], %gather3A_316 {strides = array<i32>} : memref<64x256xf32, #tpu.memory_space<vmem>>, vector<16xf32>,
        %gather3A_321 = arith.constant 800 : i32
        %gather3A_322 = tpu.memref_slice %arg5[%gather3A_321] : memref<2048xf32, #tpu.memory_space<vmem>> -> memref<32xf32, #tpu.memory_space<vmem>>
        %gather3A_323 = tpu.vector_load_idx %gather3A_322[%get3A_147] : memref<32xf32, #tpu.memory_space<vmem>>[vector<16xi32>], vector<16xf32>,
        %swap3A_324 = arith.constant 25 : i32
        %swap3A_325 = arith.index_cast %swap3A_324 : i32 to index
        %swap3A_326 = arith.index_cast %add3A_146 : i32 to index
        %swap3A_327 = tpu.vector_load %arg9[%swap3A_325, %swap3A_326] {strides = array<i32>} : memref<64x256xf32, #tpu.memory_space<vmem>>, vector<16xf32>,
        tpu.vector_store %arg9[%swap3A_325, %swap3A_326], %gather3A_323 {strides = array<i32>} : memref<64x256xf32, #tpu.memory_space<vmem>>, vector<16xf32>,
        %gather3A_328 = arith.constant 832 : i32
        %gather3A_329 = tpu.memref_slice %arg5[%gather3A_328] : memref<2048xf32, #tpu.memory_space<vmem>> -> memref<32xf32, #tpu.memory_space<vmem>>
        %gather3A_330 = tpu.vector_load_idx %gather3A_329[%get3A_147] : memref<32xf32, #tpu.memory_space<vmem>>[vector<16xi32>], vector<16xf32>,
        %swap3A_331 = arith.constant 26 : i32
        %swap3A_332 = arith.index_cast %swap3A_331 : i32 to index
        %swap3A_333 = arith.index_cast %add3A_146 : i32 to index
        %swap3A_334 = tpu.vector_load %arg9[%swap3A_332, %swap3A_333] {strides = array<i32>} : memref<64x256xf32, #tpu.memory_space<vmem>>, vector<16xf32>,
        tpu.vector_store %arg9[%swap3A_332, %swap3A_333], %gather3A_330 {strides = array<i32>} : memref<64x256xf32, #tpu.memory_space<vmem>>, vector<16xf32>,
        %gather3A_335 = arith.constant 864 : i32
        %gather3A_336 = tpu.memref_slice %arg5[%gather3A_335] : memref<2048xf32, #tpu.memory_space<vmem>> -> memref<32xf32, #tpu.memory_space<vmem>>
        %gather3A_337 = tpu.vector_load_idx %gather3A_336[%get3A_147] : memref<32xf32, #tpu.memory_space<vmem>>[vector<16xi32>], vector<16xf32>,
        %swap3A_338 = arith.constant 27 : i32
        %swap3A_339 = arith.index_cast %swap3A_338 : i32 to index
        %swap3A_340 = arith.index_cast %add3A_146 : i32 to index
        %swap3A_341 = tpu.vector_load %arg9[%swap3A_339, %swap3A_340] {strides = array<i32>} : memref<64x256xf32, #tpu.memory_space<vmem>>, vector<16xf32>,
        tpu.vector_store %arg9[%swap3A_339, %swap3A_340], %gather3A_337 {strides = array<i32>} : memref<64x256xf32, #tpu.memory_space<vmem>>, vector<16xf32>,
        %gather3A_342 = arith.constant 896 : i32
        %gather3A_343 = tpu.memref_slice %arg5[%gather3A_342] : memref<2048xf32, #tpu.memory_space<vmem>> -> memref<32xf32, #tpu.memory_space<vmem>>
        %gather3A_344 = tpu.vector_load_idx %gather3A_343[%get3A_147] : memref<32xf32, #tpu.memory_space<vmem>>[vector<16xi32>], vector<16xf32>,
        %swap3A_345 = arith.constant 28 : i32
        %swap3A_346 = arith.index_cast %swap3A_345 : i32 to index
        %swap3A_347 = arith.index_cast %add3A_146 : i32 to index
        %swap3A_348 = tpu.vector_load %arg9[%swap3A_346, %swap3A_347] {strides = array<i32>} : memref<64x256xf32, #tpu.memory_space<vmem>>, vector<16xf32>,
        tpu.vector_store %arg9[%swap3A_346, %swap3A_347], %gather3A_344 {strides = array<i32>} : memref<64x256xf32, #tpu.memory_space<vmem>>, vector<16xf32>,
        %gather3A_349 = arith.constant 928 : i32
        %gather3A_350 = tpu.memref_slice %arg5[%gather3A_349] : memref<2048xf32, #tpu.memory_space<vmem>> -> memref<32xf32, #tpu.memory_space<vmem>>
        %gather3A_351 = tpu.vector_load_idx %gather3A_350[%get3A_147] : memref<32xf32, #tpu.memory_space<vmem>>[vector<16xi32>], vector<16xf32>,
        %swap3A_352 = arith.constant 29 : i32
        %swap3A_353 = arith.index_cast %swap3A_352 : i32 to index
        %swap3A_354 = arith.index_cast %add3A_146 : i32 to index
        %swap3A_355 = tpu.vector_load %arg9[%swap3A_353, %swap3A_354] {strides = array<i32>} : memref<64x256xf32, #tpu.memory_space<vmem>>, vector<16xf32>,
        tpu.vector_store %arg9[%swap3A_353, %swap3A_354], %gather3A_351 {strides = array<i32>} : memref<64x256xf32, #tpu.memory_space<vmem>>, vector<16xf32>,
        %gather3A_356 = arith.constant 960 : i32
        %gather3A_357 = tpu.memref_slice %arg5[%gather3A_356] : memref<2048xf32, #tpu.memory_space<vmem>> -> memref<32xf32, #tpu.memory_space<vmem>>
        %gather3A_358 = tpu.vector_load_idx %gather3A_357[%get3A_147] : memref<32xf32, #tpu.memory_space<vmem>>[vector<16xi32>], vector<16xf32>,
        %swap3A_359 = arith.constant 30 : i32
        %swap3A_360 = arith.index_cast %swap3A_359 : i32 to index
        %swap3A_361 = arith.index_cast %add3A_146 : i32 to index
        %swap3A_362 = tpu.vector_load %arg9[%swap3A_360, %swap3A_361] {strides = array<i32>} : memref<64x256xf32, #tpu.memory_space<vmem>>, vector<16xf32>,
        tpu.vector_store %arg9[%swap3A_360, %swap3A_361], %gather3A_358 {strides = array<i32>} : memref<64x256xf32, #tpu.memory_space<vmem>>, vector<16xf32>,
        %gather3A_363 = arith.constant 992 : i32
        %gather3A_364 = tpu.memref_slice %arg5[%gather3A_363] : memref<2048xf32, #tpu.memory_space<vmem>> -> memref<32xf32, #tpu.memory_space<vmem>>
        %gather3A_365 = tpu.vector_load_idx %gather3A_364[%get3A_147] : memref<32xf32, #tpu.memory_space<vmem>>[vector<16xi32>], vector<16xf32>,
        %swap3A_366 = arith.constant 31 : i32
        %swap3A_367 = arith.index_cast %swap3A_366 : i32 to index
        %swap3A_368 = arith.index_cast %add3A_146 : i32 to index
        %swap3A_369 = tpu.vector_load %arg9[%swap3A_367, %swap3A_368] {strides = array<i32>} : memref<64x256xf32, #tpu.memory_space<vmem>>, vector<16xf32>,
        tpu.vector_store %arg9[%swap3A_367, %swap3A_368], %gather3A_365 {strides = array<i32>} : memref<64x256xf32, #tpu.memory_space<vmem>>, vector<16xf32>,
        %gather3A_370 = arith.constant 1024 : i32
        %gather3A_371 = tpu.memref_slice %arg5[%gather3A_370] : memref<2048xf32, #tpu.memory_space<vmem>> -> memref<32xf32, #tpu.memory_space<vmem>>
        %gather3A_372 = tpu.vector_load_idx %gather3A_371[%get3A_147] : memref<32xf32, #tpu.memory_space<vmem>>[vector<16xi32>], vector<16xf32>,
        %swap3A_373 = arith.constant 32 : i32
        %swap3A_374 = arith.index_cast %swap3A_373 : i32 to index
        %swap3A_375 = arith.index_cast %add3A_146 : i32 to index
        %swap3A_376 = tpu.vector_load %arg9[%swap3A_374, %swap3A_375] {strides = array<i32>} : memref<64x256xf32, #tpu.memory_space<vmem>>, vector<16xf32>,
        tpu.vector_store %arg9[%swap3A_374, %swap3A_375], %gather3A_372 {strides = array<i32>} : memref<64x256xf32, #tpu.memory_space<vmem>>, vector<16xf32>,
        %gather3A_377 = arith.constant 1056 : i32
        %gather3A_378 = tpu.memref_slice %arg5[%gather3A_377] : memref<2048xf32, #tpu.memory_space<vmem>> -> memref<32xf32, #tpu.memory_space<vmem>>
        %gather3A_379 = tpu.vector_load_idx %gather3A_378[%get3A_147] : memref<32xf32, #tpu.memory_space<vmem>>[vector<16xi32>], vector<16xf32>,
        %swap3A_380 = arith.constant 33 : i32
        %swap3A_381 = arith.index_cast %swap3A_380 : i32 to index
        %swap3A_382 = arith.index_cast %add3A_146 : i32 to index
        %swap3A_383 = tpu.vector_load %arg9[%swap3A_381, %swap3A_382] {strides = array<i32>} : memref<64x256xf32, #tpu.memory_space<vmem>>, vector<16xf32>,
        tpu.vector_store %arg9[%swap3A_381, %swap3A_382], %gather3A_379 {strides = array<i32>} : memref<64x256xf32, #tpu.memory_space<vmem>>, vector<16xf32>,
        %gather3A_384 = arith.constant 1088 : i32
        %gather3A_385 = tpu.memref_slice %arg5[%gather3A_384] : memref<2048xf32, #tpu.memory_space<vmem>> -> memref<32xf32, #tpu.memory_space<vmem>>
        %gather3A_386 = tpu.vector_load_idx %gather3A_385[%get3A_147] : memref<32xf32, #tpu.memory_space<vmem>>[vector<16xi32>], vector<16xf32>,
        %swap3A_387 = arith.constant 34 : i32
        %swap3A_388 = arith.index_cast %swap3A_387 : i32 to index
        %swap3A_389 = arith.index_cast %add3A_146 : i32 to index
        %swap3A_390 = tpu.vector_load %arg9[%swap3A_388, %swap3A_389] {strides = array<i32>} : memref<64x256xf32, #tpu.memory_space<vmem>>, vector<16xf32>,
        tpu.vector_store %arg9[%swap3A_388, %swap3A_389], %gather3A_386 {strides = array<i32>} : memref<64x256xf32, #tpu.memory_space<vmem>>, vector<16xf32>,
        %gather3A_391 = arith.constant 1120 : i32
        %gather3A_392 = tpu.memref_slice %arg5[%gather3A_391] : memref<2048xf32, #tpu.memory_space<vmem>> -> memref<32xf32, #tpu.memory_space<vmem>>
        %gather3A_393 = tpu.vector_load_idx %gather3A_392[%get3A_147] : memref<32xf32, #tpu.memory_space<vmem>>[vector<16xi32>], vector<16xf32>,
        %swap3A_394 = arith.constant 35 : i32
        %swap3A_395 = arith.index_cast %swap3A_394 : i32 to index
        %swap3A_396 = arith.index_cast %add3A_146 : i32 to index
        %swap3A_397 = tpu.vector_load %arg9[%swap3A_395, %swap3A_396] {strides = array<i32>} : memref<64x256xf32, #tpu.memory_space<vmem>>, vector<16xf32>,
        tpu.vector_store %arg9[%swap3A_395, %swap3A_396], %gather3A_393 {strides = array<i32>} : memref<64x256xf32, #tpu.memory_space<vmem>>, vector<16xf32>,
        %gather3A_398 = arith.constant 1152 : i32
        %gather3A_399 = tpu.memref_slice %arg5[%gather3A_398] : memref<2048xf32, #tpu.memory_space<vmem>> -> memref<32xf32, #tpu.memory_space<vmem>>
        %gather3A_400 = tpu.vector_load_idx %gather3A_399[%get3A_147] : memref<32xf32, #tpu.memory_space<vmem>>[vector<16xi32>], vector<16xf32>,
        %swap3A_401 = arith.constant 36 : i32
        %swap3A_402 = arith.index_cast %swap3A_401 : i32 to index
        %swap3A_403 = arith.index_cast %add3A_146 : i32 to index
        %swap3A_404 = tpu.vector_load %arg9[%swap3A_402, %swap3A_403] {strides = array<i32>} : memref<64x256xf32, #tpu.memory_space<vmem>>, vector<16xf32>,
        tpu.vector_store %arg9[%swap3A_402, %swap3A_403], %gather3A_400 {strides = array<i32>} : memref<64x256xf32, #tpu.memory_space<vmem>>, vector<16xf32>,
        %gather3A_405 = arith.constant 1184 : i32
        %gather3A_406 = tpu.memref_slice %arg5[%gather3A_405] : memref<2048xf32, #tpu.memory_space<vmem>> -> memref<32xf32, #tpu.memory_space<vmem>>
        %gather3A_407 = tpu.vector_load_idx %gather3A_406[%get3A_147] : memref<32xf32, #tpu.memory_space<vmem>>[vector<16xi32>], vector<16xf32>,
        %swap3A_408 = arith.constant 37 : i32
        %swap3A_409 = arith.index_cast %swap3A_408 : i32 to index
        %swap3A_410 = arith.index_cast %add3A_146 : i32 to index
        %swap3A_411 = tpu.vector_load %arg9[%swap3A_409, %swap3A_410] {strides = array<i32>} : memref<64x256xf32, #tpu.memory_space<vmem>>, vector<16xf32>,
        tpu.vector_store %arg9[%swap3A_409, %swap3A_410], %gather3A_407 {strides = array<i32>} : memref<64x256xf32, #tpu.memory_space<vmem>>, vector<16xf32>,
        %gather3A_412 = arith.constant 1216 : i32
        %gather3A_413 = tpu.memref_slice %arg5[%gather3A_412] : memref<2048xf32, #tpu.memory_space<vmem>> -> memref<32xf32, #tpu.memory_space<vmem>>
        %gather3A_414 = tpu.vector_load_idx %gather3A_413[%get3A_147] : memref<32xf32, #tpu.memory_space<vmem>>[vector<16xi32>], vector<16xf32>,
        %swap3A_415 = arith.constant 38 : i32
        %swap3A_416 = arith.index_cast %swap3A_415 : i32 to index
        %swap3A_417 = arith.index_cast %add3A_146 : i32 to index
        %swap3A_418 = tpu.vector_load %arg9[%swap3A_416, %swap3A_417] {strides = array<i32>} : memref<64x256xf32, #tpu.memory_space<vmem>>, vector<16xf32>,
        tpu.vector_store %arg9[%swap3A_416, %swap3A_417], %gather3A_414 {strides = array<i32>} : memref<64x256xf32, #tpu.memory_space<vmem>>, vector<16xf32>,
        %gather3A_419 = arith.constant 1248 : i32
        %gather3A_420 = tpu.memref_slice %arg5[%gather3A_419] : memref<2048xf32, #tpu.memory_space<vmem>> -> memref<32xf32, #tpu.memory_space<vmem>>
        %gather3A_421 = tpu.vector_load_idx %gather3A_420[%get3A_147] : memref<32xf32, #tpu.memory_space<vmem>>[vector<16xi32>], vector<16xf32>,
        %swap3A_422 = arith.constant 39 : i32
        %swap3A_423 = arith.index_cast %swap3A_422 : i32 to index
        %swap3A_424 = arith.index_cast %add3A_146 : i32 to index
        %swap3A_425 = tpu.vector_load %arg9[%swap3A_423, %swap3A_424] {strides = array<i32>} : memref<64x256xf32, #tpu.memory_space<vmem>>, vector<16xf32>,
        tpu.vector_store %arg9[%swap3A_423, %swap3A_424], %gather3A_421 {strides = array<i32>} : memref<64x256xf32, #tpu.memory_space<vmem>>, vector<16xf32>,
        %gather3A_426 = arith.constant 1280 : i32
        %gather3A_427 = tpu.memref_slice %arg5[%gather3A_426] : memref<2048xf32, #tpu.memory_space<vmem>> -> memref<32xf32, #tpu.memory_space<vmem>>
        %gather3A_428 = tpu.vector_load_idx %gather3A_427[%get3A_147] : memref<32xf32, #tpu.memory_space<vmem>>[vector<16xi32>], vector<16xf32>,
        %swap3A_429 = arith.constant 40 : i32
        %swap3A_430 = arith.index_cast %swap3A_429 : i32 to index
        %swap3A_431 = arith.index_cast %add3A_146 : i32 to index
        %swap3A_432 = tpu.vector_load %arg9[%swap3A_430, %swap3A_431] {strides = array<i32>} : memref<64x256xf32, #tpu.memory_space<vmem>>, vector<16xf32>,
        tpu.vector_store %arg9[%swap3A_430, %swap3A_431], %gather3A_428 {strides = array<i32>} : memref<64x256xf32, #tpu.memory_space<vmem>>, vector<16xf32>,
        %gather3A_433 = arith.constant 1312 : i32
        %gather3A_434 = tpu.memref_slice %arg5[%gather3A_433] : memref<2048xf32, #tpu.memory_space<vmem>> -> memref<32xf32, #tpu.memory_space<vmem>>
        %gather3A_435 = tpu.vector_load_idx %gather3A_434[%get3A_147] : memref<32xf32, #tpu.memory_space<vmem>>[vector<16xi32>], vector<16xf32>,
        %swap3A_436 = arith.constant 41 : i32
        %swap3A_437 = arith.index_cast %swap3A_436 : i32 to index
        %swap3A_438 = arith.index_cast %add3A_146 : i32 to index
        %swap3A_439 = tpu.vector_load %arg9[%swap3A_437, %swap3A_438] {strides = array<i32>} : memref<64x256xf32, #tpu.memory_space<vmem>>, vector<16xf32>,
        tpu.vector_store %arg9[%swap3A_437, %swap3A_438], %gather3A_435 {strides = array<i32>} : memref<64x256xf32, #tpu.memory_space<vmem>>, vector<16xf32>,
        %gather3A_440 = arith.constant 1344 : i32
        %gather3A_441 = tpu.memref_slice %arg5[%gather3A_440] : memref<2048xf32, #tpu.memory_space<vmem>> -> memref<32xf32, #tpu.memory_space<vmem>>
        %gather3A_442 = tpu.vector_load_idx %gather3A_441[%get3A_147] : memref<32xf32, #tpu.memory_space<vmem>>[vector<16xi32>], vector<16xf32>,
        %swap3A_443 = arith.constant 42 : i32
        %swap3A_444 = arith.index_cast %swap3A_443 : i32 to index
        %swap3A_445 = arith.index_cast %add3A_146 : i32 to index
        %swap3A_446 = tpu.vector_load %arg9[%swap3A_444, %swap3A_445] {strides = array<i32>} : memref<64x256xf32, #tpu.memory_space<vmem>>, vector<16xf32>,
        tpu.vector_store %arg9[%swap3A_444, %swap3A_445], %gather3A_442 {strides = array<i32>} : memref<64x256xf32, #tpu.memory_space<vmem>>, vector<16xf32>,
        %gather3A_447 = arith.constant 1376 : i32
        %gather3A_448 = tpu.memref_slice %arg5[%gather3A_447] : memref<2048xf32, #tpu.memory_space<vmem>> -> memref<32xf32, #tpu.memory_space<vmem>>
        %gather3A_449 = tpu.vector_load_idx %gather3A_448[%get3A_147] : memref<32xf32, #tpu.memory_space<vmem>>[vector<16xi32>], vector<16xf32>,
        %swap3A_450 = arith.constant 43 : i32
        %swap3A_451 = arith.index_cast %swap3A_450 : i32 to index
        %swap3A_452 = arith.index_cast %add3A_146 : i32 to index
        %swap3A_453 = tpu.vector_load %arg9[%swap3A_451, %swap3A_452] {strides = array<i32>} : memref<64x256xf32, #tpu.memory_space<vmem>>, vector<16xf32>,
        tpu.vector_store %arg9[%swap3A_451, %swap3A_452], %gather3A_449 {strides = array<i32>} : memref<64x256xf32, #tpu.memory_space<vmem>>, vector<16xf32>,
        %gather3A_454 = arith.constant 1408 : i32
        %gather3A_455 = tpu.memref_slice %arg5[%gather3A_454] : memref<2048xf32, #tpu.memory_space<vmem>> -> memref<32xf32, #tpu.memory_space<vmem>>
        %gather3A_456 = tpu.vector_load_idx %gather3A_455[%get3A_147] : memref<32xf32, #tpu.memory_space<vmem>>[vector<16xi32>], vector<16xf32>,
        %swap3A_457 = arith.constant 44 : i32
        %swap3A_458 = arith.index_cast %swap3A_457 : i32 to index
        %swap3A_459 = arith.index_cast %add3A_146 : i32 to index
        %swap3A_460 = tpu.vector_load %arg9[%swap3A_458, %swap3A_459] {strides = array<i32>} : memref<64x256xf32, #tpu.memory_space<vmem>>, vector<16xf32>,
        tpu.vector_store %arg9[%swap3A_458, %swap3A_459], %gather3A_456 {strides = array<i32>} : memref<64x256xf32, #tpu.memory_space<vmem>>, vector<16xf32>,
        %gather3A_461 = arith.constant 1440 : i32
        %gather3A_462 = tpu.memref_slice %arg5[%gather3A_461] : memref<2048xf32, #tpu.memory_space<vmem>> -> memref<32xf32, #tpu.memory_space<vmem>>
        %gather3A_463 = tpu.vector_load_idx %gather3A_462[%get3A_147] : memref<32xf32, #tpu.memory_space<vmem>>[vector<16xi32>], vector<16xf32>,
        %swap3A_464 = arith.constant 45 : i32
        %swap3A_465 = arith.index_cast %swap3A_464 : i32 to index
        %swap3A_466 = arith.index_cast %add3A_146 : i32 to index
        %swap3A_467 = tpu.vector_load %arg9[%swap3A_465, %swap3A_466] {strides = array<i32>} : memref<64x256xf32, #tpu.memory_space<vmem>>, vector<16xf32>,
        tpu.vector_store %arg9[%swap3A_465, %swap3A_466], %gather3A_463 {strides = array<i32>} : memref<64x256xf32, #tpu.memory_space<vmem>>, vector<16xf32>,
        %gather3A_468 = arith.constant 1472 : i32
        %gather3A_469 = tpu.memref_slice %arg5[%gather3A_468] : memref<2048xf32, #tpu.memory_space<vmem>> -> memref<32xf32, #tpu.memory_space<vmem>>
        %gather3A_470 = tpu.vector_load_idx %gather3A_469[%get3A_147] : memref<32xf32, #tpu.memory_space<vmem>>[vector<16xi32>], vector<16xf32>,
        %swap3A_471 = arith.constant 46 : i32
        %swap3A_472 = arith.index_cast %swap3A_471 : i32 to index
        %swap3A_473 = arith.index_cast %add3A_146 : i32 to index
        %swap3A_474 = tpu.vector_load %arg9[%swap3A_472, %swap3A_473] {strides = array<i32>} : memref<64x256xf32, #tpu.memory_space<vmem>>, vector<16xf32>,
        tpu.vector_store %arg9[%swap3A_472, %swap3A_473], %gather3A_470 {strides = array<i32>} : memref<64x256xf32, #tpu.memory_space<vmem>>, vector<16xf32>,
        %gather3A_475 = arith.constant 1504 : i32
        %gather3A_476 = tpu.memref_slice %arg5[%gather3A_475] : memref<2048xf32, #tpu.memory_space<vmem>> -> memref<32xf32, #tpu.memory_space<vmem>>
        %gather3A_477 = tpu.vector_load_idx %gather3A_476[%get3A_147] : memref<32xf32, #tpu.memory_space<vmem>>[vector<16xi32>], vector<16xf32>,
        %swap3A_478 = arith.constant 47 : i32
        %swap3A_479 = arith.index_cast %swap3A_478 : i32 to index
        %swap3A_480 = arith.index_cast %add3A_146 : i32 to index
        %swap3A_481 = tpu.vector_load %arg9[%swap3A_479, %swap3A_480] {strides = array<i32>} : memref<64x256xf32, #tpu.memory_space<vmem>>, vector<16xf32>,
        tpu.vector_store %arg9[%swap3A_479, %swap3A_480], %gather3A_477 {strides = array<i32>} : memref<64x256xf32, #tpu.memory_space<vmem>>, vector<16xf32>,
        %gather3A_482 = arith.constant 1536 : i32
        %gather3A_483 = tpu.memref_slice %arg5[%gather3A_482] : memref<2048xf32, #tpu.memory_space<vmem>> -> memref<32xf32, #tpu.memory_space<vmem>>
        %gather3A_484 = tpu.vector_load_idx %gather3A_483[%get3A_147] : memref<32xf32, #tpu.memory_space<vmem>>[vector<16xi32>], vector<16xf32>,
        %swap3A_485 = arith.constant 48 : i32
        %swap3A_486 = arith.index_cast %swap3A_485 : i32 to index
        %swap3A_487 = arith.index_cast %add3A_146 : i32 to index
        %swap3A_488 = tpu.vector_load %arg9[%swap3A_486, %swap3A_487] {strides = array<i32>} : memref<64x256xf32, #tpu.memory_space<vmem>>, vector<16xf32>,
        tpu.vector_store %arg9[%swap3A_486, %swap3A_487], %gather3A_484 {strides = array<i32>} : memref<64x256xf32, #tpu.memory_space<vmem>>, vector<16xf32>,
        %gather3A_489 = arith.constant 1568 : i32
        %gather3A_490 = tpu.memref_slice %arg5[%gather3A_489] : memref<2048xf32, #tpu.memory_space<vmem>> -> memref<32xf32, #tpu.memory_space<vmem>>
        %gather3A_491 = tpu.vector_load_idx %gather3A_490[%get3A_147] : memref<32xf32, #tpu.memory_space<vmem>>[vector<16xi32>], vector<16xf32>,
        %swap3A_492 = arith.constant 49 : i32
        %swap3A_493 = arith.index_cast %swap3A_492 : i32 to index
        %swap3A_494 = arith.index_cast %add3A_146 : i32 to index
        %swap3A_495 = tpu.vector_load %arg9[%swap3A_493, %swap3A_494] {strides = array<i32>} : memref<64x256xf32, #tpu.memory_space<vmem>>, vector<16xf32>,
        tpu.vector_store %arg9[%swap3A_493, %swap3A_494], %gather3A_491 {strides = array<i32>} : memref<64x256xf32, #tpu.memory_space<vmem>>, vector<16xf32>,
        %gather3A_496 = arith.constant 1600 : i32
        %gather3A_497 = tpu.memref_slice %arg5[%gather3A_496] : memref<2048xf32, #tpu.memory_space<vmem>> -> memref<32xf32, #tpu.memory_space<vmem>>
        %gather3A_498 = tpu.vector_load_idx %gather3A_497[%get3A_147] : memref<32xf32, #tpu.memory_space<vmem>>[vector<16xi32>], vector<16xf32>,
        %swap3A_499 = arith.constant 50 : i32
        %swap3A_500 = arith.index_cast %swap3A_499 : i32 to index
        %swap3A_501 = arith.index_cast %add3A_146 : i32 to index
        %swap3A_502 = tpu.vector_load %arg9[%swap3A_500, %swap3A_501] {strides = array<i32>} : memref<64x256xf32, #tpu.memory_space<vmem>>, vector<16xf32>,
        tpu.vector_store %arg9[%swap3A_500, %swap3A_501], %gather3A_498 {strides = array<i32>} : memref<64x256xf32, #tpu.memory_space<vmem>>, vector<16xf32>,
        %gather3A_503 = arith.constant 1632 : i32
        %gather3A_504 = tpu.memref_slice %arg5[%gather3A_503] : memref<2048xf32, #tpu.memory_space<vmem>> -> memref<32xf32, #tpu.memory_space<vmem>>
        %gather3A_505 = tpu.vector_load_idx %gather3A_504[%get3A_147] : memref<32xf32, #tpu.memory_space<vmem>>[vector<16xi32>], vector<16xf32>,
        %swap3A_506 = arith.constant 51 : i32
        %swap3A_507 = arith.index_cast %swap3A_506 : i32 to index
        %swap3A_508 = arith.index_cast %add3A_146 : i32 to index
        %swap3A_509 = tpu.vector_load %arg9[%swap3A_507, %swap3A_508] {strides = array<i32>} : memref<64x256xf32, #tpu.memory_space<vmem>>, vector<16xf32>,
        tpu.vector_store %arg9[%swap3A_507, %swap3A_508], %gather3A_505 {strides = array<i32>} : memref<64x256xf32, #tpu.memory_space<vmem>>, vector<16xf32>,
        %gather3A_510 = arith.constant 1664 : i32
        %gather3A_511 = tpu.memref_slice %arg5[%gather3A_510] : memref<2048xf32, #tpu.memory_space<vmem>> -> memref<32xf32, #tpu.memory_space<vmem>>
        %gather3A_512 = tpu.vector_load_idx %gather3A_511[%get3A_147] : memref<32xf32, #tpu.memory_space<vmem>>[vector<16xi32>], vector<16xf32>,
        %swap3A_513 = arith.constant 52 : i32
        %swap3A_514 = arith.index_cast %swap3A_513 : i32 to index
        %swap3A_515 = arith.index_cast %add3A_146 : i32 to index
        %swap3A_516 = tpu.vector_load %arg9[%swap3A_514, %swap3A_515] {strides = array<i32>} : memref<64x256xf32, #tpu.memory_space<vmem>>, vector<16xf32>,
        tpu.vector_store %arg9[%swap3A_514, %swap3A_515], %gather3A_512 {strides = array<i32>} : memref<64x256xf32, #tpu.memory_space<vmem>>, vector<16xf32>,
        %gather3A_517 = arith.constant 1696 : i32
        %gather3A_518 = tpu.memref_slice %arg5[%gather3A_517] : memref<2048xf32, #tpu.memory_space<vmem>> -> memref<32xf32, #tpu.memory_space<vmem>>
        %gather3A_519 = tpu.vector_load_idx %gather3A_518[%get3A_147] : memref<32xf32, #tpu.memory_space<vmem>>[vector<16xi32>], vector<16xf32>,
        %swap3A_520 = arith.constant 53 : i32
        %swap3A_521 = arith.index_cast %swap3A_520 : i32 to index
        %swap3A_522 = arith.index_cast %add3A_146 : i32 to index
        %swap3A_523 = tpu.vector_load %arg9[%swap3A_521, %swap3A_522] {strides = array<i32>} : memref<64x256xf32, #tpu.memory_space<vmem>>, vector<16xf32>,
        tpu.vector_store %arg9[%swap3A_521, %swap3A_522], %gather3A_519 {strides = array<i32>} : memref<64x256xf32, #tpu.memory_space<vmem>>, vector<16xf32>,
        %gather3A_524 = arith.constant 1728 : i32
        %gather3A_525 = tpu.memref_slice %arg5[%gather3A_524] : memref<2048xf32, #tpu.memory_space<vmem>> -> memref<32xf32, #tpu.memory_space<vmem>>
        %gather3A_526 = tpu.vector_load_idx %gather3A_525[%get3A_147] : memref<32xf32, #tpu.memory_space<vmem>>[vector<16xi32>], vector<16xf32>,
        %swap3A_527 = arith.constant 54 : i32
        %swap3A_528 = arith.index_cast %swap3A_527 : i32 to index
        %swap3A_529 = arith.index_cast %add3A_146 : i32 to index
        %swap3A_530 = tpu.vector_load %arg9[%swap3A_528, %swap3A_529] {strides = array<i32>} : memref<64x256xf32, #tpu.memory_space<vmem>>, vector<16xf32>,
        tpu.vector_store %arg9[%swap3A_528, %swap3A_529], %gather3A_526 {strides = array<i32>} : memref<64x256xf32, #tpu.memory_space<vmem>>, vector<16xf32>,
        %gather3A_531 = arith.constant 1760 : i32
        %gather3A_532 = tpu.memref_slice %arg5[%gather3A_531] : memref<2048xf32, #tpu.memory_space<vmem>> -> memref<32xf32, #tpu.memory_space<vmem>>
        %gather3A_533 = tpu.vector_load_idx %gather3A_532[%get3A_147] : memref<32xf32, #tpu.memory_space<vmem>>[vector<16xi32>], vector<16xf32>,
        %swap3A_534 = arith.constant 55 : i32
        %swap3A_535 = arith.index_cast %swap3A_534 : i32 to index
        %swap3A_536 = arith.index_cast %add3A_146 : i32 to index
        %swap3A_537 = tpu.vector_load %arg9[%swap3A_535, %swap3A_536] {strides = array<i32>} : memref<64x256xf32, #tpu.memory_space<vmem>>, vector<16xf32>,
        tpu.vector_store %arg9[%swap3A_535, %swap3A_536], %gather3A_533 {strides = array<i32>} : memref<64x256xf32, #tpu.memory_space<vmem>>, vector<16xf32>,
        %gather3A_538 = arith.constant 1792 : i32
        %gather3A_539 = tpu.memref_slice %arg5[%gather3A_538] : memref<2048xf32, #tpu.memory_space<vmem>> -> memref<32xf32, #tpu.memory_space<vmem>>
        %gather3A_540 = tpu.vector_load_idx %gather3A_539[%get3A_147] : memref<32xf32, #tpu.memory_space<vmem>>[vector<16xi32>], vector<16xf32>,
        %swap3A_541 = arith.constant 56 : i32
        %swap3A_542 = arith.index_cast %swap3A_541 : i32 to index
        %swap3A_543 = arith.index_cast %add3A_146 : i32 to index
        %swap3A_544 = tpu.vector_load %arg9[%swap3A_542, %swap3A_543] {strides = array<i32>} : memref<64x256xf32, #tpu.memory_space<vmem>>, vector<16xf32>,
        tpu.vector_store %arg9[%swap3A_542, %swap3A_543], %gather3A_540 {strides = array<i32>} : memref<64x256xf32, #tpu.memory_space<vmem>>, vector<16xf32>,
        %gather3A_545 = arith.constant 1824 : i32
        %gather3A_546 = tpu.memref_slice %arg5[%gather3A_545] : memref<2048xf32, #tpu.memory_space<vmem>> -> memref<32xf32, #tpu.memory_space<vmem>>
        %gather3A_547 = tpu.vector_load_idx %gather3A_546[%get3A_147] : memref<32xf32, #tpu.memory_space<vmem>>[vector<16xi32>], vector<16xf32>,
        %swap3A_548 = arith.constant 57 : i32
        %swap3A_549 = arith.index_cast %swap3A_548 : i32 to index
        %swap3A_550 = arith.index_cast %add3A_146 : i32 to index
        %swap3A_551 = tpu.vector_load %arg9[%swap3A_549, %swap3A_550] {strides = array<i32>} : memref<64x256xf32, #tpu.memory_space<vmem>>, vector<16xf32>,
        tpu.vector_store %arg9[%swap3A_549, %swap3A_550], %gather3A_547 {strides = array<i32>} : memref<64x256xf32, #tpu.memory_space<vmem>>, vector<16xf32>,
        %gather3A_552 = arith.constant 1856 : i32
        %gather3A_553 = tpu.memref_slice %arg5[%gather3A_552] : memref<2048xf32, #tpu.memory_space<vmem>> -> memref<32xf32, #tpu.memory_space<vmem>>
        %gather3A_554 = tpu.vector_load_idx %gather3A_553[%get3A_147] : memref<32xf32, #tpu.memory_space<vmem>>[vector<16xi32>], vector<16xf32>,
        %swap3A_555 = arith.constant 58 : i32
        %swap3A_556 = arith.index_cast %swap3A_555 : i32 to index
        %swap3A_557 = arith.index_cast %add3A_146 : i32 to index
        %swap3A_558 = tpu.vector_load %arg9[%swap3A_556, %swap3A_557] {strides = array<i32>} : memref<64x256xf32, #tpu.memory_space<vmem>>, vector<16xf32>,
        tpu.vector_store %arg9[%swap3A_556, %swap3A_557], %gather3A_554 {strides = array<i32>} : memref<64x256xf32, #tpu.memory_space<vmem>>, vector<16xf32>,
        %gather3A_559 = arith.constant 1888 : i32
        %gather3A_560 = tpu.memref_slice %arg5[%gather3A_559] : memref<2048xf32, #tpu.memory_space<vmem>> -> memref<32xf32, #tpu.memory_space<vmem>>
        %gather3A_561 = tpu.vector_load_idx %gather3A_560[%get3A_147] : memref<32xf32, #tpu.memory_space<vmem>>[vector<16xi32>], vector<16xf32>,
        %swap3A_562 = arith.constant 59 : i32
        %swap3A_563 = arith.index_cast %swap3A_562 : i32 to index
        %swap3A_564 = arith.index_cast %add3A_146 : i32 to index
        %swap3A_565 = tpu.vector_load %arg9[%swap3A_563, %swap3A_564] {strides = array<i32>} : memref<64x256xf32, #tpu.memory_space<vmem>>, vector<16xf32>,
        tpu.vector_store %arg9[%swap3A_563, %swap3A_564], %gather3A_561 {strides = array<i32>} : memref<64x256xf32, #tpu.memory_space<vmem>>, vector<16xf32>,
        %gather3A_566 = arith.constant 1920 : i32
        %gather3A_567 = tpu.memref_slice %arg5[%gather3A_566] : memref<2048xf32, #tpu.memory_space<vmem>> -> memref<32xf32, #tpu.memory_space<vmem>>
        %gather3A_568 = tpu.vector_load_idx %gather3A_567[%get3A_147] : memref<32xf32, #tpu.memory_space<vmem>>[vector<16xi32>], vector<16xf32>,
        %swap3A_569 = arith.constant 60 : i32
        %swap3A_570 = arith.index_cast %swap3A_569 : i32 to index
        %swap3A_571 = arith.index_cast %add3A_146 : i32 to index
        %swap3A_572 = tpu.vector_load %arg9[%swap3A_570, %swap3A_571] {strides = array<i32>} : memref<64x256xf32, #tpu.memory_space<vmem>>, vector<16xf32>,
        tpu.vector_store %arg9[%swap3A_570, %swap3A_571], %gather3A_568 {strides = array<i32>} : memref<64x256xf32, #tpu.memory_space<vmem>>, vector<16xf32>,
        %gather3A_573 = arith.constant 1952 : i32
        %gather3A_574 = tpu.memref_slice %arg5[%gather3A_573] : memref<2048xf32, #tpu.memory_space<vmem>> -> memref<32xf32, #tpu.memory_space<vmem>>
        %gather3A_575 = tpu.vector_load_idx %gather3A_574[%get3A_147] : memref<32xf32, #tpu.memory_space<vmem>>[vector<16xi32>], vector<16xf32>,
        %swap3A_576 = arith.constant 61 : i32
        %swap3A_577 = arith.index_cast %swap3A_576 : i32 to index
        %swap3A_578 = arith.index_cast %add3A_146 : i32 to index
        %swap3A_579 = tpu.vector_load %arg9[%swap3A_577, %swap3A_578] {strides = array<i32>} : memref<64x256xf32, #tpu.memory_space<vmem>>, vector<16xf32>,
        tpu.vector_store %arg9[%swap3A_577, %swap3A_578], %gather3A_575 {strides = array<i32>} : memref<64x256xf32, #tpu.memory_space<vmem>>, vector<16xf32>,
        %gather3A_580 = arith.constant 1984 : i32
        %gather3A_581 = tpu.memref_slice %arg5[%gather3A_580] : memref<2048xf32, #tpu.memory_space<vmem>> -> memref<32xf32, #tpu.memory_space<vmem>>
        %gather3A_582 = tpu.vector_load_idx %gather3A_581[%get3A_147] : memref<32xf32, #tpu.memory_space<vmem>>[vector<16xi32>], vector<16xf32>,
        %swap3A_583 = arith.constant 62 : i32
        %swap3A_584 = arith.index_cast %swap3A_583 : i32 to index
        %swap3A_585 = arith.index_cast %add3A_146 : i32 to index
        %swap3A_586 = tpu.vector_load %arg9[%swap3A_584, %swap3A_585] {strides = array<i32>} : memref<64x256xf32, #tpu.memory_space<vmem>>, vector<16xf32>,
        tpu.vector_store %arg9[%swap3A_584, %swap3A_585], %gather3A_582 {strides = array<i32>} : memref<64x256xf32, #tpu.memory_space<vmem>>, vector<16xf32>,
        %gather3A_587 = arith.constant 2016 : i32
        %gather3A_588 = tpu.memref_slice %arg5[%gather3A_587] : memref<2048xf32, #tpu.memory_space<vmem>> -> memref<32xf32, #tpu.memory_space<vmem>>
        %gather3A_589 = tpu.vector_load_idx %gather3A_588[%get3A_147] : memref<32xf32, #tpu.memory_space<vmem>>[vector<16xi32>], vector<16xf32>,
        %swap3A_590 = arith.constant 63 : i32
        %swap3A_591 = arith.index_cast %swap3A_590 : i32 to index
        %swap3A_592 = arith.index_cast %add3A_146 : i32 to index
        %swap3A_593 = tpu.vector_load %arg9[%swap3A_591, %swap3A_592] {strides = array<i32>} : memref<64x256xf32, #tpu.memory_space<vmem>>, vector<16xf32>,
        tpu.vector_store %arg9[%swap3A_591, %swap3A_592], %gather3A_589 {strides = array<i32>} : memref<64x256xf32, #tpu.memory_space<vmem>>, vector<16xf32>,
      }
      %scan3A_130 = arith.constant 16 : i32
      %dma_start3A_131 = arith.constant 0 : i32
      %dma_start3A_132 = tpu.memref_slice %arg4[%dma_start3A_131, %mul3A_118] : memref<64x100000xf32, #tpu.memory_space<hbm>> -> memref<64x256xf32, #tpu.memory_space<hbm>>
      %dma_start3A_133 = arith.constant 0 : i32
      %dma_start3A_134 = tpu.memref_slice %arg4[%dma_start3A_133, %mul3A_118] : memref<64x100000xf32, #tpu.memory_space<hbm>> -> memref<64x256xf32, #tpu.memory_space<hbm>>
      tpu.enqueue_dma source(%arg9 : memref<64x256xf32, #tpu.memory_space<vmem>>) target(%dma_start3A_134 : memref<64x256xf32, #tpu.memory_space<hbm>>) target_semaphore(%arg13 : memref<!tpu.dma_semaphore, #tpu.memory_space<semaphore_mem>>)
      %add3A_135 = arith.constant 2 : i32
      %add3A_136 = arith.addi %add3A_108, %add3A_135 : i32
      %lt3A_137 = arith.constant 13 : i32
      %lt3A_138 = arith.cmpi slt, %add3A_136, %lt3A_137 : i32
      %convert_element_type3A_139 = arith.extui %lt3A_138 : i1 to i32
      %cond3A_140 = arith.constant 0 : i32
      %cond3A_141 = arith.cmpi ne, %convert_element_type3A_139, %cond3A_140 : i32
      scf.if %cond3A_141 {
        %add3A_142 = arith.constant 2 : i32
        %add3A_143 = arith.addi %add3A_108, %add3A_142 : i32
        %mul3A_144 = arith.constant 32 : i32
        %mul3A_145 = arith.muli %add3A_143, %mul3A_144 : i32
        %add3A_146 = arith.addi %add3A, %mul3A_145 : i32
        %lt3A_147 = arith.constant 390 : i32
        %lt3A_148 = arith.cmpi slt, %add3A_146, %lt3A_147 : i32
        %select_n3A_149 = arith.select %lt3A_148, %add3A_146, %add3A : i32
        %mul3A_150 = arith.constant 256 : i32
        %mul3A_151 = arith.muli %select_n3A_149, %mul3A_150 : i32
        %dma_start3A_152 = tpu.memref_slice %arg3[%mul3A_151] : memref<100000xi32, #tpu.memory_space<hbm>> -> memref<256xi32, #tpu.memory_space<hbm>>
        %dma_start3A_153 = tpu.memref_slice %arg3[%mul3A_151] : memref<100000xi32, #tpu.memory_space<hbm>> -> memref<256xi32, #tpu.memory_space<hbm>>
        tpu.enqueue_dma source(%dma_start3A_153 : memref<256xi32, #tpu.memory_space<hbm>>) target(%arg7 : memref<256xi32, #tpu.memory_space<vmem>>) target_semaphore(%arg15 : memref<!tpu.dma_semaphore, #tpu.memory_space<semaphore_mem>>)
      } else {
      }
    }
    %scan3A_19 = arith.constant 6 : i32
    %gt3A = arith.constant 12 : i32
    %gt3A_20 = arith.constant 0 : i32
    %gt3A_21 = arith.cmpi sgt, %gt3A, %gt3A_20 : i32
    %mul3A_22 = arith.constant 12 : i32
    %mul3A_23 = arith.constant 32 : i32
    %mul3A_24 = arith.muli %mul3A_22, %mul3A_23 : i32
    %add3A_25 = arith.addi %add3A, %mul3A_24 : i32
    %lt3A_26 = arith.constant 390 : i32
    %lt3A_27 = arith.cmpi slt, %add3A_25, %lt3A_26 : i32
    %select_n3A_28 = arith.select %lt3A_27, %add3A_25, %add3A : i32
    %mul3A_29 = arith.constant 256 : i32
    %mul3A_30 = arith.muli %select_n3A_28, %mul3A_29 : i32
    %dma_wait3A = arith.constant 0 : i32
    %dma_wait3A_31 = tpu.memref_slice %arg3[%dma_wait3A] : memref<100000xi32, #tpu.memory_space<hbm>> -> memref<256xi32, #tpu.memory_space<hbm>>
    %dma_wait3A_32 = arith.constant 0 : i32
    %dma_wait3A_33 = tpu.memref_slice %arg3[%dma_wait3A_32] : memref<100000xi32, #tpu.memory_space<hbm>> -> memref<256xi32, #tpu.memory_space<hbm>>
    tpu.wait_dma2 semaphore(%arg14 : memref<!tpu.dma_semaphore, #tpu.memory_space<semaphore_mem>>) src(%dma_wait3A_33 : memref<256xi32, #tpu.memory_space<hbm>>) dst(%arg6 : memref<256xi32, #tpu.memory_space<vmem>>)
    %convert_element_type3A = arith.extui %gt3A_21 : i1 to i32
    %cond3A = arith.constant 0 : i32
    %cond3A_34 = arith.cmpi ne, %convert_element_type3A, %cond3A : i32
    scf.if %cond3A_34 {
      %dma_wait3A_69 = arith.constant 0 : i32
      %dma_wait3A_70 = arith.constant 0 : i32
      %dma_wait3A_71 = tpu.memref_slice %arg4[%dma_wait3A_69, %dma_wait3A_70] : memref<64x100000xf32, #tpu.memory_space<hbm>> -> memref<64x256xf32, #tpu.memory_space<hbm>>
      %dma_wait3A_72 = arith.constant 0 : i32
      %dma_wait3A_73 = arith.constant 0 : i32
      %dma_wait3A_74 = tpu.memref_slice %arg4[%dma_wait3A_72, %dma_wait3A_73] : memref<64x100000xf32, #tpu.memory_space<hbm>> -> memref<64x256xf32, #tpu.memory_space<hbm>>
      tpu.wait_dma2 semaphore(%arg12 : memref<!tpu.dma_semaphore, #tpu.memory_space<semaphore_mem>>) src(%arg8 : memref<64x256xf32, #tpu.memory_space<vmem>>) dst(%dma_wait3A_74 : memref<64x256xf32, #tpu.memory_space<hbm>>)
    } else {
    }
    %scan3A_35 = arith.constant 0 : i32
    %scan3A_36 = arith.constant 16 : i32
    %scan3A_37 = arith.addi %scan3A_35, %scan3A_36 : i32
    %scan3A_38 = arith.constant 1 : i32
    scf.for %scan3A_69 = %scan3A_35 to %scan3A_37 step %scan3A_38  : i32 {
      %mul3A_70 = arith.constant 16 : i32
      %mul3A_71 = arith.muli %scan3A_69, %mul3A_70 : i32
      %add3A_72 = arith.constant 0 : i32
      %add3A_73 = arith.addi %add3A_72, %mul3A_71 : i32
      %get3A = arith.index_cast %add3A_73 : i32 to index
      %get3A_74 = tpu.vector_load %arg6[%get3A] {strides = array<i32>} : memref<256xi32, #tpu.memory_space<vmem>>, vector<16xi32>,
      %gather3A = arith.constant 0 : i32
      %gather3A_75 = tpu.memref_slice %arg5[%gather3A] : memref<2048xf32, #tpu.memory_space<vmem>> -> memref<32xf32, #tpu.memory_space<vmem>>
      %gather3A_76 = tpu.vector_load_idx %gather3A_75[%get3A_74] : memref<32xf32, #tpu.memory_space<vmem>>[vector<16xi32>], vector<16xf32>,
      %swap3A = arith.constant 0 : i32
      %swap3A_77 = arith.index_cast %swap3A : i32 to index
      %swap3A_78 = arith.index_cast %add3A_73 : i32 to index
      %swap3A_79 = tpu.vector_load %arg8[%swap3A_77, %swap3A_78] {strides = array<i32>} : memref<64x256xf32, #tpu.memory_space<vmem>>, vector<16xf32>,
      tpu.vector_store %arg8[%swap3A_77, %swap3A_78], %gather3A_76 {strides = array<i32>} : memref<64x256xf32, #tpu.memory_space<vmem>>, vector<16xf32>,
      %gather3A_80 = arith.constant 32 : i32
      %gather3A_81 = tpu.memref_slice %arg5[%gather3A_80] : memref<2048xf32, #tpu.memory_space<vmem>> -> memref<32xf32, #tpu.memory_space<vmem>>
      %gather3A_82 = tpu.vector_load_idx %gather3A_81[%get3A_74] : memref<32xf32, #tpu.memory_space<vmem>>[vector<16xi32>], vector<16xf32>,
      %swap3A_83 = arith.constant 1 : i32
      %swap3A_84 = arith.index_cast %swap3A_83 : i32 to index
      %swap3A_85 = arith.index_cast %add3A_73 : i32 to index
      %swap3A_86 = tpu.vector_load %arg8[%swap3A_84, %swap3A_85] {strides = array<i32>} : memref<64x256xf32, #tpu.memory_space<vmem>>, vector<16xf32>,
      tpu.vector_store %arg8[%swap3A_84, %swap3A_85], %gather3A_82 {strides = array<i32>} : memref<64x256xf32, #tpu.memory_space<vmem>>, vector<16xf32>,
      %gather3A_87 = arith.constant 64 : i32
      %gather3A_88 = tpu.memref_slice %arg5[%gather3A_87] : memref<2048xf32, #tpu.memory_space<vmem>> -> memref<32xf32, #tpu.memory_space<vmem>>
      %gather3A_89 = tpu.vector_load_idx %gather3A_88[%get3A_74] : memref<32xf32, #tpu.memory_space<vmem>>[vector<16xi32>], vector<16xf32>,
      %swap3A_90 = arith.constant 2 : i32
      %swap3A_91 = arith.index_cast %swap3A_90 : i32 to index
      %swap3A_92 = arith.index_cast %add3A_73 : i32 to index
      %swap3A_93 = tpu.vector_load %arg8[%swap3A_91, %swap3A_92] {strides = array<i32>} : memref<64x256xf32, #tpu.memory_space<vmem>>, vector<16xf32>,
      tpu.vector_store %arg8[%swap3A_91, %swap3A_92], %gather3A_89 {strides = array<i32>} : memref<64x256xf32, #tpu.memory_space<vmem>>, vector<16xf32>,
      %gather3A_94 = arith.constant 96 : i32
      %gather3A_95 = tpu.memref_slice %arg5[%gather3A_94] : memref<2048xf32, #tpu.memory_space<vmem>> -> memref<32xf32, #tpu.memory_space<vmem>>
      %gather3A_96 = tpu.vector_load_idx %gather3A_95[%get3A_74] : memref<32xf32, #tpu.memory_space<vmem>>[vector<16xi32>], vector<16xf32>,
      %swap3A_97 = arith.constant 3 : i32
      %swap3A_98 = arith.index_cast %swap3A_97 : i32 to index
      %swap3A_99 = arith.index_cast %add3A_73 : i32 to index
      %swap3A_100 = tpu.vector_load %arg8[%swap3A_98, %swap3A_99] {strides = array<i32>} : memref<64x256xf32, #tpu.memory_space<vmem>>, vector<16xf32>,
      tpu.vector_store %arg8[%swap3A_98, %swap3A_99], %gather3A_96 {strides = array<i32>} : memref<64x256xf32, #tpu.memory_space<vmem>>, vector<16xf32>,
      %gather3A_101 = arith.constant 128 : i32
      %gather3A_102 = tpu.memref_slice %arg5[%gather3A_101] : memref<2048xf32, #tpu.memory_space<vmem>> -> memref<32xf32, #tpu.memory_space<vmem>>
      %gather3A_103 = tpu.vector_load_idx %gather3A_102[%get3A_74] : memref<32xf32, #tpu.memory_space<vmem>>[vector<16xi32>], vector<16xf32>,
      %swap3A_104 = arith.constant 4 : i32
      %swap3A_105 = arith.index_cast %swap3A_104 : i32 to index
      %swap3A_106 = arith.index_cast %add3A_73 : i32 to index
      %swap3A_107 = tpu.vector_load %arg8[%swap3A_105, %swap3A_106] {strides = array<i32>} : memref<64x256xf32, #tpu.memory_space<vmem>>, vector<16xf32>,
      tpu.vector_store %arg8[%swap3A_105, %swap3A_106], %gather3A_103 {strides = array<i32>} : memref<64x256xf32, #tpu.memory_space<vmem>>, vector<16xf32>,
      %gather3A_108 = arith.constant 160 : i32
      %gather3A_109 = tpu.memref_slice %arg5[%gather3A_108] : memref<2048xf32, #tpu.memory_space<vmem>> -> memref<32xf32, #tpu.memory_space<vmem>>
      %gather3A_110 = tpu.vector_load_idx %gather3A_109[%get3A_74] : memref<32xf32, #tpu.memory_space<vmem>>[vector<16xi32>], vector<16xf32>,
      %swap3A_111 = arith.constant 5 : i32
      %swap3A_112 = arith.index_cast %swap3A_111 : i32 to index
      %swap3A_113 = arith.index_cast %add3A_73 : i32 to index
      %swap3A_114 = tpu.vector_load %arg8[%swap3A_112, %swap3A_113] {strides = array<i32>} : memref<64x256xf32, #tpu.memory_space<vmem>>, vector<16xf32>,
      tpu.vector_store %arg8[%swap3A_112, %swap3A_113], %gather3A_110 {strides = array<i32>} : memref<64x256xf32, #tpu.memory_space<vmem>>, vector<16xf32>,
      %gather3A_115 = arith.constant 192 : i32
      %gather3A_116 = tpu.memref_slice %arg5[%gather3A_115] : memref<2048xf32, #tpu.memory_space<vmem>> -> memref<32xf32, #tpu.memory_space<vmem>>
      %gather3A_117 = tpu.vector_load_idx %gather3A_116[%get3A_74] : memref<32xf32, #tpu.memory_space<vmem>>[vector<16xi32>], vector<16xf32>,
      %swap3A_118 = arith.constant 6 : i32
      %swap3A_119 = arith.index_cast %swap3A_118 : i32 to index
      %swap3A_120 = arith.index_cast %add3A_73 : i32 to index
      %swap3A_121 = tpu.vector_load %arg8[%swap3A_119, %swap3A_120] {strides = array<i32>} : memref<64x256xf32, #tpu.memory_space<vmem>>, vector<16xf32>,
      tpu.vector_store %arg8[%swap3A_119, %swap3A_120], %gather3A_117 {strides = array<i32>} : memref<64x256xf32, #tpu.memory_space<vmem>>, vector<16xf32>,
      %gather3A_122 = arith.constant 224 : i32
      %gather3A_123 = tpu.memref_slice %arg5[%gather3A_122] : memref<2048xf32, #tpu.memory_space<vmem>> -> memref<32xf32, #tpu.memory_space<vmem>>
      %gather3A_124 = tpu.vector_load_idx %gather3A_123[%get3A_74] : memref<32xf32, #tpu.memory_space<vmem>>[vector<16xi32>], vector<16xf32>,
      %swap3A_125 = arith.constant 7 : i32
      %swap3A_126 = arith.index_cast %swap3A_125 : i32 to index
      %swap3A_127 = arith.index_cast %add3A_73 : i32 to index
      %swap3A_128 = tpu.vector_load %arg8[%swap3A_126, %swap3A_127] {strides = array<i32>} : memref<64x256xf32, #tpu.memory_space<vmem>>, vector<16xf32>,
      tpu.vector_store %arg8[%swap3A_126, %swap3A_127], %gather3A_124 {strides = array<i32>} : memref<64x256xf32, #tpu.memory_space<vmem>>, vector<16xf32>,
      %gather3A_129 = arith.constant 256 : i32
      %gather3A_130 = tpu.memref_slice %arg5[%gather3A_129] : memref<2048xf32, #tpu.memory_space<vmem>> -> memref<32xf32, #tpu.memory_space<vmem>>
      %gather3A_131 = tpu.vector_load_idx %gather3A_130[%get3A_74] : memref<32xf32, #tpu.memory_space<vmem>>[vector<16xi32>], vector<16xf32>,
      %swap3A_132 = arith.constant 8 : i32
      %swap3A_133 = arith.index_cast %swap3A_132 : i32 to index
      %swap3A_134 = arith.index_cast %add3A_73 : i32 to index
      %swap3A_135 = tpu.vector_load %arg8[%swap3A_133, %swap3A_134] {strides = array<i32>} : memref<64x256xf32, #tpu.memory_space<vmem>>, vector<16xf32>,
      tpu.vector_store %arg8[%swap3A_133, %swap3A_134], %gather3A_131 {strides = array<i32>} : memref<64x256xf32, #tpu.memory_space<vmem>>, vector<16xf32>,
      %gather3A_136 = arith.constant 288 : i32
      %gather3A_137 = tpu.memref_slice %arg5[%gather3A_136] : memref<2048xf32, #tpu.memory_space<vmem>> -> memref<32xf32, #tpu.memory_space<vmem>>
      %gather3A_138 = tpu.vector_load_idx %gather3A_137[%get3A_74] : memref<32xf32, #tpu.memory_space<vmem>>[vector<16xi32>], vector<16xf32>,
      %swap3A_139 = arith.constant 9 : i32
      %swap3A_140 = arith.index_cast %swap3A_139 : i32 to index
      %swap3A_141 = arith.index_cast %add3A_73 : i32 to index
      %swap3A_142 = tpu.vector_load %arg8[%swap3A_140, %swap3A_141] {strides = array<i32>} : memref<64x256xf32, #tpu.memory_space<vmem>>, vector<16xf32>,
      tpu.vector_store %arg8[%swap3A_140, %swap3A_141], %gather3A_138 {strides = array<i32>} : memref<64x256xf32, #tpu.memory_space<vmem>>, vector<16xf32>,
      %gather3A_143 = arith.constant 320 : i32
      %gather3A_144 = tpu.memref_slice %arg5[%gather3A_143] : memref<2048xf32, #tpu.memory_space<vmem>> -> memref<32xf32, #tpu.memory_space<vmem>>
      %gather3A_145 = tpu.vector_load_idx %gather3A_144[%get3A_74] : memref<32xf32, #tpu.memory_space<vmem>>[vector<16xi32>], vector<16xf32>,
      %swap3A_146 = arith.constant 10 : i32
      %swap3A_147 = arith.index_cast %swap3A_146 : i32 to index
      %swap3A_148 = arith.index_cast %add3A_73 : i32 to index
      %swap3A_149 = tpu.vector_load %arg8[%swap3A_147, %swap3A_148] {strides = array<i32>} : memref<64x256xf32, #tpu.memory_space<vmem>>, vector<16xf32>,
      tpu.vector_store %arg8[%swap3A_147, %swap3A_148], %gather3A_145 {strides = array<i32>} : memref<64x256xf32, #tpu.memory_space<vmem>>, vector<16xf32>,
      %gather3A_150 = arith.constant 352 : i32
      %gather3A_151 = tpu.memref_slice %arg5[%gather3A_150] : memref<2048xf32, #tpu.memory_space<vmem>> -> memref<32xf32, #tpu.memory_space<vmem>>
      %gather3A_152 = tpu.vector_load_idx %gather3A_151[%get3A_74] : memref<32xf32, #tpu.memory_space<vmem>>[vector<16xi32>], vector<16xf32>,
      %swap3A_153 = arith.constant 11 : i32
      %swap3A_154 = arith.index_cast %swap3A_153 : i32 to index
      %swap3A_155 = arith.index_cast %add3A_73 : i32 to index
      %swap3A_156 = tpu.vector_load %arg8[%swap3A_154, %swap3A_155] {strides = array<i32>} : memref<64x256xf32, #tpu.memory_space<vmem>>, vector<16xf32>,
      tpu.vector_store %arg8[%swap3A_154, %swap3A_155], %gather3A_152 {strides = array<i32>} : memref<64x256xf32, #tpu.memory_space<vmem>>, vector<16xf32>,
      %gather3A_157 = arith.constant 384 : i32
      %gather3A_158 = tpu.memref_slice %arg5[%gather3A_157] : memref<2048xf32, #tpu.memory_space<vmem>> -> memref<32xf32, #tpu.memory_space<vmem>>
      %gather3A_159 = tpu.vector_load_idx %gather3A_158[%get3A_74] : memref<32xf32, #tpu.memory_space<vmem>>[vector<16xi32>], vector<16xf32>,
      %swap3A_160 = arith.constant 12 : i32
      %swap3A_161 = arith.index_cast %swap3A_160 : i32 to index
      %swap3A_162 = arith.index_cast %add3A_73 : i32 to index
      %swap3A_163 = tpu.vector_load %arg8[%swap3A_161, %swap3A_162] {strides = array<i32>} : memref<64x256xf32, #tpu.memory_space<vmem>>, vector<16xf32>,
      tpu.vector_store %arg8[%swap3A_161, %swap3A_162], %gather3A_159 {strides = array<i32>} : memref<64x256xf32, #tpu.memory_space<vmem>>, vector<16xf32>,
      %gather3A_164 = arith.constant 416 : i32
      %gather3A_165 = tpu.memref_slice %arg5[%gather3A_164] : memref<2048xf32, #tpu.memory_space<vmem>> -> memref<32xf32, #tpu.memory_space<vmem>>
      %gather3A_166 = tpu.vector_load_idx %gather3A_165[%get3A_74] : memref<32xf32, #tpu.memory_space<vmem>>[vector<16xi32>], vector<16xf32>,
      %swap3A_167 = arith.constant 13 : i32
      %swap3A_168 = arith.index_cast %swap3A_167 : i32 to index
      %swap3A_169 = arith.index_cast %add3A_73 : i32 to index
      %swap3A_170 = tpu.vector_load %arg8[%swap3A_168, %swap3A_169] {strides = array<i32>} : memref<64x256xf32, #tpu.memory_space<vmem>>, vector<16xf32>,
      tpu.vector_store %arg8[%swap3A_168, %swap3A_169], %gather3A_166 {strides = array<i32>} : memref<64x256xf32, #tpu.memory_space<vmem>>, vector<16xf32>,
      %gather3A_171 = arith.constant 448 : i32
      %gather3A_172 = tpu.memref_slice %arg5[%gather3A_171] : memref<2048xf32, #tpu.memory_space<vmem>> -> memref<32xf32, #tpu.memory_space<vmem>>
      %gather3A_173 = tpu.vector_load_idx %gather3A_172[%get3A_74] : memref<32xf32, #tpu.memory_space<vmem>>[vector<16xi32>], vector<16xf32>,
      %swap3A_174 = arith.constant 14 : i32
      %swap3A_175 = arith.index_cast %swap3A_174 : i32 to index
      %swap3A_176 = arith.index_cast %add3A_73 : i32 to index
      %swap3A_177 = tpu.vector_load %arg8[%swap3A_175, %swap3A_176] {strides = array<i32>} : memref<64x256xf32, #tpu.memory_space<vmem>>, vector<16xf32>,
      tpu.vector_store %arg8[%swap3A_175, %swap3A_176], %gather3A_173 {strides = array<i32>} : memref<64x256xf32, #tpu.memory_space<vmem>>, vector<16xf32>,
      %gather3A_178 = arith.constant 480 : i32
      %gather3A_179 = tpu.memref_slice %arg5[%gather3A_178] : memref<2048xf32, #tpu.memory_space<vmem>> -> memref<32xf32, #tpu.memory_space<vmem>>
      %gather3A_180 = tpu.vector_load_idx %gather3A_179[%get3A_74] : memref<32xf32, #tpu.memory_space<vmem>>[vector<16xi32>], vector<16xf32>,
      %swap3A_181 = arith.constant 15 : i32
      %swap3A_182 = arith.index_cast %swap3A_181 : i32 to index
      %swap3A_183 = arith.index_cast %add3A_73 : i32 to index
      %swap3A_184 = tpu.vector_load %arg8[%swap3A_182, %swap3A_183] {strides = array<i32>} : memref<64x256xf32, #tpu.memory_space<vmem>>, vector<16xf32>,
      tpu.vector_store %arg8[%swap3A_182, %swap3A_183], %gather3A_180 {strides = array<i32>} : memref<64x256xf32, #tpu.memory_space<vmem>>, vector<16xf32>,
      %gather3A_185 = arith.constant 512 : i32
      %gather3A_186 = tpu.memref_slice %arg5[%gather3A_185] : memref<2048xf32, #tpu.memory_space<vmem>> -> memref<32xf32, #tpu.memory_space<vmem>>
      %gather3A_187 = tpu.vector_load_idx %gather3A_186[%get3A_74] : memref<32xf32, #tpu.memory_space<vmem>>[vector<16xi32>], vector<16xf32>,
      %swap3A_188 = arith.constant 16 : i32
      %swap3A_189 = arith.index_cast %swap3A_188 : i32 to index
      %swap3A_190 = arith.index_cast %add3A_73 : i32 to index
      %swap3A_191 = tpu.vector_load %arg8[%swap3A_189, %swap3A_190] {strides = array<i32>} : memref<64x256xf32, #tpu.memory_space<vmem>>, vector<16xf32>,
      tpu.vector_store %arg8[%swap3A_189, %swap3A_190], %gather3A_187 {strides = array<i32>} : memref<64x256xf32, #tpu.memory_space<vmem>>, vector<16xf32>,
      %gather3A_192 = arith.constant 544 : i32
      %gather3A_193 = tpu.memref_slice %arg5[%gather3A_192] : memref<2048xf32, #tpu.memory_space<vmem>> -> memref<32xf32, #tpu.memory_space<vmem>>
      %gather3A_194 = tpu.vector_load_idx %gather3A_193[%get3A_74] : memref<32xf32, #tpu.memory_space<vmem>>[vector<16xi32>], vector<16xf32>,
      %swap3A_195 = arith.constant 17 : i32
      %swap3A_196 = arith.index_cast %swap3A_195 : i32 to index
      %swap3A_197 = arith.index_cast %add3A_73 : i32 to index
      %swap3A_198 = tpu.vector_load %arg8[%swap3A_196, %swap3A_197] {strides = array<i32>} : memref<64x256xf32, #tpu.memory_space<vmem>>, vector<16xf32>,
      tpu.vector_store %arg8[%swap3A_196, %swap3A_197], %gather3A_194 {strides = array<i32>} : memref<64x256xf32, #tpu.memory_space<vmem>>, vector<16xf32>,
      %gather3A_199 = arith.constant 576 : i32
      %gather3A_200 = tpu.memref_slice %arg5[%gather3A_199] : memref<2048xf32, #tpu.memory_space<vmem>> -> memref<32xf32, #tpu.memory_space<vmem>>
      %gather3A_201 = tpu.vector_load_idx %gather3A_200[%get3A_74] : memref<32xf32, #tpu.memory_space<vmem>>[vector<16xi32>], vector<16xf32>,
      %swap3A_202 = arith.constant 18 : i32
      %swap3A_203 = arith.index_cast %swap3A_202 : i32 to index
      %swap3A_204 = arith.index_cast %add3A_73 : i32 to index
      %swap3A_205 = tpu.vector_load %arg8[%swap3A_203, %swap3A_204] {strides = array<i32>} : memref<64x256xf32, #tpu.memory_space<vmem>>, vector<16xf32>,
      tpu.vector_store %arg8[%swap3A_203, %swap3A_204], %gather3A_201 {strides = array<i32>} : memref<64x256xf32, #tpu.memory_space<vmem>>, vector<16xf32>,
      %gather3A_206 = arith.constant 608 : i32
      %gather3A_207 = tpu.memref_slice %arg5[%gather3A_206] : memref<2048xf32, #tpu.memory_space<vmem>> -> memref<32xf32, #tpu.memory_space<vmem>>
      %gather3A_208 = tpu.vector_load_idx %gather3A_207[%get3A_74] : memref<32xf32, #tpu.memory_space<vmem>>[vector<16xi32>], vector<16xf32>,
      %swap3A_209 = arith.constant 19 : i32
      %swap3A_210 = arith.index_cast %swap3A_209 : i32 to index
      %swap3A_211 = arith.index_cast %add3A_73 : i32 to index
      %swap3A_212 = tpu.vector_load %arg8[%swap3A_210, %swap3A_211] {strides = array<i32>} : memref<64x256xf32, #tpu.memory_space<vmem>>, vector<16xf32>,
      tpu.vector_store %arg8[%swap3A_210, %swap3A_211], %gather3A_208 {strides = array<i32>} : memref<64x256xf32, #tpu.memory_space<vmem>>, vector<16xf32>,
      %gather3A_213 = arith.constant 640 : i32
      %gather3A_214 = tpu.memref_slice %arg5[%gather3A_213] : memref<2048xf32, #tpu.memory_space<vmem>> -> memref<32xf32, #tpu.memory_space<vmem>>
      %gather3A_215 = tpu.vector_load_idx %gather3A_214[%get3A_74] : memref<32xf32, #tpu.memory_space<vmem>>[vector<16xi32>], vector<16xf32>,
      %swap3A_216 = arith.constant 20 : i32
      %swap3A_217 = arith.index_cast %swap3A_216 : i32 to index
      %swap3A_218 = arith.index_cast %add3A_73 : i32 to index
      %swap3A_219 = tpu.vector_load %arg8[%swap3A_217, %swap3A_218] {strides = array<i32>} : memref<64x256xf32, #tpu.memory_space<vmem>>, vector<16xf32>,
      tpu.vector_store %arg8[%swap3A_217, %swap3A_218], %gather3A_215 {strides = array<i32>} : memref<64x256xf32, #tpu.memory_space<vmem>>, vector<16xf32>,
      %gather3A_220 = arith.constant 672 : i32
      %gather3A_221 = tpu.memref_slice %arg5[%gather3A_220] : memref<2048xf32, #tpu.memory_space<vmem>> -> memref<32xf32, #tpu.memory_space<vmem>>
      %gather3A_222 = tpu.vector_load_idx %gather3A_221[%get3A_74] : memref<32xf32, #tpu.memory_space<vmem>>[vector<16xi32>], vector<16xf32>,
      %swap3A_223 = arith.constant 21 : i32
      %swap3A_224 = arith.index_cast %swap3A_223 : i32 to index
      %swap3A_225 = arith.index_cast %add3A_73 : i32 to index
      %swap3A_226 = tpu.vector_load %arg8[%swap3A_224, %swap3A_225] {strides = array<i32>} : memref<64x256xf32, #tpu.memory_space<vmem>>, vector<16xf32>,
      tpu.vector_store %arg8[%swap3A_224, %swap3A_225], %gather3A_222 {strides = array<i32>} : memref<64x256xf32, #tpu.memory_space<vmem>>, vector<16xf32>,
      %gather3A_227 = arith.constant 704 : i32
      %gather3A_228 = tpu.memref_slice %arg5[%gather3A_227] : memref<2048xf32, #tpu.memory_space<vmem>> -> memref<32xf32, #tpu.memory_space<vmem>>
      %gather3A_229 = tpu.vector_load_idx %gather3A_228[%get3A_74] : memref<32xf32, #tpu.memory_space<vmem>>[vector<16xi32>], vector<16xf32>,
      %swap3A_230 = arith.constant 22 : i32
      %swap3A_231 = arith.index_cast %swap3A_230 : i32 to index
      %swap3A_232 = arith.index_cast %add3A_73 : i32 to index
      %swap3A_233 = tpu.vector_load %arg8[%swap3A_231, %swap3A_232] {strides = array<i32>} : memref<64x256xf32, #tpu.memory_space<vmem>>, vector<16xf32>,
      tpu.vector_store %arg8[%swap3A_231, %swap3A_232], %gather3A_229 {strides = array<i32>} : memref<64x256xf32, #tpu.memory_space<vmem>>, vector<16xf32>,
      %gather3A_234 = arith.constant 736 : i32
      %gather3A_235 = tpu.memref_slice %arg5[%gather3A_234] : memref<2048xf32, #tpu.memory_space<vmem>> -> memref<32xf32, #tpu.memory_space<vmem>>
      %gather3A_236 = tpu.vector_load_idx %gather3A_235[%get3A_74] : memref<32xf32, #tpu.memory_space<vmem>>[vector<16xi32>], vector<16xf32>,
      %swap3A_237 = arith.constant 23 : i32
      %swap3A_238 = arith.index_cast %swap3A_237 : i32 to index
      %swap3A_239 = arith.index_cast %add3A_73 : i32 to index
      %swap3A_240 = tpu.vector_load %arg8[%swap3A_238, %swap3A_239] {strides = array<i32>} : memref<64x256xf32, #tpu.memory_space<vmem>>, vector<16xf32>,
      tpu.vector_store %arg8[%swap3A_238, %swap3A_239], %gather3A_236 {strides = array<i32>} : memref<64x256xf32, #tpu.memory_space<vmem>>, vector<16xf32>,
      %gather3A_241 = arith.constant 768 : i32
      %gather3A_242 = tpu.memref_slice %arg5[%gather3A_241] : memref<2048xf32, #tpu.memory_space<vmem>> -> memref<32xf32, #tpu.memory_space<vmem>>
      %gather3A_243 = tpu.vector_load_idx %gather3A_242[%get3A_74] : memref<32xf32, #tpu.memory_space<vmem>>[vector<16xi32>], vector<16xf32>,
      %swap3A_244 = arith.constant 24 : i32
      %swap3A_245 = arith.index_cast %swap3A_244 : i32 to index
      %swap3A_246 = arith.index_cast %add3A_73 : i32 to index
      %swap3A_247 = tpu.vector_load %arg8[%swap3A_245, %swap3A_246] {strides = array<i32>} : memref<64x256xf32, #tpu.memory_space<vmem>>, vector<16xf32>,
      tpu.vector_store %arg8[%swap3A_245, %swap3A_246], %gather3A_243 {strides = array<i32>} : memref<64x256xf32, #tpu.memory_space<vmem>>, vector<16xf32>,
      %gather3A_248 = arith.constant 800 : i32
      %gather3A_249 = tpu.memref_slice %arg5[%gather3A_248] : memref<2048xf32, #tpu.memory_space<vmem>> -> memref<32xf32, #tpu.memory_space<vmem>>
      %gather3A_250 = tpu.vector_load_idx %gather3A_249[%get3A_74] : memref<32xf32, #tpu.memory_space<vmem>>[vector<16xi32>], vector<16xf32>,
      %swap3A_251 = arith.constant 25 : i32
      %swap3A_252 = arith.index_cast %swap3A_251 : i32 to index
      %swap3A_253 = arith.index_cast %add3A_73 : i32 to index
      %swap3A_254 = tpu.vector_load %arg8[%swap3A_252, %swap3A_253] {strides = array<i32>} : memref<64x256xf32, #tpu.memory_space<vmem>>, vector<16xf32>,
      tpu.vector_store %arg8[%swap3A_252, %swap3A_253], %gather3A_250 {strides = array<i32>} : memref<64x256xf32, #tpu.memory_space<vmem>>, vector<16xf32>,
      %gather3A_255 = arith.constant 832 : i32
      %gather3A_256 = tpu.memref_slice %arg5[%gather3A_255] : memref<2048xf32, #tpu.memory_space<vmem>> -> memref<32xf32, #tpu.memory_space<vmem>>
      %gather3A_257 = tpu.vector_load_idx %gather3A_256[%get3A_74] : memref<32xf32, #tpu.memory_space<vmem>>[vector<16xi32>], vector<16xf32>,
      %swap3A_258 = arith.constant 26 : i32
      %swap3A_259 = arith.index_cast %swap3A_258 : i32 to index
      %swap3A_260 = arith.index_cast %add3A_73 : i32 to index
      %swap3A_261 = tpu.vector_load %arg8[%swap3A_259, %swap3A_260] {strides = array<i32>} : memref<64x256xf32, #tpu.memory_space<vmem>>, vector<16xf32>,
      tpu.vector_store %arg8[%swap3A_259, %swap3A_260], %gather3A_257 {strides = array<i32>} : memref<64x256xf32, #tpu.memory_space<vmem>>, vector<16xf32>,
      %gather3A_262 = arith.constant 864 : i32
      %gather3A_263 = tpu.memref_slice %arg5[%gather3A_262] : memref<2048xf32, #tpu.memory_space<vmem>> -> memref<32xf32, #tpu.memory_space<vmem>>
      %gather3A_264 = tpu.vector_load_idx %gather3A_263[%get3A_74] : memref<32xf32, #tpu.memory_space<vmem>>[vector<16xi32>], vector<16xf32>,
      %swap3A_265 = arith.constant 27 : i32
      %swap3A_266 = arith.index_cast %swap3A_265 : i32 to index
      %swap3A_267 = arith.index_cast %add3A_73 : i32 to index
      %swap3A_268 = tpu.vector_load %arg8[%swap3A_266, %swap3A_267] {strides = array<i32>} : memref<64x256xf32, #tpu.memory_space<vmem>>, vector<16xf32>,
      tpu.vector_store %arg8[%swap3A_266, %swap3A_267], %gather3A_264 {strides = array<i32>} : memref<64x256xf32, #tpu.memory_space<vmem>>, vector<16xf32>,
      %gather3A_269 = arith.constant 896 : i32
      %gather3A_270 = tpu.memref_slice %arg5[%gather3A_269] : memref<2048xf32, #tpu.memory_space<vmem>> -> memref<32xf32, #tpu.memory_space<vmem>>
      %gather3A_271 = tpu.vector_load_idx %gather3A_270[%get3A_74] : memref<32xf32, #tpu.memory_space<vmem>>[vector<16xi32>], vector<16xf32>,
      %swap3A_272 = arith.constant 28 : i32
      %swap3A_273 = arith.index_cast %swap3A_272 : i32 to index
      %swap3A_274 = arith.index_cast %add3A_73 : i32 to index
      %swap3A_275 = tpu.vector_load %arg8[%swap3A_273, %swap3A_274] {strides = array<i32>} : memref<64x256xf32, #tpu.memory_space<vmem>>, vector<16xf32>,
      tpu.vector_store %arg8[%swap3A_273, %swap3A_274], %gather3A_271 {strides = array<i32>} : memref<64x256xf32, #tpu.memory_space<vmem>>, vector<16xf32>,
      %gather3A_276 = arith.constant 928 : i32
      %gather3A_277 = tpu.memref_slice %arg5[%gather3A_276] : memref<2048xf32, #tpu.memory_space<vmem>> -> memref<32xf32, #tpu.memory_space<vmem>>
      %gather3A_278 = tpu.vector_load_idx %gather3A_277[%get3A_74] : memref<32xf32, #tpu.memory_space<vmem>>[vector<16xi32>], vector<16xf32>,
      %swap3A_279 = arith.constant 29 : i32
      %swap3A_280 = arith.index_cast %swap3A_279 : i32 to index
      %swap3A_281 = arith.index_cast %add3A_73 : i32 to index
      %swap3A_282 = tpu.vector_load %arg8[%swap3A_280, %swap3A_281] {strides = array<i32>} : memref<64x256xf32, #tpu.memory_space<vmem>>, vector<16xf32>,
      tpu.vector_store %arg8[%swap3A_280, %swap3A_281], %gather3A_278 {strides = array<i32>} : memref<64x256xf32, #tpu.memory_space<vmem>>, vector<16xf32>,
      %gather3A_283 = arith.constant 960 : i32
      %gather3A_284 = tpu.memref_slice %arg5[%gather3A_283] : memref<2048xf32, #tpu.memory_space<vmem>> -> memref<32xf32, #tpu.memory_space<vmem>>
      %gather3A_285 = tpu.vector_load_idx %gather3A_284[%get3A_74] : memref<32xf32, #tpu.memory_space<vmem>>[vector<16xi32>], vector<16xf32>,
      %swap3A_286 = arith.constant 30 : i32
      %swap3A_287 = arith.index_cast %swap3A_286 : i32 to index
      %swap3A_288 = arith.index_cast %add3A_73 : i32 to index
      %swap3A_289 = tpu.vector_load %arg8[%swap3A_287, %swap3A_288] {strides = array<i32>} : memref<64x256xf32, #tpu.memory_space<vmem>>, vector<16xf32>,
      tpu.vector_store %arg8[%swap3A_287, %swap3A_288], %gather3A_285 {strides = array<i32>} : memref<64x256xf32, #tpu.memory_space<vmem>>, vector<16xf32>,
      %gather3A_290 = arith.constant 992 : i32
      %gather3A_291 = tpu.memref_slice %arg5[%gather3A_290] : memref<2048xf32, #tpu.memory_space<vmem>> -> memref<32xf32, #tpu.memory_space<vmem>>
      %gather3A_292 = tpu.vector_load_idx %gather3A_291[%get3A_74] : memref<32xf32, #tpu.memory_space<vmem>>[vector<16xi32>], vector<16xf32>,
      %swap3A_293 = arith.constant 31 : i32
      %swap3A_294 = arith.index_cast %swap3A_293 : i32 to index
      %swap3A_295 = arith.index_cast %add3A_73 : i32 to index
      %swap3A_296 = tpu.vector_load %arg8[%swap3A_294, %swap3A_295] {strides = array<i32>} : memref<64x256xf32, #tpu.memory_space<vmem>>, vector<16xf32>,
      tpu.vector_store %arg8[%swap3A_294, %swap3A_295], %gather3A_292 {strides = array<i32>} : memref<64x256xf32, #tpu.memory_space<vmem>>, vector<16xf32>,
      %gather3A_297 = arith.constant 1024 : i32
      %gather3A_298 = tpu.memref_slice %arg5[%gather3A_297] : memref<2048xf32, #tpu.memory_space<vmem>> -> memref<32xf32, #tpu.memory_space<vmem>>
      %gather3A_299 = tpu.vector_load_idx %gather3A_298[%get3A_74] : memref<32xf32, #tpu.memory_space<vmem>>[vector<16xi32>], vector<16xf32>,
      %swap3A_300 = arith.constant 32 : i32
      %swap3A_301 = arith.index_cast %swap3A_300 : i32 to index
      %swap3A_302 = arith.index_cast %add3A_73 : i32 to index
      %swap3A_303 = tpu.vector_load %arg8[%swap3A_301, %swap3A_302] {strides = array<i32>} : memref<64x256xf32, #tpu.memory_space<vmem>>, vector<16xf32>,
      tpu.vector_store %arg8[%swap3A_301, %swap3A_302], %gather3A_299 {strides = array<i32>} : memref<64x256xf32, #tpu.memory_space<vmem>>, vector<16xf32>,
      %gather3A_304 = arith.constant 1056 : i32
      %gather3A_305 = tpu.memref_slice %arg5[%gather3A_304] : memref<2048xf32, #tpu.memory_space<vmem>> -> memref<32xf32, #tpu.memory_space<vmem>>
      %gather3A_306 = tpu.vector_load_idx %gather3A_305[%get3A_74] : memref<32xf32, #tpu.memory_space<vmem>>[vector<16xi32>], vector<16xf32>,
      %swap3A_307 = arith.constant 33 : i32
      %swap3A_308 = arith.index_cast %swap3A_307 : i32 to index
      %swap3A_309 = arith.index_cast %add3A_73 : i32 to index
      %swap3A_310 = tpu.vector_load %arg8[%swap3A_308, %swap3A_309] {strides = array<i32>} : memref<64x256xf32, #tpu.memory_space<vmem>>, vector<16xf32>,
      tpu.vector_store %arg8[%swap3A_308, %swap3A_309], %gather3A_306 {strides = array<i32>} : memref<64x256xf32, #tpu.memory_space<vmem>>, vector<16xf32>,
      %gather3A_311 = arith.constant 1088 : i32
      %gather3A_312 = tpu.memref_slice %arg5[%gather3A_311] : memref<2048xf32, #tpu.memory_space<vmem>> -> memref<32xf32, #tpu.memory_space<vmem>>
      %gather3A_313 = tpu.vector_load_idx %gather3A_312[%get3A_74] : memref<32xf32, #tpu.memory_space<vmem>>[vector<16xi32>], vector<16xf32>,
      %swap3A_314 = arith.constant 34 : i32
      %swap3A_315 = arith.index_cast %swap3A_314 : i32 to index
      %swap3A_316 = arith.index_cast %add3A_73 : i32 to index
      %swap3A_317 = tpu.vector_load %arg8[%swap3A_315, %swap3A_316] {strides = array<i32>} : memref<64x256xf32, #tpu.memory_space<vmem>>, vector<16xf32>,
      tpu.vector_store %arg8[%swap3A_315, %swap3A_316], %gather3A_313 {strides = array<i32>} : memref<64x256xf32, #tpu.memory_space<vmem>>, vector<16xf32>,
      %gather3A_318 = arith.constant 1120 : i32
      %gather3A_319 = tpu.memref_slice %arg5[%gather3A_318] : memref<2048xf32, #tpu.memory_space<vmem>> -> memref<32xf32, #tpu.memory_space<vmem>>
      %gather3A_320 = tpu.vector_load_idx %gather3A_319[%get3A_74] : memref<32xf32, #tpu.memory_space<vmem>>[vector<16xi32>], vector<16xf32>,
      %swap3A_321 = arith.constant 35 : i32
      %swap3A_322 = arith.index_cast %swap3A_321 : i32 to index
      %swap3A_323 = arith.index_cast %add3A_73 : i32 to index
      %swap3A_324 = tpu.vector_load %arg8[%swap3A_322, %swap3A_323] {strides = array<i32>} : memref<64x256xf32, #tpu.memory_space<vmem>>, vector<16xf32>,
      tpu.vector_store %arg8[%swap3A_322, %swap3A_323], %gather3A_320 {strides = array<i32>} : memref<64x256xf32, #tpu.memory_space<vmem>>, vector<16xf32>,
      %gather3A_325 = arith.constant 1152 : i32
      %gather3A_326 = tpu.memref_slice %arg5[%gather3A_325] : memref<2048xf32, #tpu.memory_space<vmem>> -> memref<32xf32, #tpu.memory_space<vmem>>
      %gather3A_327 = tpu.vector_load_idx %gather3A_326[%get3A_74] : memref<32xf32, #tpu.memory_space<vmem>>[vector<16xi32>], vector<16xf32>,
      %swap3A_328 = arith.constant 36 : i32
      %swap3A_329 = arith.index_cast %swap3A_328 : i32 to index
      %swap3A_330 = arith.index_cast %add3A_73 : i32 to index
      %swap3A_331 = tpu.vector_load %arg8[%swap3A_329, %swap3A_330] {strides = array<i32>} : memref<64x256xf32, #tpu.memory_space<vmem>>, vector<16xf32>,
      tpu.vector_store %arg8[%swap3A_329, %swap3A_330], %gather3A_327 {strides = array<i32>} : memref<64x256xf32, #tpu.memory_space<vmem>>, vector<16xf32>,
      %gather3A_332 = arith.constant 1184 : i32
      %gather3A_333 = tpu.memref_slice %arg5[%gather3A_332] : memref<2048xf32, #tpu.memory_space<vmem>> -> memref<32xf32, #tpu.memory_space<vmem>>
      %gather3A_334 = tpu.vector_load_idx %gather3A_333[%get3A_74] : memref<32xf32, #tpu.memory_space<vmem>>[vector<16xi32>], vector<16xf32>,
      %swap3A_335 = arith.constant 37 : i32
      %swap3A_336 = arith.index_cast %swap3A_335 : i32 to index
      %swap3A_337 = arith.index_cast %add3A_73 : i32 to index
      %swap3A_338 = tpu.vector_load %arg8[%swap3A_336, %swap3A_337] {strides = array<i32>} : memref<64x256xf32, #tpu.memory_space<vmem>>, vector<16xf32>,
      tpu.vector_store %arg8[%swap3A_336, %swap3A_337], %gather3A_334 {strides = array<i32>} : memref<64x256xf32, #tpu.memory_space<vmem>>, vector<16xf32>,
      %gather3A_339 = arith.constant 1216 : i32
      %gather3A_340 = tpu.memref_slice %arg5[%gather3A_339] : memref<2048xf32, #tpu.memory_space<vmem>> -> memref<32xf32, #tpu.memory_space<vmem>>
      %gather3A_341 = tpu.vector_load_idx %gather3A_340[%get3A_74] : memref<32xf32, #tpu.memory_space<vmem>>[vector<16xi32>], vector<16xf32>,
      %swap3A_342 = arith.constant 38 : i32
      %swap3A_343 = arith.index_cast %swap3A_342 : i32 to index
      %swap3A_344 = arith.index_cast %add3A_73 : i32 to index
      %swap3A_345 = tpu.vector_load %arg8[%swap3A_343, %swap3A_344] {strides = array<i32>} : memref<64x256xf32, #tpu.memory_space<vmem>>, vector<16xf32>,
      tpu.vector_store %arg8[%swap3A_343, %swap3A_344], %gather3A_341 {strides = array<i32>} : memref<64x256xf32, #tpu.memory_space<vmem>>, vector<16xf32>,
      %gather3A_346 = arith.constant 1248 : i32
      %gather3A_347 = tpu.memref_slice %arg5[%gather3A_346] : memref<2048xf32, #tpu.memory_space<vmem>> -> memref<32xf32, #tpu.memory_space<vmem>>
      %gather3A_348 = tpu.vector_load_idx %gather3A_347[%get3A_74] : memref<32xf32, #tpu.memory_space<vmem>>[vector<16xi32>], vector<16xf32>,
      %swap3A_349 = arith.constant 39 : i32
      %swap3A_350 = arith.index_cast %swap3A_349 : i32 to index
      %swap3A_351 = arith.index_cast %add3A_73 : i32 to index
      %swap3A_352 = tpu.vector_load %arg8[%swap3A_350, %swap3A_351] {strides = array<i32>} : memref<64x256xf32, #tpu.memory_space<vmem>>, vector<16xf32>,
      tpu.vector_store %arg8[%swap3A_350, %swap3A_351], %gather3A_348 {strides = array<i32>} : memref<64x256xf32, #tpu.memory_space<vmem>>, vector<16xf32>,
      %gather3A_353 = arith.constant 1280 : i32
      %gather3A_354 = tpu.memref_slice %arg5[%gather3A_353] : memref<2048xf32, #tpu.memory_space<vmem>> -> memref<32xf32, #tpu.memory_space<vmem>>
      %gather3A_355 = tpu.vector_load_idx %gather3A_354[%get3A_74] : memref<32xf32, #tpu.memory_space<vmem>>[vector<16xi32>], vector<16xf32>,
      %swap3A_356 = arith.constant 40 : i32
      %swap3A_357 = arith.index_cast %swap3A_356 : i32 to index
      %swap3A_358 = arith.index_cast %add3A_73 : i32 to index
      %swap3A_359 = tpu.vector_load %arg8[%swap3A_357, %swap3A_358] {strides = array<i32>} : memref<64x256xf32, #tpu.memory_space<vmem>>, vector<16xf32>,
      tpu.vector_store %arg8[%swap3A_357, %swap3A_358], %gather3A_355 {strides = array<i32>} : memref<64x256xf32, #tpu.memory_space<vmem>>, vector<16xf32>,
      %gather3A_360 = arith.constant 1312 : i32
      %gather3A_361 = tpu.memref_slice %arg5[%gather3A_360] : memref<2048xf32, #tpu.memory_space<vmem>> -> memref<32xf32, #tpu.memory_space<vmem>>
      %gather3A_362 = tpu.vector_load_idx %gather3A_361[%get3A_74] : memref<32xf32, #tpu.memory_space<vmem>>[vector<16xi32>], vector<16xf32>,
      %swap3A_363 = arith.constant 41 : i32
      %swap3A_364 = arith.index_cast %swap3A_363 : i32 to index
      %swap3A_365 = arith.index_cast %add3A_73 : i32 to index
      %swap3A_366 = tpu.vector_load %arg8[%swap3A_364, %swap3A_365] {strides = array<i32>} : memref<64x256xf32, #tpu.memory_space<vmem>>, vector<16xf32>,
      tpu.vector_store %arg8[%swap3A_364, %swap3A_365], %gather3A_362 {strides = array<i32>} : memref<64x256xf32, #tpu.memory_space<vmem>>, vector<16xf32>,
      %gather3A_367 = arith.constant 1344 : i32
      %gather3A_368 = tpu.memref_slice %arg5[%gather3A_367] : memref<2048xf32, #tpu.memory_space<vmem>> -> memref<32xf32, #tpu.memory_space<vmem>>
      %gather3A_369 = tpu.vector_load_idx %gather3A_368[%get3A_74] : memref<32xf32, #tpu.memory_space<vmem>>[vector<16xi32>], vector<16xf32>,
      %swap3A_370 = arith.constant 42 : i32
      %swap3A_371 = arith.index_cast %swap3A_370 : i32 to index
      %swap3A_372 = arith.index_cast %add3A_73 : i32 to index
      %swap3A_373 = tpu.vector_load %arg8[%swap3A_371, %swap3A_372] {strides = array<i32>} : memref<64x256xf32, #tpu.memory_space<vmem>>, vector<16xf32>,
      tpu.vector_store %arg8[%swap3A_371, %swap3A_372], %gather3A_369 {strides = array<i32>} : memref<64x256xf32, #tpu.memory_space<vmem>>, vector<16xf32>,
      %gather3A_374 = arith.constant 1376 : i32
      %gather3A_375 = tpu.memref_slice %arg5[%gather3A_374] : memref<2048xf32, #tpu.memory_space<vmem>> -> memref<32xf32, #tpu.memory_space<vmem>>
      %gather3A_376 = tpu.vector_load_idx %gather3A_375[%get3A_74] : memref<32xf32, #tpu.memory_space<vmem>>[vector<16xi32>], vector<16xf32>,
      %swap3A_377 = arith.constant 43 : i32
      %swap3A_378 = arith.index_cast %swap3A_377 : i32 to index
      %swap3A_379 = arith.index_cast %add3A_73 : i32 to index
      %swap3A_380 = tpu.vector_load %arg8[%swap3A_378, %swap3A_379] {strides = array<i32>} : memref<64x256xf32, #tpu.memory_space<vmem>>, vector<16xf32>,
      tpu.vector_store %arg8[%swap3A_378, %swap3A_379], %gather3A_376 {strides = array<i32>} : memref<64x256xf32, #tpu.memory_space<vmem>>, vector<16xf32>,
      %gather3A_381 = arith.constant 1408 : i32
      %gather3A_382 = tpu.memref_slice %arg5[%gather3A_381] : memref<2048xf32, #tpu.memory_space<vmem>> -> memref<32xf32, #tpu.memory_space<vmem>>
      %gather3A_383 = tpu.vector_load_idx %gather3A_382[%get3A_74] : memref<32xf32, #tpu.memory_space<vmem>>[vector<16xi32>], vector<16xf32>,
      %swap3A_384 = arith.constant 44 : i32
      %swap3A_385 = arith.index_cast %swap3A_384 : i32 to index
      %swap3A_386 = arith.index_cast %add3A_73 : i32 to index
      %swap3A_387 = tpu.vector_load %arg8[%swap3A_385, %swap3A_386] {strides = array<i32>} : memref<64x256xf32, #tpu.memory_space<vmem>>, vector<16xf32>,
      tpu.vector_store %arg8[%swap3A_385, %swap3A_386], %gather3A_383 {strides = array<i32>} : memref<64x256xf32, #tpu.memory_space<vmem>>, vector<16xf32>,
      %gather3A_388 = arith.constant 1440 : i32
      %gather3A_389 = tpu.memref_slice %arg5[%gather3A_388] : memref<2048xf32, #tpu.memory_space<vmem>> -> memref<32xf32, #tpu.memory_space<vmem>>
      %gather3A_390 = tpu.vector_load_idx %gather3A_389[%get3A_74] : memref<32xf32, #tpu.memory_space<vmem>>[vector<16xi32>], vector<16xf32>,
      %swap3A_391 = arith.constant 45 : i32
      %swap3A_392 = arith.index_cast %swap3A_391 : i32 to index
      %swap3A_393 = arith.index_cast %add3A_73 : i32 to index
      %swap3A_394 = tpu.vector_load %arg8[%swap3A_392, %swap3A_393] {strides = array<i32>} : memref<64x256xf32, #tpu.memory_space<vmem>>, vector<16xf32>,
      tpu.vector_store %arg8[%swap3A_392, %swap3A_393], %gather3A_390 {strides = array<i32>} : memref<64x256xf32, #tpu.memory_space<vmem>>, vector<16xf32>,
      %gather3A_395 = arith.constant 1472 : i32
      %gather3A_396 = tpu.memref_slice %arg5[%gather3A_395] : memref<2048xf32, #tpu.memory_space<vmem>> -> memref<32xf32, #tpu.memory_space<vmem>>
      %gather3A_397 = tpu.vector_load_idx %gather3A_396[%get3A_74] : memref<32xf32, #tpu.memory_space<vmem>>[vector<16xi32>], vector<16xf32>,
      %swap3A_398 = arith.constant 46 : i32
      %swap3A_399 = arith.index_cast %swap3A_398 : i32 to index
      %swap3A_400 = arith.index_cast %add3A_73 : i32 to index
      %swap3A_401 = tpu.vector_load %arg8[%swap3A_399, %swap3A_400] {strides = array<i32>} : memref<64x256xf32, #tpu.memory_space<vmem>>, vector<16xf32>,
      tpu.vector_store %arg8[%swap3A_399, %swap3A_400], %gather3A_397 {strides = array<i32>} : memref<64x256xf32, #tpu.memory_space<vmem>>, vector<16xf32>,
      %gather3A_402 = arith.constant 1504 : i32
      %gather3A_403 = tpu.memref_slice %arg5[%gather3A_402] : memref<2048xf32, #tpu.memory_space<vmem>> -> memref<32xf32, #tpu.memory_space<vmem>>
      %gather3A_404 = tpu.vector_load_idx %gather3A_403[%get3A_74] : memref<32xf32, #tpu.memory_space<vmem>>[vector<16xi32>], vector<16xf32>,
      %swap3A_405 = arith.constant 47 : i32
      %swap3A_406 = arith.index_cast %swap3A_405 : i32 to index
      %swap3A_407 = arith.index_cast %add3A_73 : i32 to index
      %swap3A_408 = tpu.vector_load %arg8[%swap3A_406, %swap3A_407] {strides = array<i32>} : memref<64x256xf32, #tpu.memory_space<vmem>>, vector<16xf32>,
      tpu.vector_store %arg8[%swap3A_406, %swap3A_407], %gather3A_404 {strides = array<i32>} : memref<64x256xf32, #tpu.memory_space<vmem>>, vector<16xf32>,
      %gather3A_409 = arith.constant 1536 : i32
      %gather3A_410 = tpu.memref_slice %arg5[%gather3A_409] : memref<2048xf32, #tpu.memory_space<vmem>> -> memref<32xf32, #tpu.memory_space<vmem>>
      %gather3A_411 = tpu.vector_load_idx %gather3A_410[%get3A_74] : memref<32xf32, #tpu.memory_space<vmem>>[vector<16xi32>], vector<16xf32>,
      %swap3A_412 = arith.constant 48 : i32
      %swap3A_413 = arith.index_cast %swap3A_412 : i32 to index
      %swap3A_414 = arith.index_cast %add3A_73 : i32 to index
      %swap3A_415 = tpu.vector_load %arg8[%swap3A_413, %swap3A_414] {strides = array<i32>} : memref<64x256xf32, #tpu.memory_space<vmem>>, vector<16xf32>,
      tpu.vector_store %arg8[%swap3A_413, %swap3A_414], %gather3A_411 {strides = array<i32>} : memref<64x256xf32, #tpu.memory_space<vmem>>, vector<16xf32>,
      %gather3A_416 = arith.constant 1568 : i32
      %gather3A_417 = tpu.memref_slice %arg5[%gather3A_416] : memref<2048xf32, #tpu.memory_space<vmem>> -> memref<32xf32, #tpu.memory_space<vmem>>
      %gather3A_418 = tpu.vector_load_idx %gather3A_417[%get3A_74] : memref<32xf32, #tpu.memory_space<vmem>>[vector<16xi32>], vector<16xf32>,
      %swap3A_419 = arith.constant 49 : i32
      %swap3A_420 = arith.index_cast %swap3A_419 : i32 to index
      %swap3A_421 = arith.index_cast %add3A_73 : i32 to index
      %swap3A_422 = tpu.vector_load %arg8[%swap3A_420, %swap3A_421] {strides = array<i32>} : memref<64x256xf32, #tpu.memory_space<vmem>>, vector<16xf32>,
      tpu.vector_store %arg8[%swap3A_420, %swap3A_421], %gather3A_418 {strides = array<i32>} : memref<64x256xf32, #tpu.memory_space<vmem>>, vector<16xf32>,
      %gather3A_423 = arith.constant 1600 : i32
      %gather3A_424 = tpu.memref_slice %arg5[%gather3A_423] : memref<2048xf32, #tpu.memory_space<vmem>> -> memref<32xf32, #tpu.memory_space<vmem>>
      %gather3A_425 = tpu.vector_load_idx %gather3A_424[%get3A_74] : memref<32xf32, #tpu.memory_space<vmem>>[vector<16xi32>], vector<16xf32>,
      %swap3A_426 = arith.constant 50 : i32
      %swap3A_427 = arith.index_cast %swap3A_426 : i32 to index
      %swap3A_428 = arith.index_cast %add3A_73 : i32 to index
      %swap3A_429 = tpu.vector_load %arg8[%swap3A_427, %swap3A_428] {strides = array<i32>} : memref<64x256xf32, #tpu.memory_space<vmem>>, vector<16xf32>,
      tpu.vector_store %arg8[%swap3A_427, %swap3A_428], %gather3A_425 {strides = array<i32>} : memref<64x256xf32, #tpu.memory_space<vmem>>, vector<16xf32>,
      %gather3A_430 = arith.constant 1632 : i32
      %gather3A_431 = tpu.memref_slice %arg5[%gather3A_430] : memref<2048xf32, #tpu.memory_space<vmem>> -> memref<32xf32, #tpu.memory_space<vmem>>
      %gather3A_432 = tpu.vector_load_idx %gather3A_431[%get3A_74] : memref<32xf32, #tpu.memory_space<vmem>>[vector<16xi32>], vector<16xf32>,
      %swap3A_433 = arith.constant 51 : i32
      %swap3A_434 = arith.index_cast %swap3A_433 : i32 to index
      %swap3A_435 = arith.index_cast %add3A_73 : i32 to index
      %swap3A_436 = tpu.vector_load %arg8[%swap3A_434, %swap3A_435] {strides = array<i32>} : memref<64x256xf32, #tpu.memory_space<vmem>>, vector<16xf32>,
      tpu.vector_store %arg8[%swap3A_434, %swap3A_435], %gather3A_432 {strides = array<i32>} : memref<64x256xf32, #tpu.memory_space<vmem>>, vector<16xf32>,
      %gather3A_437 = arith.constant 1664 : i32
      %gather3A_438 = tpu.memref_slice %arg5[%gather3A_437] : memref<2048xf32, #tpu.memory_space<vmem>> -> memref<32xf32, #tpu.memory_space<vmem>>
      %gather3A_439 = tpu.vector_load_idx %gather3A_438[%get3A_74] : memref<32xf32, #tpu.memory_space<vmem>>[vector<16xi32>], vector<16xf32>,
      %swap3A_440 = arith.constant 52 : i32
      %swap3A_441 = arith.index_cast %swap3A_440 : i32 to index
      %swap3A_442 = arith.index_cast %add3A_73 : i32 to index
      %swap3A_443 = tpu.vector_load %arg8[%swap3A_441, %swap3A_442] {strides = array<i32>} : memref<64x256xf32, #tpu.memory_space<vmem>>, vector<16xf32>,
      tpu.vector_store %arg8[%swap3A_441, %swap3A_442], %gather3A_439 {strides = array<i32>} : memref<64x256xf32, #tpu.memory_space<vmem>>, vector<16xf32>,
      %gather3A_444 = arith.constant 1696 : i32
      %gather3A_445 = tpu.memref_slice %arg5[%gather3A_444] : memref<2048xf32, #tpu.memory_space<vmem>> -> memref<32xf32, #tpu.memory_space<vmem>>
      %gather3A_446 = tpu.vector_load_idx %gather3A_445[%get3A_74] : memref<32xf32, #tpu.memory_space<vmem>>[vector<16xi32>], vector<16xf32>,
      %swap3A_447 = arith.constant 53 : i32
      %swap3A_448 = arith.index_cast %swap3A_447 : i32 to index
      %swap3A_449 = arith.index_cast %add3A_73 : i32 to index
      %swap3A_450 = tpu.vector_load %arg8[%swap3A_448, %swap3A_449] {strides = array<i32>} : memref<64x256xf32, #tpu.memory_space<vmem>>, vector<16xf32>,
      tpu.vector_store %arg8[%swap3A_448, %swap3A_449], %gather3A_446 {strides = array<i32>} : memref<64x256xf32, #tpu.memory_space<vmem>>, vector<16xf32>,
      %gather3A_451 = arith.constant 1728 : i32
      %gather3A_452 = tpu.memref_slice %arg5[%gather3A_451] : memref<2048xf32, #tpu.memory_space<vmem>> -> memref<32xf32, #tpu.memory_space<vmem>>
      %gather3A_453 = tpu.vector_load_idx %gather3A_452[%get3A_74] : memref<32xf32, #tpu.memory_space<vmem>>[vector<16xi32>], vector<16xf32>,
      %swap3A_454 = arith.constant 54 : i32
      %swap3A_455 = arith.index_cast %swap3A_454 : i32 to index
      %swap3A_456 = arith.index_cast %add3A_73 : i32 to index
      %swap3A_457 = tpu.vector_load %arg8[%swap3A_455, %swap3A_456] {strides = array<i32>} : memref<64x256xf32, #tpu.memory_space<vmem>>, vector<16xf32>,
      tpu.vector_store %arg8[%swap3A_455, %swap3A_456], %gather3A_453 {strides = array<i32>} : memref<64x256xf32, #tpu.memory_space<vmem>>, vector<16xf32>,
      %gather3A_458 = arith.constant 1760 : i32
      %gather3A_459 = tpu.memref_slice %arg5[%gather3A_458] : memref<2048xf32, #tpu.memory_space<vmem>> -> memref<32xf32, #tpu.memory_space<vmem>>
      %gather3A_460 = tpu.vector_load_idx %gather3A_459[%get3A_74] : memref<32xf32, #tpu.memory_space<vmem>>[vector<16xi32>], vector<16xf32>,
      %swap3A_461 = arith.constant 55 : i32
      %swap3A_462 = arith.index_cast %swap3A_461 : i32 to index
      %swap3A_463 = arith.index_cast %add3A_73 : i32 to index
      %swap3A_464 = tpu.vector_load %arg8[%swap3A_462, %swap3A_463] {strides = array<i32>} : memref<64x256xf32, #tpu.memory_space<vmem>>, vector<16xf32>,
      tpu.vector_store %arg8[%swap3A_462, %swap3A_463], %gather3A_460 {strides = array<i32>} : memref<64x256xf32, #tpu.memory_space<vmem>>, vector<16xf32>,
      %gather3A_465 = arith.constant 1792 : i32
      %gather3A_466 = tpu.memref_slice %arg5[%gather3A_465] : memref<2048xf32, #tpu.memory_space<vmem>> -> memref<32xf32, #tpu.memory_space<vmem>>
      %gather3A_467 = tpu.vector_load_idx %gather3A_466[%get3A_74] : memref<32xf32, #tpu.memory_space<vmem>>[vector<16xi32>], vector<16xf32>,
      %swap3A_468 = arith.constant 56 : i32
      %swap3A_469 = arith.index_cast %swap3A_468 : i32 to index
      %swap3A_470 = arith.index_cast %add3A_73 : i32 to index
      %swap3A_471 = tpu.vector_load %arg8[%swap3A_469, %swap3A_470] {strides = array<i32>} : memref<64x256xf32, #tpu.memory_space<vmem>>, vector<16xf32>,
      tpu.vector_store %arg8[%swap3A_469, %swap3A_470], %gather3A_467 {strides = array<i32>} : memref<64x256xf32, #tpu.memory_space<vmem>>, vector<16xf32>,
      %gather3A_472 = arith.constant 1824 : i32
      %gather3A_473 = tpu.memref_slice %arg5[%gather3A_472] : memref<2048xf32, #tpu.memory_space<vmem>> -> memref<32xf32, #tpu.memory_space<vmem>>
      %gather3A_474 = tpu.vector_load_idx %gather3A_473[%get3A_74] : memref<32xf32, #tpu.memory_space<vmem>>[vector<16xi32>], vector<16xf32>,
      %swap3A_475 = arith.constant 57 : i32
      %swap3A_476 = arith.index_cast %swap3A_475 : i32 to index
      %swap3A_477 = arith.index_cast %add3A_73 : i32 to index
      %swap3A_478 = tpu.vector_load %arg8[%swap3A_476, %swap3A_477] {strides = array<i32>} : memref<64x256xf32, #tpu.memory_space<vmem>>, vector<16xf32>,
      tpu.vector_store %arg8[%swap3A_476, %swap3A_477], %gather3A_474 {strides = array<i32>} : memref<64x256xf32, #tpu.memory_space<vmem>>, vector<16xf32>,
      %gather3A_479 = arith.constant 1856 : i32
      %gather3A_480 = tpu.memref_slice %arg5[%gather3A_479] : memref<2048xf32, #tpu.memory_space<vmem>> -> memref<32xf32, #tpu.memory_space<vmem>>
      %gather3A_481 = tpu.vector_load_idx %gather3A_480[%get3A_74] : memref<32xf32, #tpu.memory_space<vmem>>[vector<16xi32>], vector<16xf32>,
      %swap3A_482 = arith.constant 58 : i32
      %swap3A_483 = arith.index_cast %swap3A_482 : i32 to index
      %swap3A_484 = arith.index_cast %add3A_73 : i32 to index
      %swap3A_485 = tpu.vector_load %arg8[%swap3A_483, %swap3A_484] {strides = array<i32>} : memref<64x256xf32, #tpu.memory_space<vmem>>, vector<16xf32>,
      tpu.vector_store %arg8[%swap3A_483, %swap3A_484], %gather3A_481 {strides = array<i32>} : memref<64x256xf32, #tpu.memory_space<vmem>>, vector<16xf32>,
      %gather3A_486 = arith.constant 1888 : i32
      %gather3A_487 = tpu.memref_slice %arg5[%gather3A_486] : memref<2048xf32, #tpu.memory_space<vmem>> -> memref<32xf32, #tpu.memory_space<vmem>>
      %gather3A_488 = tpu.vector_load_idx %gather3A_487[%get3A_74] : memref<32xf32, #tpu.memory_space<vmem>>[vector<16xi32>], vector<16xf32>,
      %swap3A_489 = arith.constant 59 : i32
      %swap3A_490 = arith.index_cast %swap3A_489 : i32 to index
      %swap3A_491 = arith.index_cast %add3A_73 : i32 to index
      %swap3A_492 = tpu.vector_load %arg8[%swap3A_490, %swap3A_491] {strides = array<i32>} : memref<64x256xf32, #tpu.memory_space<vmem>>, vector<16xf32>,
      tpu.vector_store %arg8[%swap3A_490, %swap3A_491], %gather3A_488 {strides = array<i32>} : memref<64x256xf32, #tpu.memory_space<vmem>>, vector<16xf32>,
      %gather3A_493 = arith.constant 1920 : i32
      %gather3A_494 = tpu.memref_slice %arg5[%gather3A_493] : memref<2048xf32, #tpu.memory_space<vmem>> -> memref<32xf32, #tpu.memory_space<vmem>>
      %gather3A_495 = tpu.vector_load_idx %gather3A_494[%get3A_74] : memref<32xf32, #tpu.memory_space<vmem>>[vector<16xi32>], vector<16xf32>,
      %swap3A_496 = arith.constant 60 : i32
      %swap3A_497 = arith.index_cast %swap3A_496 : i32 to index
      %swap3A_498 = arith.index_cast %add3A_73 : i32 to index
      %swap3A_499 = tpu.vector_load %arg8[%swap3A_497, %swap3A_498] {strides = array<i32>} : memref<64x256xf32, #tpu.memory_space<vmem>>, vector<16xf32>,
      tpu.vector_store %arg8[%swap3A_497, %swap3A_498], %gather3A_495 {strides = array<i32>} : memref<64x256xf32, #tpu.memory_space<vmem>>, vector<16xf32>,
      %gather3A_500 = arith.constant 1952 : i32
      %gather3A_501 = tpu.memref_slice %arg5[%gather3A_500] : memref<2048xf32, #tpu.memory_space<vmem>> -> memref<32xf32, #tpu.memory_space<vmem>>
      %gather3A_502 = tpu.vector_load_idx %gather3A_501[%get3A_74] : memref<32xf32, #tpu.memory_space<vmem>>[vector<16xi32>], vector<16xf32>,
      %swap3A_503 = arith.constant 61 : i32
      %swap3A_504 = arith.index_cast %swap3A_503 : i32 to index
      %swap3A_505 = arith.index_cast %add3A_73 : i32 to index
      %swap3A_506 = tpu.vector_load %arg8[%swap3A_504, %swap3A_505] {strides = array<i32>} : memref<64x256xf32, #tpu.memory_space<vmem>>, vector<16xf32>,
      tpu.vector_store %arg8[%swap3A_504, %swap3A_505], %gather3A_502 {strides = array<i32>} : memref<64x256xf32, #tpu.memory_space<vmem>>, vector<16xf32>,
      %gather3A_507 = arith.constant 1984 : i32
      %gather3A_508 = tpu.memref_slice %arg5[%gather3A_507] : memref<2048xf32, #tpu.memory_space<vmem>> -> memref<32xf32, #tpu.memory_space<vmem>>
      %gather3A_509 = tpu.vector_load_idx %gather3A_508[%get3A_74] : memref<32xf32, #tpu.memory_space<vmem>>[vector<16xi32>], vector<16xf32>,
      %swap3A_510 = arith.constant 62 : i32
      %swap3A_511 = arith.index_cast %swap3A_510 : i32 to index
      %swap3A_512 = arith.index_cast %add3A_73 : i32 to index
      %swap3A_513 = tpu.vector_load %arg8[%swap3A_511, %swap3A_512] {strides = array<i32>} : memref<64x256xf32, #tpu.memory_space<vmem>>, vector<16xf32>,
      tpu.vector_store %arg8[%swap3A_511, %swap3A_512], %gather3A_509 {strides = array<i32>} : memref<64x256xf32, #tpu.memory_space<vmem>>, vector<16xf32>,
      %gather3A_514 = arith.constant 2016 : i32
      %gather3A_515 = tpu.memref_slice %arg5[%gather3A_514] : memref<2048xf32, #tpu.memory_space<vmem>> -> memref<32xf32, #tpu.memory_space<vmem>>
      %gather3A_516 = tpu.vector_load_idx %gather3A_515[%get3A_74] : memref<32xf32, #tpu.memory_space<vmem>>[vector<16xi32>], vector<16xf32>,
      %swap3A_517 = arith.constant 63 : i32
      %swap3A_518 = arith.index_cast %swap3A_517 : i32 to index
      %swap3A_519 = arith.index_cast %add3A_73 : i32 to index
      %swap3A_520 = tpu.vector_load %arg8[%swap3A_518, %swap3A_519] {strides = array<i32>} : memref<64x256xf32, #tpu.memory_space<vmem>>, vector<16xf32>,
      tpu.vector_store %arg8[%swap3A_518, %swap3A_519], %gather3A_516 {strides = array<i32>} : memref<64x256xf32, #tpu.memory_space<vmem>>, vector<16xf32>,
    }
    %scan3A_39 = arith.constant 16 : i32
    %dma_start3A_40 = arith.constant 0 : i32
    %dma_start3A_41 = tpu.memref_slice %arg4[%dma_start3A_40, %mul3A_30] : memref<64x100000xf32, #tpu.memory_space<hbm>> -> memref<64x256xf32, #tpu.memory_space<hbm>>
    %dma_start3A_42 = arith.constant 0 : i32
    %dma_start3A_43 = tpu.memref_slice %arg4[%dma_start3A_42, %mul3A_30] : memref<64x100000xf32, #tpu.memory_space<hbm>> -> memref<64x256xf32, #tpu.memory_space<hbm>>
    tpu.enqueue_dma source(%arg8 : memref<64x256xf32, #tpu.memory_space<vmem>>) target(%dma_start3A_43 : memref<64x256xf32, #tpu.memory_space<hbm>>) target_semaphore(%arg12 : memref<!tpu.dma_semaphore, #tpu.memory_space<semaphore_mem>>)
    %add3A_44 = arith.constant 12 : i32
    %add3A_45 = arith.constant 2 : i32
    %add3A_46 = arith.addi %add3A_44, %add3A_45 : i32
    %lt3A_47 = arith.constant 13 : i32
    %lt3A_48 = arith.cmpi slt, %add3A_46, %lt3A_47 : i32
    %convert_element_type3A_49 = arith.extui %lt3A_48 : i1 to i32
    %cond3A_50 = arith.constant 12 : i32
    %cond3A_51 = arith.constant 0 : i32
    %cond3A_52 = arith.cmpi ne, %convert_element_type3A_49, %cond3A_51 : i32
    scf.if %cond3A_52 {
      %add3A_69 = arith.constant 2 : i32
      %add3A_70 = arith.addi %cond3A_50, %add3A_69 : i32
      %mul3A_71 = arith.constant 32 : i32
      %mul3A_72 = arith.muli %add3A_70, %mul3A_71 : i32
      %add3A_73 = arith.addi %add3A, %mul3A_72 : i32
      %lt3A_74 = arith.constant 390 : i32
      %lt3A_75 = arith.cmpi slt, %add3A_73, %lt3A_74 : i32
      %select_n3A_76 = arith.select %lt3A_75, %add3A_73, %add3A : i32
      %mul3A_77 = arith.constant 256 : i32
      %mul3A_78 = arith.muli %select_n3A_76, %mul3A_77 : i32
      %dma_start3A_79 = tpu.memref_slice %arg3[%mul3A_78] : memref<100000xi32, #tpu.memory_space<hbm>> -> memref<256xi32, #tpu.memory_space<hbm>>
      %dma_start3A_80 = tpu.memref_slice %arg3[%mul3A_78] : memref<100000xi32, #tpu.memory_space<hbm>> -> memref<256xi32, #tpu.memory_space<hbm>>
      tpu.enqueue_dma source(%dma_start3A_80 : memref<256xi32, #tpu.memory_space<hbm>>) target(%arg6 : memref<256xi32, #tpu.memory_space<vmem>>) target_semaphore(%arg14 : memref<!tpu.dma_semaphore, #tpu.memory_space<semaphore_mem>>)
    } else {
    }
    %dma_wait3A_53 = arith.constant 0 : i32
    %dma_wait3A_54 = arith.constant 0 : i32
    %dma_wait3A_55 = tpu.memref_slice %arg4[%dma_wait3A_53, %dma_wait3A_54] : memref<64x100000xf32, #tpu.memory_space<hbm>> -> memref<64x256xf32, #tpu.memory_space<hbm>>
    %dma_wait3A_56 = arith.constant 0 : i32
    %dma_wait3A_57 = arith.constant 0 : i32
    %dma_wait3A_58 = tpu.memref_slice %arg4[%dma_wait3A_56, %dma_wait3A_57] : memref<64x100000xf32, #tpu.memory_space<hbm>> -> memref<64x256xf32, #tpu.memory_space<hbm>>
    tpu.wait_dma2 semaphore(%arg12 : memref<!tpu.dma_semaphore, #tpu.memory_space<semaphore_mem>>) src(%arg8 : memref<64x256xf32, #tpu.memory_space<vmem>>) dst(%dma_wait3A_58 : memref<64x256xf32, #tpu.memory_space<hbm>>)
    %dma_wait3A_59 = arith.constant 0 : i32
    %dma_wait3A_60 = arith.constant 0 : i32
    %dma_wait3A_61 = tpu.memref_slice %arg4[%dma_wait3A_59, %dma_wait3A_60] : memref<64x100000xf32, #tpu.memory_space<hbm>> -> memref<64x256xf32, #tpu.memory_space<hbm>>
    %dma_wait3A_62 = arith.constant 0 : i32
    %dma_wait3A_63 = arith.constant 0 : i32
    %dma_wait3A_64 = tpu.memref_slice %arg4[%dma_wait3A_62, %dma_wait3A_63] : memref<64x100000xf32, #tpu.memory_space<hbm>> -> memref<64x256xf32, #tpu.memory_space<hbm>>
    tpu.wait_dma2 semaphore(%arg13 : memref<!tpu.dma_semaphore, #tpu.memory_space<semaphore_mem>>) src(%arg9 : memref<64x256xf32, #tpu.memory_space<vmem>>) dst(%dma_wait3A_64 : memref<64x256xf32, #tpu.memory_space<hbm>>)
    %eq3A = arith.constant 31 : i32
    %eq3A_65 = arith.cmpi eq, %add3A, %eq3A : i32
    %convert_element_type3A_66 = arith.extui %eq3A_65 : i1 to i32
    %cond3A_67 = arith.constant 0 : i32
    %cond3A_68 = arith.cmpi ne, %convert_element_type3A_66, %cond3A_67 : i32
    scf.if %cond3A_68 {
      "tpu.region"() ({
        %run_scoped3A = tpu.sem_alloc : memref<!tpu.dma_semaphore, #tpu.memory_space<semaphore_mem>>
        %dma_start3A_74 = arith.constant 99840 : i32
        %dma_start3A_75 = tpu.memref_slice %arg3[%dma_start3A_74] : memref<100000xi32, #tpu.memory_space<hbm>> -> memref<160xi32, #tpu.memory_space<hbm>>
        %dma_start3A_76 = arith.constant 99840 : i32
        %dma_start3A_77 = tpu.memref_slice %arg3[%dma_start3A_76] : memref<100000xi32, #tpu.memory_space<hbm>> -> memref<160xi32, #tpu.memory_space<hbm>>
        tpu.enqueue_dma source(%dma_start3A_77 : memref<160xi32, #tpu.memory_space<hbm>>) target(%arg10 : memref<160xi32, #tpu.memory_space<vmem>>) target_semaphore(%run_scoped3A : memref<!tpu.dma_semaphore, #tpu.memory_space<semaphore_mem>>)
        %dma_wait3A_78 = arith.constant 99840 : i32
        %dma_wait3A_79 = tpu.memref_slice %arg3[%dma_wait3A_78] : memref<100000xi32, #tpu.memory_space<hbm>> -> memref<160xi32, #tpu.memory_space<hbm>>
        %dma_wait3A_80 = arith.constant 99840 : i32
        %dma_wait3A_81 = tpu.memref_slice %arg3[%dma_wait3A_80] : memref<100000xi32, #tpu.memory_space<hbm>> -> memref<160xi32, #tpu.memory_space<hbm>>
        tpu.wait_dma2 semaphore(%run_scoped3A : memref<!tpu.dma_semaphore, #tpu.memory_space<semaphore_mem>>) src(%dma_wait3A_81 : memref<160xi32, #tpu.memory_space<hbm>>) dst(%arg10 : memref<160xi32, #tpu.memory_space<vmem>>)
        tpu.yield
      }) : () -> ()
      %scan3A_69 = arith.constant 0 : i32
      %scan3A_70 = arith.constant 10 : i32
      %scan3A_71 = arith.addi %scan3A_69, %scan3A_70 : i32
      %scan3A_72 = arith.constant 1 : i32
      scf.for %scan3A_74 = %scan3A_69 to %scan3A_71 step %scan3A_72  : i32 {
        %mul3A_75 = arith.constant 16 : i32
        %mul3A_76 = arith.muli %scan3A_74, %mul3A_75 : i32
        %add3A_77 = arith.constant 0 : i32
        %add3A_78 = arith.addi %add3A_77, %mul3A_76 : i32
        %get3A = arith.index_cast %add3A_78 : i32 to index
        %get3A_79 = tpu.vector_load %arg10[%get3A] {strides = array<i32>} : memref<160xi32, #tpu.memory_space<vmem>>, vector<16xi32>,
        %gather3A = arith.constant 0 : i32
        %gather3A_80 = tpu.memref_slice %arg5[%gather3A] : memref<2048xf32, #tpu.memory_space<vmem>> -> memref<32xf32, #tpu.memory_space<vmem>>
        %gather3A_81 = tpu.vector_load_idx %gather3A_80[%get3A_79] : memref<32xf32, #tpu.memory_space<vmem>>[vector<16xi32>], vector<16xf32>,
        %swap3A = arith.constant 0 : i32
        %swap3A_82 = arith.index_cast %swap3A : i32 to index
        %swap3A_83 = arith.index_cast %add3A_78 : i32 to index
        %swap3A_84 = tpu.vector_load %arg11[%swap3A_82, %swap3A_83] {strides = array<i32>} : memref<64x160xf32, #tpu.memory_space<vmem>>, vector<16xf32>,
        tpu.vector_store %arg11[%swap3A_82, %swap3A_83], %gather3A_81 {strides = array<i32>} : memref<64x160xf32, #tpu.memory_space<vmem>>, vector<16xf32>,
        %gather3A_85 = arith.constant 32 : i32
        %gather3A_86 = tpu.memref_slice %arg5[%gather3A_85] : memref<2048xf32, #tpu.memory_space<vmem>> -> memref<32xf32, #tpu.memory_space<vmem>>
        %gather3A_87 = tpu.vector_load_idx %gather3A_86[%get3A_79] : memref<32xf32, #tpu.memory_space<vmem>>[vector<16xi32>], vector<16xf32>,
        %swap3A_88 = arith.constant 1 : i32
        %swap3A_89 = arith.index_cast %swap3A_88 : i32 to index
        %swap3A_90 = arith.index_cast %add3A_78 : i32 to index
        %swap3A_91 = tpu.vector_load %arg11[%swap3A_89, %swap3A_90] {strides = array<i32>} : memref<64x160xf32, #tpu.memory_space<vmem>>, vector<16xf32>,
        tpu.vector_store %arg11[%swap3A_89, %swap3A_90], %gather3A_87 {strides = array<i32>} : memref<64x160xf32, #tpu.memory_space<vmem>>, vector<16xf32>,
        %gather3A_92 = arith.constant 64 : i32
        %gather3A_93 = tpu.memref_slice %arg5[%gather3A_92] : memref<2048xf32, #tpu.memory_space<vmem>> -> memref<32xf32, #tpu.memory_space<vmem>>
        %gather3A_94 = tpu.vector_load_idx %gather3A_93[%get3A_79] : memref<32xf32, #tpu.memory_space<vmem>>[vector<16xi32>], vector<16xf32>,
        %swap3A_95 = arith.constant 2 : i32
        %swap3A_96 = arith.index_cast %swap3A_95 : i32 to index
        %swap3A_97 = arith.index_cast %add3A_78 : i32 to index
        %swap3A_98 = tpu.vector_load %arg11[%swap3A_96, %swap3A_97] {strides = array<i32>} : memref<64x160xf32, #tpu.memory_space<vmem>>, vector<16xf32>,
        tpu.vector_store %arg11[%swap3A_96, %swap3A_97], %gather3A_94 {strides = array<i32>} : memref<64x160xf32, #tpu.memory_space<vmem>>, vector<16xf32>,
        %gather3A_99 = arith.constant 96 : i32
        %gather3A_100 = tpu.memref_slice %arg5[%gather3A_99] : memref<2048xf32, #tpu.memory_space<vmem>> -> memref<32xf32, #tpu.memory_space<vmem>>
        %gather3A_101 = tpu.vector_load_idx %gather3A_100[%get3A_79] : memref<32xf32, #tpu.memory_space<vmem>>[vector<16xi32>], vector<16xf32>,
        %swap3A_102 = arith.constant 3 : i32
        %swap3A_103 = arith.index_cast %swap3A_102 : i32 to index
        %swap3A_104 = arith.index_cast %add3A_78 : i32 to index
        %swap3A_105 = tpu.vector_load %arg11[%swap3A_103, %swap3A_104] {strides = array<i32>} : memref<64x160xf32, #tpu.memory_space<vmem>>, vector<16xf32>,
        tpu.vector_store %arg11[%swap3A_103, %swap3A_104], %gather3A_101 {strides = array<i32>} : memref<64x160xf32, #tpu.memory_space<vmem>>, vector<16xf32>,
        %gather3A_106 = arith.constant 128 : i32
        %gather3A_107 = tpu.memref_slice %arg5[%gather3A_106] : memref<2048xf32, #tpu.memory_space<vmem>> -> memref<32xf32, #tpu.memory_space<vmem>>
        %gather3A_108 = tpu.vector_load_idx %gather3A_107[%get3A_79] : memref<32xf32, #tpu.memory_space<vmem>>[vector<16xi32>], vector<16xf32>,
        %swap3A_109 = arith.constant 4 : i32
        %swap3A_110 = arith.index_cast %swap3A_109 : i32 to index
        %swap3A_111 = arith.index_cast %add3A_78 : i32 to index
        %swap3A_112 = tpu.vector_load %arg11[%swap3A_110, %swap3A_111] {strides = array<i32>} : memref<64x160xf32, #tpu.memory_space<vmem>>, vector<16xf32>,
        tpu.vector_store %arg11[%swap3A_110, %swap3A_111], %gather3A_108 {strides = array<i32>} : memref<64x160xf32, #tpu.memory_space<vmem>>, vector<16xf32>,
        %gather3A_113 = arith.constant 160 : i32
        %gather3A_114 = tpu.memref_slice %arg5[%gather3A_113] : memref<2048xf32, #tpu.memory_space<vmem>> -> memref<32xf32, #tpu.memory_space<vmem>>
        %gather3A_115 = tpu.vector_load_idx %gather3A_114[%get3A_79] : memref<32xf32, #tpu.memory_space<vmem>>[vector<16xi32>], vector<16xf32>,
        %swap3A_116 = arith.constant 5 : i32
        %swap3A_117 = arith.index_cast %swap3A_116 : i32 to index
        %swap3A_118 = arith.index_cast %add3A_78 : i32 to index
        %swap3A_119 = tpu.vector_load %arg11[%swap3A_117, %swap3A_118] {strides = array<i32>} : memref<64x160xf32, #tpu.memory_space<vmem>>, vector<16xf32>,
        tpu.vector_store %arg11[%swap3A_117, %swap3A_118], %gather3A_115 {strides = array<i32>} : memref<64x160xf32, #tpu.memory_space<vmem>>, vector<16xf32>,
        %gather3A_120 = arith.constant 192 : i32
        %gather3A_121 = tpu.memref_slice %arg5[%gather3A_120] : memref<2048xf32, #tpu.memory_space<vmem>> -> memref<32xf32, #tpu.memory_space<vmem>>
        %gather3A_122 = tpu.vector_load_idx %gather3A_121[%get3A_79] : memref<32xf32, #tpu.memory_space<vmem>>[vector<16xi32>], vector<16xf32>,
        %swap3A_123 = arith.constant 6 : i32
        %swap3A_124 = arith.index_cast %swap3A_123 : i32 to index
        %swap3A_125 = arith.index_cast %add3A_78 : i32 to index
        %swap3A_126 = tpu.vector_load %arg11[%swap3A_124, %swap3A_125] {strides = array<i32>} : memref<64x160xf32, #tpu.memory_space<vmem>>, vector<16xf32>,
        tpu.vector_store %arg11[%swap3A_124, %swap3A_125], %gather3A_122 {strides = array<i32>} : memref<64x160xf32, #tpu.memory_space<vmem>>, vector<16xf32>,
        %gather3A_127 = arith.constant 224 : i32
        %gather3A_128 = tpu.memref_slice %arg5[%gather3A_127] : memref<2048xf32, #tpu.memory_space<vmem>> -> memref<32xf32, #tpu.memory_space<vmem>>
        %gather3A_129 = tpu.vector_load_idx %gather3A_128[%get3A_79] : memref<32xf32, #tpu.memory_space<vmem>>[vector<16xi32>], vector<16xf32>,
        %swap3A_130 = arith.constant 7 : i32
        %swap3A_131 = arith.index_cast %swap3A_130 : i32 to index
        %swap3A_132 = arith.index_cast %add3A_78 : i32 to index
        %swap3A_133 = tpu.vector_load %arg11[%swap3A_131, %swap3A_132] {strides = array<i32>} : memref<64x160xf32, #tpu.memory_space<vmem>>, vector<16xf32>,
        tpu.vector_store %arg11[%swap3A_131, %swap3A_132], %gather3A_129 {strides = array<i32>} : memref<64x160xf32, #tpu.memory_space<vmem>>, vector<16xf32>,
        %gather3A_134 = arith.constant 256 : i32
        %gather3A_135 = tpu.memref_slice %arg5[%gather3A_134] : memref<2048xf32, #tpu.memory_space<vmem>> -> memref<32xf32, #tpu.memory_space<vmem>>
        %gather3A_136 = tpu.vector_load_idx %gather3A_135[%get3A_79] : memref<32xf32, #tpu.memory_space<vmem>>[vector<16xi32>], vector<16xf32>,
        %swap3A_137 = arith.constant 8 : i32
        %swap3A_138 = arith.index_cast %swap3A_137 : i32 to index
        %swap3A_139 = arith.index_cast %add3A_78 : i32 to index
        %swap3A_140 = tpu.vector_load %arg11[%swap3A_138, %swap3A_139] {strides = array<i32>} : memref<64x160xf32, #tpu.memory_space<vmem>>, vector<16xf32>,
        tpu.vector_store %arg11[%swap3A_138, %swap3A_139], %gather3A_136 {strides = array<i32>} : memref<64x160xf32, #tpu.memory_space<vmem>>, vector<16xf32>,
        %gather3A_141 = arith.constant 288 : i32
        %gather3A_142 = tpu.memref_slice %arg5[%gather3A_141] : memref<2048xf32, #tpu.memory_space<vmem>> -> memref<32xf32, #tpu.memory_space<vmem>>
        %gather3A_143 = tpu.vector_load_idx %gather3A_142[%get3A_79] : memref<32xf32, #tpu.memory_space<vmem>>[vector<16xi32>], vector<16xf32>,
        %swap3A_144 = arith.constant 9 : i32
        %swap3A_145 = arith.index_cast %swap3A_144 : i32 to index
        %swap3A_146 = arith.index_cast %add3A_78 : i32 to index
        %swap3A_147 = tpu.vector_load %arg11[%swap3A_145, %swap3A_146] {strides = array<i32>} : memref<64x160xf32, #tpu.memory_space<vmem>>, vector<16xf32>,
        tpu.vector_store %arg11[%swap3A_145, %swap3A_146], %gather3A_143 {strides = array<i32>} : memref<64x160xf32, #tpu.memory_space<vmem>>, vector<16xf32>,
        %gather3A_148 = arith.constant 320 : i32
        %gather3A_149 = tpu.memref_slice %arg5[%gather3A_148] : memref<2048xf32, #tpu.memory_space<vmem>> -> memref<32xf32, #tpu.memory_space<vmem>>
        %gather3A_150 = tpu.vector_load_idx %gather3A_149[%get3A_79] : memref<32xf32, #tpu.memory_space<vmem>>[vector<16xi32>], vector<16xf32>,
        %swap3A_151 = arith.constant 10 : i32
        %swap3A_152 = arith.index_cast %swap3A_151 : i32 to index
        %swap3A_153 = arith.index_cast %add3A_78 : i32 to index
        %swap3A_154 = tpu.vector_load %arg11[%swap3A_152, %swap3A_153] {strides = array<i32>} : memref<64x160xf32, #tpu.memory_space<vmem>>, vector<16xf32>,
        tpu.vector_store %arg11[%swap3A_152, %swap3A_153], %gather3A_150 {strides = array<i32>} : memref<64x160xf32, #tpu.memory_space<vmem>>, vector<16xf32>,
        %gather3A_155 = arith.constant 352 : i32
        %gather3A_156 = tpu.memref_slice %arg5[%gather3A_155] : memref<2048xf32, #tpu.memory_space<vmem>> -> memref<32xf32, #tpu.memory_space<vmem>>
        %gather3A_157 = tpu.vector_load_idx %gather3A_156[%get3A_79] : memref<32xf32, #tpu.memory_space<vmem>>[vector<16xi32>], vector<16xf32>,
        %swap3A_158 = arith.constant 11 : i32
        %swap3A_159 = arith.index_cast %swap3A_158 : i32 to index
        %swap3A_160 = arith.index_cast %add3A_78 : i32 to index
        %swap3A_161 = tpu.vector_load %arg11[%swap3A_159, %swap3A_160] {strides = array<i32>} : memref<64x160xf32, #tpu.memory_space<vmem>>, vector<16xf32>,
        tpu.vector_store %arg11[%swap3A_159, %swap3A_160], %gather3A_157 {strides = array<i32>} : memref<64x160xf32, #tpu.memory_space<vmem>>, vector<16xf32>,
        %gather3A_162 = arith.constant 384 : i32
        %gather3A_163 = tpu.memref_slice %arg5[%gather3A_162] : memref<2048xf32, #tpu.memory_space<vmem>> -> memref<32xf32, #tpu.memory_space<vmem>>
        %gather3A_164 = tpu.vector_load_idx %gather3A_163[%get3A_79] : memref<32xf32, #tpu.memory_space<vmem>>[vector<16xi32>], vector<16xf32>,
        %swap3A_165 = arith.constant 12 : i32
        %swap3A_166 = arith.index_cast %swap3A_165 : i32 to index
        %swap3A_167 = arith.index_cast %add3A_78 : i32 to index
        %swap3A_168 = tpu.vector_load %arg11[%swap3A_166, %swap3A_167] {strides = array<i32>} : memref<64x160xf32, #tpu.memory_space<vmem>>, vector<16xf32>,
        tpu.vector_store %arg11[%swap3A_166, %swap3A_167], %gather3A_164 {strides = array<i32>} : memref<64x160xf32, #tpu.memory_space<vmem>>, vector<16xf32>,
        %gather3A_169 = arith.constant 416 : i32
        %gather3A_170 = tpu.memref_slice %arg5[%gather3A_169] : memref<2048xf32, #tpu.memory_space<vmem>> -> memref<32xf32, #tpu.memory_space<vmem>>
        %gather3A_171 = tpu.vector_load_idx %gather3A_170[%get3A_79] : memref<32xf32, #tpu.memory_space<vmem>>[vector<16xi32>], vector<16xf32>,
        %swap3A_172 = arith.constant 13 : i32
        %swap3A_173 = arith.index_cast %swap3A_172 : i32 to index
        %swap3A_174 = arith.index_cast %add3A_78 : i32 to index
        %swap3A_175 = tpu.vector_load %arg11[%swap3A_173, %swap3A_174] {strides = array<i32>} : memref<64x160xf32, #tpu.memory_space<vmem>>, vector<16xf32>,
        tpu.vector_store %arg11[%swap3A_173, %swap3A_174], %gather3A_171 {strides = array<i32>} : memref<64x160xf32, #tpu.memory_space<vmem>>, vector<16xf32>,
        %gather3A_176 = arith.constant 448 : i32
        %gather3A_177 = tpu.memref_slice %arg5[%gather3A_176] : memref<2048xf32, #tpu.memory_space<vmem>> -> memref<32xf32, #tpu.memory_space<vmem>>
        %gather3A_178 = tpu.vector_load_idx %gather3A_177[%get3A_79] : memref<32xf32, #tpu.memory_space<vmem>>[vector<16xi32>], vector<16xf32>,
        %swap3A_179 = arith.constant 14 : i32
        %swap3A_180 = arith.index_cast %swap3A_179 : i32 to index
        %swap3A_181 = arith.index_cast %add3A_78 : i32 to index
        %swap3A_182 = tpu.vector_load %arg11[%swap3A_180, %swap3A_181] {strides = array<i32>} : memref<64x160xf32, #tpu.memory_space<vmem>>, vector<16xf32>,
        tpu.vector_store %arg11[%swap3A_180, %swap3A_181], %gather3A_178 {strides = array<i32>} : memref<64x160xf32, #tpu.memory_space<vmem>>, vector<16xf32>,
        %gather3A_183 = arith.constant 480 : i32
        %gather3A_184 = tpu.memref_slice %arg5[%gather3A_183] : memref<2048xf32, #tpu.memory_space<vmem>> -> memref<32xf32, #tpu.memory_space<vmem>>
        %gather3A_185 = tpu.vector_load_idx %gather3A_184[%get3A_79] : memref<32xf32, #tpu.memory_space<vmem>>[vector<16xi32>], vector<16xf32>,
        %swap3A_186 = arith.constant 15 : i32
        %swap3A_187 = arith.index_cast %swap3A_186 : i32 to index
        %swap3A_188 = arith.index_cast %add3A_78 : i32 to index
        %swap3A_189 = tpu.vector_load %arg11[%swap3A_187, %swap3A_188] {strides = array<i32>} : memref<64x160xf32, #tpu.memory_space<vmem>>, vector<16xf32>,
        tpu.vector_store %arg11[%swap3A_187, %swap3A_188], %gather3A_185 {strides = array<i32>} : memref<64x160xf32, #tpu.memory_space<vmem>>, vector<16xf32>,
        %gather3A_190 = arith.constant 512 : i32
        %gather3A_191 = tpu.memref_slice %arg5[%gather3A_190] : memref<2048xf32, #tpu.memory_space<vmem>> -> memref<32xf32, #tpu.memory_space<vmem>>
        %gather3A_192 = tpu.vector_load_idx %gather3A_191[%get3A_79] : memref<32xf32, #tpu.memory_space<vmem>>[vector<16xi32>], vector<16xf32>,
        %swap3A_193 = arith.constant 16 : i32
        %swap3A_194 = arith.index_cast %swap3A_193 : i32 to index
        %swap3A_195 = arith.index_cast %add3A_78 : i32 to index
        %swap3A_196 = tpu.vector_load %arg11[%swap3A_194, %swap3A_195] {strides = array<i32>} : memref<64x160xf32, #tpu.memory_space<vmem>>, vector<16xf32>,
        tpu.vector_store %arg11[%swap3A_194, %swap3A_195], %gather3A_192 {strides = array<i32>} : memref<64x160xf32, #tpu.memory_space<vmem>>, vector<16xf32>,
        %gather3A_197 = arith.constant 544 : i32
        %gather3A_198 = tpu.memref_slice %arg5[%gather3A_197] : memref<2048xf32, #tpu.memory_space<vmem>> -> memref<32xf32, #tpu.memory_space<vmem>>
        %gather3A_199 = tpu.vector_load_idx %gather3A_198[%get3A_79] : memref<32xf32, #tpu.memory_space<vmem>>[vector<16xi32>], vector<16xf32>,
        %swap3A_200 = arith.constant 17 : i32
        %swap3A_201 = arith.index_cast %swap3A_200 : i32 to index
        %swap3A_202 = arith.index_cast %add3A_78 : i32 to index
        %swap3A_203 = tpu.vector_load %arg11[%swap3A_201, %swap3A_202] {strides = array<i32>} : memref<64x160xf32, #tpu.memory_space<vmem>>, vector<16xf32>,
        tpu.vector_store %arg11[%swap3A_201, %swap3A_202], %gather3A_199 {strides = array<i32>} : memref<64x160xf32, #tpu.memory_space<vmem>>, vector<16xf32>,
        %gather3A_204 = arith.constant 576 : i32
        %gather3A_205 = tpu.memref_slice %arg5[%gather3A_204] : memref<2048xf32, #tpu.memory_space<vmem>> -> memref<32xf32, #tpu.memory_space<vmem>>
        %gather3A_206 = tpu.vector_load_idx %gather3A_205[%get3A_79] : memref<32xf32, #tpu.memory_space<vmem>>[vector<16xi32>], vector<16xf32>,
        %swap3A_207 = arith.constant 18 : i32
        %swap3A_208 = arith.index_cast %swap3A_207 : i32 to index
        %swap3A_209 = arith.index_cast %add3A_78 : i32 to index
        %swap3A_210 = tpu.vector_load %arg11[%swap3A_208, %swap3A_209] {strides = array<i32>} : memref<64x160xf32, #tpu.memory_space<vmem>>, vector<16xf32>,
        tpu.vector_store %arg11[%swap3A_208, %swap3A_209], %gather3A_206 {strides = array<i32>} : memref<64x160xf32, #tpu.memory_space<vmem>>, vector<16xf32>,
        %gather3A_211 = arith.constant 608 : i32
        %gather3A_212 = tpu.memref_slice %arg5[%gather3A_211] : memref<2048xf32, #tpu.memory_space<vmem>> -> memref<32xf32, #tpu.memory_space<vmem>>
        %gather3A_213 = tpu.vector_load_idx %gather3A_212[%get3A_79] : memref<32xf32, #tpu.memory_space<vmem>>[vector<16xi32>], vector<16xf32>,
        %swap3A_214 = arith.constant 19 : i32
        %swap3A_215 = arith.index_cast %swap3A_214 : i32 to index
        %swap3A_216 = arith.index_cast %add3A_78 : i32 to index
        %swap3A_217 = tpu.vector_load %arg11[%swap3A_215, %swap3A_216] {strides = array<i32>} : memref<64x160xf32, #tpu.memory_space<vmem>>, vector<16xf32>,
        tpu.vector_store %arg11[%swap3A_215, %swap3A_216], %gather3A_213 {strides = array<i32>} : memref<64x160xf32, #tpu.memory_space<vmem>>, vector<16xf32>,
        %gather3A_218 = arith.constant 640 : i32
        %gather3A_219 = tpu.memref_slice %arg5[%gather3A_218] : memref<2048xf32, #tpu.memory_space<vmem>> -> memref<32xf32, #tpu.memory_space<vmem>>
        %gather3A_220 = tpu.vector_load_idx %gather3A_219[%get3A_79] : memref<32xf32, #tpu.memory_space<vmem>>[vector<16xi32>], vector<16xf32>,
        %swap3A_221 = arith.constant 20 : i32
        %swap3A_222 = arith.index_cast %swap3A_221 : i32 to index
        %swap3A_223 = arith.index_cast %add3A_78 : i32 to index
        %swap3A_224 = tpu.vector_load %arg11[%swap3A_222, %swap3A_223] {strides = array<i32>} : memref<64x160xf32, #tpu.memory_space<vmem>>, vector<16xf32>,
        tpu.vector_store %arg11[%swap3A_222, %swap3A_223], %gather3A_220 {strides = array<i32>} : memref<64x160xf32, #tpu.memory_space<vmem>>, vector<16xf32>,
        %gather3A_225 = arith.constant 672 : i32
        %gather3A_226 = tpu.memref_slice %arg5[%gather3A_225] : memref<2048xf32, #tpu.memory_space<vmem>> -> memref<32xf32, #tpu.memory_space<vmem>>
        %gather3A_227 = tpu.vector_load_idx %gather3A_226[%get3A_79] : memref<32xf32, #tpu.memory_space<vmem>>[vector<16xi32>], vector<16xf32>,
        %swap3A_228 = arith.constant 21 : i32
        %swap3A_229 = arith.index_cast %swap3A_228 : i32 to index
        %swap3A_230 = arith.index_cast %add3A_78 : i32 to index
        %swap3A_231 = tpu.vector_load %arg11[%swap3A_229, %swap3A_230] {strides = array<i32>} : memref<64x160xf32, #tpu.memory_space<vmem>>, vector<16xf32>,
        tpu.vector_store %arg11[%swap3A_229, %swap3A_230], %gather3A_227 {strides = array<i32>} : memref<64x160xf32, #tpu.memory_space<vmem>>, vector<16xf32>,
        %gather3A_232 = arith.constant 704 : i32
        %gather3A_233 = tpu.memref_slice %arg5[%gather3A_232] : memref<2048xf32, #tpu.memory_space<vmem>> -> memref<32xf32, #tpu.memory_space<vmem>>
        %gather3A_234 = tpu.vector_load_idx %gather3A_233[%get3A_79] : memref<32xf32, #tpu.memory_space<vmem>>[vector<16xi32>], vector<16xf32>,
        %swap3A_235 = arith.constant 22 : i32
        %swap3A_236 = arith.index_cast %swap3A_235 : i32 to index
        %swap3A_237 = arith.index_cast %add3A_78 : i32 to index
        %swap3A_238 = tpu.vector_load %arg11[%swap3A_236, %swap3A_237] {strides = array<i32>} : memref<64x160xf32, #tpu.memory_space<vmem>>, vector<16xf32>,
        tpu.vector_store %arg11[%swap3A_236, %swap3A_237], %gather3A_234 {strides = array<i32>} : memref<64x160xf32, #tpu.memory_space<vmem>>, vector<16xf32>,
        %gather3A_239 = arith.constant 736 : i32
        %gather3A_240 = tpu.memref_slice %arg5[%gather3A_239] : memref<2048xf32, #tpu.memory_space<vmem>> -> memref<32xf32, #tpu.memory_space<vmem>>
        %gather3A_241 = tpu.vector_load_idx %gather3A_240[%get3A_79] : memref<32xf32, #tpu.memory_space<vmem>>[vector<16xi32>], vector<16xf32>,
        %swap3A_242 = arith.constant 23 : i32
        %swap3A_243 = arith.index_cast %swap3A_242 : i32 to index
        %swap3A_244 = arith.index_cast %add3A_78 : i32 to index
        %swap3A_245 = tpu.vector_load %arg11[%swap3A_243, %swap3A_244] {strides = array<i32>} : memref<64x160xf32, #tpu.memory_space<vmem>>, vector<16xf32>,
        tpu.vector_store %arg11[%swap3A_243, %swap3A_244], %gather3A_241 {strides = array<i32>} : memref<64x160xf32, #tpu.memory_space<vmem>>, vector<16xf32>,
        %gather3A_246 = arith.constant 768 : i32
        %gather3A_247 = tpu.memref_slice %arg5[%gather3A_246] : memref<2048xf32, #tpu.memory_space<vmem>> -> memref<32xf32, #tpu.memory_space<vmem>>
        %gather3A_248 = tpu.vector_load_idx %gather3A_247[%get3A_79] : memref<32xf32, #tpu.memory_space<vmem>>[vector<16xi32>], vector<16xf32>,
        %swap3A_249 = arith.constant 24 : i32
        %swap3A_250 = arith.index_cast %swap3A_249 : i32 to index
        %swap3A_251 = arith.index_cast %add3A_78 : i32 to index
        %swap3A_252 = tpu.vector_load %arg11[%swap3A_250, %swap3A_251] {strides = array<i32>} : memref<64x160xf32, #tpu.memory_space<vmem>>, vector<16xf32>,
        tpu.vector_store %arg11[%swap3A_250, %swap3A_251], %gather3A_248 {strides = array<i32>} : memref<64x160xf32, #tpu.memory_space<vmem>>, vector<16xf32>,
        %gather3A_253 = arith.constant 800 : i32
        %gather3A_254 = tpu.memref_slice %arg5[%gather3A_253] : memref<2048xf32, #tpu.memory_space<vmem>> -> memref<32xf32, #tpu.memory_space<vmem>>
        %gather3A_255 = tpu.vector_load_idx %gather3A_254[%get3A_79] : memref<32xf32, #tpu.memory_space<vmem>>[vector<16xi32>], vector<16xf32>,
        %swap3A_256 = arith.constant 25 : i32
        %swap3A_257 = arith.index_cast %swap3A_256 : i32 to index
        %swap3A_258 = arith.index_cast %add3A_78 : i32 to index
        %swap3A_259 = tpu.vector_load %arg11[%swap3A_257, %swap3A_258] {strides = array<i32>} : memref<64x160xf32, #tpu.memory_space<vmem>>, vector<16xf32>,
        tpu.vector_store %arg11[%swap3A_257, %swap3A_258], %gather3A_255 {strides = array<i32>} : memref<64x160xf32, #tpu.memory_space<vmem>>, vector<16xf32>,
        %gather3A_260 = arith.constant 832 : i32
        %gather3A_261 = tpu.memref_slice %arg5[%gather3A_260] : memref<2048xf32, #tpu.memory_space<vmem>> -> memref<32xf32, #tpu.memory_space<vmem>>
        %gather3A_262 = tpu.vector_load_idx %gather3A_261[%get3A_79] : memref<32xf32, #tpu.memory_space<vmem>>[vector<16xi32>], vector<16xf32>,
        %swap3A_263 = arith.constant 26 : i32
        %swap3A_264 = arith.index_cast %swap3A_263 : i32 to index
        %swap3A_265 = arith.index_cast %add3A_78 : i32 to index
        %swap3A_266 = tpu.vector_load %arg11[%swap3A_264, %swap3A_265] {strides = array<i32>} : memref<64x160xf32, #tpu.memory_space<vmem>>, vector<16xf32>,
        tpu.vector_store %arg11[%swap3A_264, %swap3A_265], %gather3A_262 {strides = array<i32>} : memref<64x160xf32, #tpu.memory_space<vmem>>, vector<16xf32>,
        %gather3A_267 = arith.constant 864 : i32
        %gather3A_268 = tpu.memref_slice %arg5[%gather3A_267] : memref<2048xf32, #tpu.memory_space<vmem>> -> memref<32xf32, #tpu.memory_space<vmem>>
        %gather3A_269 = tpu.vector_load_idx %gather3A_268[%get3A_79] : memref<32xf32, #tpu.memory_space<vmem>>[vector<16xi32>], vector<16xf32>,
        %swap3A_270 = arith.constant 27 : i32
        %swap3A_271 = arith.index_cast %swap3A_270 : i32 to index
        %swap3A_272 = arith.index_cast %add3A_78 : i32 to index
        %swap3A_273 = tpu.vector_load %arg11[%swap3A_271, %swap3A_272] {strides = array<i32>} : memref<64x160xf32, #tpu.memory_space<vmem>>, vector<16xf32>,
        tpu.vector_store %arg11[%swap3A_271, %swap3A_272], %gather3A_269 {strides = array<i32>} : memref<64x160xf32, #tpu.memory_space<vmem>>, vector<16xf32>,
        %gather3A_274 = arith.constant 896 : i32
        %gather3A_275 = tpu.memref_slice %arg5[%gather3A_274] : memref<2048xf32, #tpu.memory_space<vmem>> -> memref<32xf32, #tpu.memory_space<vmem>>
        %gather3A_276 = tpu.vector_load_idx %gather3A_275[%get3A_79] : memref<32xf32, #tpu.memory_space<vmem>>[vector<16xi32>], vector<16xf32>,
        %swap3A_277 = arith.constant 28 : i32
        %swap3A_278 = arith.index_cast %swap3A_277 : i32 to index
        %swap3A_279 = arith.index_cast %add3A_78 : i32 to index
        %swap3A_280 = tpu.vector_load %arg11[%swap3A_278, %swap3A_279] {strides = array<i32>} : memref<64x160xf32, #tpu.memory_space<vmem>>, vector<16xf32>,
        tpu.vector_store %arg11[%swap3A_278, %swap3A_279], %gather3A_276 {strides = array<i32>} : memref<64x160xf32, #tpu.memory_space<vmem>>, vector<16xf32>,
        %gather3A_281 = arith.constant 928 : i32
        %gather3A_282 = tpu.memref_slice %arg5[%gather3A_281] : memref<2048xf32, #tpu.memory_space<vmem>> -> memref<32xf32, #tpu.memory_space<vmem>>
        %gather3A_283 = tpu.vector_load_idx %gather3A_282[%get3A_79] : memref<32xf32, #tpu.memory_space<vmem>>[vector<16xi32>], vector<16xf32>,
        %swap3A_284 = arith.constant 29 : i32
        %swap3A_285 = arith.index_cast %swap3A_284 : i32 to index
        %swap3A_286 = arith.index_cast %add3A_78 : i32 to index
        %swap3A_287 = tpu.vector_load %arg11[%swap3A_285, %swap3A_286] {strides = array<i32>} : memref<64x160xf32, #tpu.memory_space<vmem>>, vector<16xf32>,
        tpu.vector_store %arg11[%swap3A_285, %swap3A_286], %gather3A_283 {strides = array<i32>} : memref<64x160xf32, #tpu.memory_space<vmem>>, vector<16xf32>,
        %gather3A_288 = arith.constant 960 : i32
        %gather3A_289 = tpu.memref_slice %arg5[%gather3A_288] : memref<2048xf32, #tpu.memory_space<vmem>> -> memref<32xf32, #tpu.memory_space<vmem>>
        %gather3A_290 = tpu.vector_load_idx %gather3A_289[%get3A_79] : memref<32xf32, #tpu.memory_space<vmem>>[vector<16xi32>], vector<16xf32>,
        %swap3A_291 = arith.constant 30 : i32
        %swap3A_292 = arith.index_cast %swap3A_291 : i32 to index
        %swap3A_293 = arith.index_cast %add3A_78 : i32 to index
        %swap3A_294 = tpu.vector_load %arg11[%swap3A_292, %swap3A_293] {strides = array<i32>} : memref<64x160xf32, #tpu.memory_space<vmem>>, vector<16xf32>,
        tpu.vector_store %arg11[%swap3A_292, %swap3A_293], %gather3A_290 {strides = array<i32>} : memref<64x160xf32, #tpu.memory_space<vmem>>, vector<16xf32>,
        %gather3A_295 = arith.constant 992 : i32
        %gather3A_296 = tpu.memref_slice %arg5[%gather3A_295] : memref<2048xf32, #tpu.memory_space<vmem>> -> memref<32xf32, #tpu.memory_space<vmem>>
        %gather3A_297 = tpu.vector_load_idx %gather3A_296[%get3A_79] : memref<32xf32, #tpu.memory_space<vmem>>[vector<16xi32>], vector<16xf32>,
        %swap3A_298 = arith.constant 31 : i32
        %swap3A_299 = arith.index_cast %swap3A_298 : i32 to index
        %swap3A_300 = arith.index_cast %add3A_78 : i32 to index
        %swap3A_301 = tpu.vector_load %arg11[%swap3A_299, %swap3A_300] {strides = array<i32>} : memref<64x160xf32, #tpu.memory_space<vmem>>, vector<16xf32>,
        tpu.vector_store %arg11[%swap3A_299, %swap3A_300], %gather3A_297 {strides = array<i32>} : memref<64x160xf32, #tpu.memory_space<vmem>>, vector<16xf32>,
        %gather3A_302 = arith.constant 1024 : i32
        %gather3A_303 = tpu.memref_slice %arg5[%gather3A_302] : memref<2048xf32, #tpu.memory_space<vmem>> -> memref<32xf32, #tpu.memory_space<vmem>>
        %gather3A_304 = tpu.vector_load_idx %gather3A_303[%get3A_79] : memref<32xf32, #tpu.memory_space<vmem>>[vector<16xi32>], vector<16xf32>,
        %swap3A_305 = arith.constant 32 : i32
        %swap3A_306 = arith.index_cast %swap3A_305 : i32 to index
        %swap3A_307 = arith.index_cast %add3A_78 : i32 to index
        %swap3A_308 = tpu.vector_load %arg11[%swap3A_306, %swap3A_307] {strides = array<i32>} : memref<64x160xf32, #tpu.memory_space<vmem>>, vector<16xf32>,
        tpu.vector_store %arg11[%swap3A_306, %swap3A_307], %gather3A_304 {strides = array<i32>} : memref<64x160xf32, #tpu.memory_space<vmem>>, vector<16xf32>,
        %gather3A_309 = arith.constant 1056 : i32
        %gather3A_310 = tpu.memref_slice %arg5[%gather3A_309] : memref<2048xf32, #tpu.memory_space<vmem>> -> memref<32xf32, #tpu.memory_space<vmem>>
        %gather3A_311 = tpu.vector_load_idx %gather3A_310[%get3A_79] : memref<32xf32, #tpu.memory_space<vmem>>[vector<16xi32>], vector<16xf32>,
        %swap3A_312 = arith.constant 33 : i32
        %swap3A_313 = arith.index_cast %swap3A_312 : i32 to index
        %swap3A_314 = arith.index_cast %add3A_78 : i32 to index
        %swap3A_315 = tpu.vector_load %arg11[%swap3A_313, %swap3A_314] {strides = array<i32>} : memref<64x160xf32, #tpu.memory_space<vmem>>, vector<16xf32>,
        tpu.vector_store %arg11[%swap3A_313, %swap3A_314], %gather3A_311 {strides = array<i32>} : memref<64x160xf32, #tpu.memory_space<vmem>>, vector<16xf32>,
        %gather3A_316 = arith.constant 1088 : i32
        %gather3A_317 = tpu.memref_slice %arg5[%gather3A_316] : memref<2048xf32, #tpu.memory_space<vmem>> -> memref<32xf32, #tpu.memory_space<vmem>>
        %gather3A_318 = tpu.vector_load_idx %gather3A_317[%get3A_79] : memref<32xf32, #tpu.memory_space<vmem>>[vector<16xi32>], vector<16xf32>,
        %swap3A_319 = arith.constant 34 : i32
        %swap3A_320 = arith.index_cast %swap3A_319 : i32 to index
        %swap3A_321 = arith.index_cast %add3A_78 : i32 to index
        %swap3A_322 = tpu.vector_load %arg11[%swap3A_320, %swap3A_321] {strides = array<i32>} : memref<64x160xf32, #tpu.memory_space<vmem>>, vector<16xf32>,
        tpu.vector_store %arg11[%swap3A_320, %swap3A_321], %gather3A_318 {strides = array<i32>} : memref<64x160xf32, #tpu.memory_space<vmem>>, vector<16xf32>,
        %gather3A_323 = arith.constant 1120 : i32
        %gather3A_324 = tpu.memref_slice %arg5[%gather3A_323] : memref<2048xf32, #tpu.memory_space<vmem>> -> memref<32xf32, #tpu.memory_space<vmem>>
        %gather3A_325 = tpu.vector_load_idx %gather3A_324[%get3A_79] : memref<32xf32, #tpu.memory_space<vmem>>[vector<16xi32>], vector<16xf32>,
        %swap3A_326 = arith.constant 35 : i32
        %swap3A_327 = arith.index_cast %swap3A_326 : i32 to index
        %swap3A_328 = arith.index_cast %add3A_78 : i32 to index
        %swap3A_329 = tpu.vector_load %arg11[%swap3A_327, %swap3A_328] {strides = array<i32>} : memref<64x160xf32, #tpu.memory_space<vmem>>, vector<16xf32>,
        tpu.vector_store %arg11[%swap3A_327, %swap3A_328], %gather3A_325 {strides = array<i32>} : memref<64x160xf32, #tpu.memory_space<vmem>>, vector<16xf32>,
        %gather3A_330 = arith.constant 1152 : i32
        %gather3A_331 = tpu.memref_slice %arg5[%gather3A_330] : memref<2048xf32, #tpu.memory_space<vmem>> -> memref<32xf32, #tpu.memory_space<vmem>>
        %gather3A_332 = tpu.vector_load_idx %gather3A_331[%get3A_79] : memref<32xf32, #tpu.memory_space<vmem>>[vector<16xi32>], vector<16xf32>,
        %swap3A_333 = arith.constant 36 : i32
        %swap3A_334 = arith.index_cast %swap3A_333 : i32 to index
        %swap3A_335 = arith.index_cast %add3A_78 : i32 to index
        %swap3A_336 = tpu.vector_load %arg11[%swap3A_334, %swap3A_335] {strides = array<i32>} : memref<64x160xf32, #tpu.memory_space<vmem>>, vector<16xf32>,
        tpu.vector_store %arg11[%swap3A_334, %swap3A_335], %gather3A_332 {strides = array<i32>} : memref<64x160xf32, #tpu.memory_space<vmem>>, vector<16xf32>,
        %gather3A_337 = arith.constant 1184 : i32
        %gather3A_338 = tpu.memref_slice %arg5[%gather3A_337] : memref<2048xf32, #tpu.memory_space<vmem>> -> memref<32xf32, #tpu.memory_space<vmem>>
        %gather3A_339 = tpu.vector_load_idx %gather3A_338[%get3A_79] : memref<32xf32, #tpu.memory_space<vmem>>[vector<16xi32>], vector<16xf32>,
        %swap3A_340 = arith.constant 37 : i32
        %swap3A_341 = arith.index_cast %swap3A_340 : i32 to index
        %swap3A_342 = arith.index_cast %add3A_78 : i32 to index
        %swap3A_343 = tpu.vector_load %arg11[%swap3A_341, %swap3A_342] {strides = array<i32>} : memref<64x160xf32, #tpu.memory_space<vmem>>, vector<16xf32>,
        tpu.vector_store %arg11[%swap3A_341, %swap3A_342], %gather3A_339 {strides = array<i32>} : memref<64x160xf32, #tpu.memory_space<vmem>>, vector<16xf32>,
        %gather3A_344 = arith.constant 1216 : i32
        %gather3A_345 = tpu.memref_slice %arg5[%gather3A_344] : memref<2048xf32, #tpu.memory_space<vmem>> -> memref<32xf32, #tpu.memory_space<vmem>>
        %gather3A_346 = tpu.vector_load_idx %gather3A_345[%get3A_79] : memref<32xf32, #tpu.memory_space<vmem>>[vector<16xi32>], vector<16xf32>,
        %swap3A_347 = arith.constant 38 : i32
        %swap3A_348 = arith.index_cast %swap3A_347 : i32 to index
        %swap3A_349 = arith.index_cast %add3A_78 : i32 to index
        %swap3A_350 = tpu.vector_load %arg11[%swap3A_348, %swap3A_349] {strides = array<i32>} : memref<64x160xf32, #tpu.memory_space<vmem>>, vector<16xf32>,
        tpu.vector_store %arg11[%swap3A_348, %swap3A_349], %gather3A_346 {strides = array<i32>} : memref<64x160xf32, #tpu.memory_space<vmem>>, vector<16xf32>,
        %gather3A_351 = arith.constant 1248 : i32
        %gather3A_352 = tpu.memref_slice %arg5[%gather3A_351] : memref<2048xf32, #tpu.memory_space<vmem>> -> memref<32xf32, #tpu.memory_space<vmem>>
        %gather3A_353 = tpu.vector_load_idx %gather3A_352[%get3A_79] : memref<32xf32, #tpu.memory_space<vmem>>[vector<16xi32>], vector<16xf32>,
        %swap3A_354 = arith.constant 39 : i32
        %swap3A_355 = arith.index_cast %swap3A_354 : i32 to index
        %swap3A_356 = arith.index_cast %add3A_78 : i32 to index
        %swap3A_357 = tpu.vector_load %arg11[%swap3A_355, %swap3A_356] {strides = array<i32>} : memref<64x160xf32, #tpu.memory_space<vmem>>, vector<16xf32>,
        tpu.vector_store %arg11[%swap3A_355, %swap3A_356], %gather3A_353 {strides = array<i32>} : memref<64x160xf32, #tpu.memory_space<vmem>>, vector<16xf32>,
        %gather3A_358 = arith.constant 1280 : i32
        %gather3A_359 = tpu.memref_slice %arg5[%gather3A_358] : memref<2048xf32, #tpu.memory_space<vmem>> -> memref<32xf32, #tpu.memory_space<vmem>>
        %gather3A_360 = tpu.vector_load_idx %gather3A_359[%get3A_79] : memref<32xf32, #tpu.memory_space<vmem>>[vector<16xi32>], vector<16xf32>,
        %swap3A_361 = arith.constant 40 : i32
        %swap3A_362 = arith.index_cast %swap3A_361 : i32 to index
        %swap3A_363 = arith.index_cast %add3A_78 : i32 to index
        %swap3A_364 = tpu.vector_load %arg11[%swap3A_362, %swap3A_363] {strides = array<i32>} : memref<64x160xf32, #tpu.memory_space<vmem>>, vector<16xf32>,
        tpu.vector_store %arg11[%swap3A_362, %swap3A_363], %gather3A_360 {strides = array<i32>} : memref<64x160xf32, #tpu.memory_space<vmem>>, vector<16xf32>,
        %gather3A_365 = arith.constant 1312 : i32
        %gather3A_366 = tpu.memref_slice %arg5[%gather3A_365] : memref<2048xf32, #tpu.memory_space<vmem>> -> memref<32xf32, #tpu.memory_space<vmem>>
        %gather3A_367 = tpu.vector_load_idx %gather3A_366[%get3A_79] : memref<32xf32, #tpu.memory_space<vmem>>[vector<16xi32>], vector<16xf32>,
        %swap3A_368 = arith.constant 41 : i32
        %swap3A_369 = arith.index_cast %swap3A_368 : i32 to index
        %swap3A_370 = arith.index_cast %add3A_78 : i32 to index
        %swap3A_371 = tpu.vector_load %arg11[%swap3A_369, %swap3A_370] {strides = array<i32>} : memref<64x160xf32, #tpu.memory_space<vmem>>, vector<16xf32>,
        tpu.vector_store %arg11[%swap3A_369, %swap3A_370], %gather3A_367 {strides = array<i32>} : memref<64x160xf32, #tpu.memory_space<vmem>>, vector<16xf32>,
        %gather3A_372 = arith.constant 1344 : i32
        %gather3A_373 = tpu.memref_slice %arg5[%gather3A_372] : memref<2048xf32, #tpu.memory_space<vmem>> -> memref<32xf32, #tpu.memory_space<vmem>>
        %gather3A_374 = tpu.vector_load_idx %gather3A_373[%get3A_79] : memref<32xf32, #tpu.memory_space<vmem>>[vector<16xi32>], vector<16xf32>,
        %swap3A_375 = arith.constant 42 : i32
        %swap3A_376 = arith.index_cast %swap3A_375 : i32 to index
        %swap3A_377 = arith.index_cast %add3A_78 : i32 to index
        %swap3A_378 = tpu.vector_load %arg11[%swap3A_376, %swap3A_377] {strides = array<i32>} : memref<64x160xf32, #tpu.memory_space<vmem>>, vector<16xf32>,
        tpu.vector_store %arg11[%swap3A_376, %swap3A_377], %gather3A_374 {strides = array<i32>} : memref<64x160xf32, #tpu.memory_space<vmem>>, vector<16xf32>,
        %gather3A_379 = arith.constant 1376 : i32
        %gather3A_380 = tpu.memref_slice %arg5[%gather3A_379] : memref<2048xf32, #tpu.memory_space<vmem>> -> memref<32xf32, #tpu.memory_space<vmem>>
        %gather3A_381 = tpu.vector_load_idx %gather3A_380[%get3A_79] : memref<32xf32, #tpu.memory_space<vmem>>[vector<16xi32>], vector<16xf32>,
        %swap3A_382 = arith.constant 43 : i32
        %swap3A_383 = arith.index_cast %swap3A_382 : i32 to index
        %swap3A_384 = arith.index_cast %add3A_78 : i32 to index
        %swap3A_385 = tpu.vector_load %arg11[%swap3A_383, %swap3A_384] {strides = array<i32>} : memref<64x160xf32, #tpu.memory_space<vmem>>, vector<16xf32>,
        tpu.vector_store %arg11[%swap3A_383, %swap3A_384], %gather3A_381 {strides = array<i32>} : memref<64x160xf32, #tpu.memory_space<vmem>>, vector<16xf32>,
        %gather3A_386 = arith.constant 1408 : i32
        %gather3A_387 = tpu.memref_slice %arg5[%gather3A_386] : memref<2048xf32, #tpu.memory_space<vmem>> -> memref<32xf32, #tpu.memory_space<vmem>>
        %gather3A_388 = tpu.vector_load_idx %gather3A_387[%get3A_79] : memref<32xf32, #tpu.memory_space<vmem>>[vector<16xi32>], vector<16xf32>,
        %swap3A_389 = arith.constant 44 : i32
        %swap3A_390 = arith.index_cast %swap3A_389 : i32 to index
        %swap3A_391 = arith.index_cast %add3A_78 : i32 to index
        %swap3A_392 = tpu.vector_load %arg11[%swap3A_390, %swap3A_391] {strides = array<i32>} : memref<64x160xf32, #tpu.memory_space<vmem>>, vector<16xf32>,
        tpu.vector_store %arg11[%swap3A_390, %swap3A_391], %gather3A_388 {strides = array<i32>} : memref<64x160xf32, #tpu.memory_space<vmem>>, vector<16xf32>,
        %gather3A_393 = arith.constant 1440 : i32
        %gather3A_394 = tpu.memref_slice %arg5[%gather3A_393] : memref<2048xf32, #tpu.memory_space<vmem>> -> memref<32xf32, #tpu.memory_space<vmem>>
        %gather3A_395 = tpu.vector_load_idx %gather3A_394[%get3A_79] : memref<32xf32, #tpu.memory_space<vmem>>[vector<16xi32>], vector<16xf32>,
        %swap3A_396 = arith.constant 45 : i32
        %swap3A_397 = arith.index_cast %swap3A_396 : i32 to index
        %swap3A_398 = arith.index_cast %add3A_78 : i32 to index
        %swap3A_399 = tpu.vector_load %arg11[%swap3A_397, %swap3A_398] {strides = array<i32>} : memref<64x160xf32, #tpu.memory_space<vmem>>, vector<16xf32>,
        tpu.vector_store %arg11[%swap3A_397, %swap3A_398], %gather3A_395 {strides = array<i32>} : memref<64x160xf32, #tpu.memory_space<vmem>>, vector<16xf32>,
        %gather3A_400 = arith.constant 1472 : i32
        %gather3A_401 = tpu.memref_slice %arg5[%gather3A_400] : memref<2048xf32, #tpu.memory_space<vmem>> -> memref<32xf32, #tpu.memory_space<vmem>>
        %gather3A_402 = tpu.vector_load_idx %gather3A_401[%get3A_79] : memref<32xf32, #tpu.memory_space<vmem>>[vector<16xi32>], vector<16xf32>,
        %swap3A_403 = arith.constant 46 : i32
        %swap3A_404 = arith.index_cast %swap3A_403 : i32 to index
        %swap3A_405 = arith.index_cast %add3A_78 : i32 to index
        %swap3A_406 = tpu.vector_load %arg11[%swap3A_404, %swap3A_405] {strides = array<i32>} : memref<64x160xf32, #tpu.memory_space<vmem>>, vector<16xf32>,
        tpu.vector_store %arg11[%swap3A_404, %swap3A_405], %gather3A_402 {strides = array<i32>} : memref<64x160xf32, #tpu.memory_space<vmem>>, vector<16xf32>,
        %gather3A_407 = arith.constant 1504 : i32
        %gather3A_408 = tpu.memref_slice %arg5[%gather3A_407] : memref<2048xf32, #tpu.memory_space<vmem>> -> memref<32xf32, #tpu.memory_space<vmem>>
        %gather3A_409 = tpu.vector_load_idx %gather3A_408[%get3A_79] : memref<32xf32, #tpu.memory_space<vmem>>[vector<16xi32>], vector<16xf32>,
        %swap3A_410 = arith.constant 47 : i32
        %swap3A_411 = arith.index_cast %swap3A_410 : i32 to index
        %swap3A_412 = arith.index_cast %add3A_78 : i32 to index
        %swap3A_413 = tpu.vector_load %arg11[%swap3A_411, %swap3A_412] {strides = array<i32>} : memref<64x160xf32, #tpu.memory_space<vmem>>, vector<16xf32>,
        tpu.vector_store %arg11[%swap3A_411, %swap3A_412], %gather3A_409 {strides = array<i32>} : memref<64x160xf32, #tpu.memory_space<vmem>>, vector<16xf32>,
        %gather3A_414 = arith.constant 1536 : i32
        %gather3A_415 = tpu.memref_slice %arg5[%gather3A_414] : memref<2048xf32, #tpu.memory_space<vmem>> -> memref<32xf32, #tpu.memory_space<vmem>>
        %gather3A_416 = tpu.vector_load_idx %gather3A_415[%get3A_79] : memref<32xf32, #tpu.memory_space<vmem>>[vector<16xi32>], vector<16xf32>,
        %swap3A_417 = arith.constant 48 : i32
        %swap3A_418 = arith.index_cast %swap3A_417 : i32 to index
        %swap3A_419 = arith.index_cast %add3A_78 : i32 to index
        %swap3A_420 = tpu.vector_load %arg11[%swap3A_418, %swap3A_419] {strides = array<i32>} : memref<64x160xf32, #tpu.memory_space<vmem>>, vector<16xf32>,
        tpu.vector_store %arg11[%swap3A_418, %swap3A_419], %gather3A_416 {strides = array<i32>} : memref<64x160xf32, #tpu.memory_space<vmem>>, vector<16xf32>,
        %gather3A_421 = arith.constant 1568 : i32
        %gather3A_422 = tpu.memref_slice %arg5[%gather3A_421] : memref<2048xf32, #tpu.memory_space<vmem>> -> memref<32xf32, #tpu.memory_space<vmem>>
        %gather3A_423 = tpu.vector_load_idx %gather3A_422[%get3A_79] : memref<32xf32, #tpu.memory_space<vmem>>[vector<16xi32>], vector<16xf32>,
        %swap3A_424 = arith.constant 49 : i32
        %swap3A_425 = arith.index_cast %swap3A_424 : i32 to index
        %swap3A_426 = arith.index_cast %add3A_78 : i32 to index
        %swap3A_427 = tpu.vector_load %arg11[%swap3A_425, %swap3A_426] {strides = array<i32>} : memref<64x160xf32, #tpu.memory_space<vmem>>, vector<16xf32>,
        tpu.vector_store %arg11[%swap3A_425, %swap3A_426], %gather3A_423 {strides = array<i32>} : memref<64x160xf32, #tpu.memory_space<vmem>>, vector<16xf32>,
        %gather3A_428 = arith.constant 1600 : i32
        %gather3A_429 = tpu.memref_slice %arg5[%gather3A_428] : memref<2048xf32, #tpu.memory_space<vmem>> -> memref<32xf32, #tpu.memory_space<vmem>>
        %gather3A_430 = tpu.vector_load_idx %gather3A_429[%get3A_79] : memref<32xf32, #tpu.memory_space<vmem>>[vector<16xi32>], vector<16xf32>,
        %swap3A_431 = arith.constant 50 : i32
        %swap3A_432 = arith.index_cast %swap3A_431 : i32 to index
        %swap3A_433 = arith.index_cast %add3A_78 : i32 to index
        %swap3A_434 = tpu.vector_load %arg11[%swap3A_432, %swap3A_433] {strides = array<i32>} : memref<64x160xf32, #tpu.memory_space<vmem>>, vector<16xf32>,
        tpu.vector_store %arg11[%swap3A_432, %swap3A_433], %gather3A_430 {strides = array<i32>} : memref<64x160xf32, #tpu.memory_space<vmem>>, vector<16xf32>,
        %gather3A_435 = arith.constant 1632 : i32
        %gather3A_436 = tpu.memref_slice %arg5[%gather3A_435] : memref<2048xf32, #tpu.memory_space<vmem>> -> memref<32xf32, #tpu.memory_space<vmem>>
        %gather3A_437 = tpu.vector_load_idx %gather3A_436[%get3A_79] : memref<32xf32, #tpu.memory_space<vmem>>[vector<16xi32>], vector<16xf32>,
        %swap3A_438 = arith.constant 51 : i32
        %swap3A_439 = arith.index_cast %swap3A_438 : i32 to index
        %swap3A_440 = arith.index_cast %add3A_78 : i32 to index
        %swap3A_441 = tpu.vector_load %arg11[%swap3A_439, %swap3A_440] {strides = array<i32>} : memref<64x160xf32, #tpu.memory_space<vmem>>, vector<16xf32>,
        tpu.vector_store %arg11[%swap3A_439, %swap3A_440], %gather3A_437 {strides = array<i32>} : memref<64x160xf32, #tpu.memory_space<vmem>>, vector<16xf32>,
        %gather3A_442 = arith.constant 1664 : i32
        %gather3A_443 = tpu.memref_slice %arg5[%gather3A_442] : memref<2048xf32, #tpu.memory_space<vmem>> -> memref<32xf32, #tpu.memory_space<vmem>>
        %gather3A_444 = tpu.vector_load_idx %gather3A_443[%get3A_79] : memref<32xf32, #tpu.memory_space<vmem>>[vector<16xi32>], vector<16xf32>,
        %swap3A_445 = arith.constant 52 : i32
        %swap3A_446 = arith.index_cast %swap3A_445 : i32 to index
        %swap3A_447 = arith.index_cast %add3A_78 : i32 to index
        %swap3A_448 = tpu.vector_load %arg11[%swap3A_446, %swap3A_447] {strides = array<i32>} : memref<64x160xf32, #tpu.memory_space<vmem>>, vector<16xf32>,
        tpu.vector_store %arg11[%swap3A_446, %swap3A_447], %gather3A_444 {strides = array<i32>} : memref<64x160xf32, #tpu.memory_space<vmem>>, vector<16xf32>,
        %gather3A_449 = arith.constant 1696 : i32
        %gather3A_450 = tpu.memref_slice %arg5[%gather3A_449] : memref<2048xf32, #tpu.memory_space<vmem>> -> memref<32xf32, #tpu.memory_space<vmem>>
        %gather3A_451 = tpu.vector_load_idx %gather3A_450[%get3A_79] : memref<32xf32, #tpu.memory_space<vmem>>[vector<16xi32>], vector<16xf32>,
        %swap3A_452 = arith.constant 53 : i32
        %swap3A_453 = arith.index_cast %swap3A_452 : i32 to index
        %swap3A_454 = arith.index_cast %add3A_78 : i32 to index
        %swap3A_455 = tpu.vector_load %arg11[%swap3A_453, %swap3A_454] {strides = array<i32>} : memref<64x160xf32, #tpu.memory_space<vmem>>, vector<16xf32>,
        tpu.vector_store %arg11[%swap3A_453, %swap3A_454], %gather3A_451 {strides = array<i32>} : memref<64x160xf32, #tpu.memory_space<vmem>>, vector<16xf32>,
        %gather3A_456 = arith.constant 1728 : i32
        %gather3A_457 = tpu.memref_slice %arg5[%gather3A_456] : memref<2048xf32, #tpu.memory_space<vmem>> -> memref<32xf32, #tpu.memory_space<vmem>>
        %gather3A_458 = tpu.vector_load_idx %gather3A_457[%get3A_79] : memref<32xf32, #tpu.memory_space<vmem>>[vector<16xi32>], vector<16xf32>,
        %swap3A_459 = arith.constant 54 : i32
        %swap3A_460 = arith.index_cast %swap3A_459 : i32 to index
        %swap3A_461 = arith.index_cast %add3A_78 : i32 to index
        %swap3A_462 = tpu.vector_load %arg11[%swap3A_460, %swap3A_461] {strides = array<i32>} : memref<64x160xf32, #tpu.memory_space<vmem>>, vector<16xf32>,
        tpu.vector_store %arg11[%swap3A_460, %swap3A_461], %gather3A_458 {strides = array<i32>} : memref<64x160xf32, #tpu.memory_space<vmem>>, vector<16xf32>,
        %gather3A_463 = arith.constant 1760 : i32
        %gather3A_464 = tpu.memref_slice %arg5[%gather3A_463] : memref<2048xf32, #tpu.memory_space<vmem>> -> memref<32xf32, #tpu.memory_space<vmem>>
        %gather3A_465 = tpu.vector_load_idx %gather3A_464[%get3A_79] : memref<32xf32, #tpu.memory_space<vmem>>[vector<16xi32>], vector<16xf32>,
        %swap3A_466 = arith.constant 55 : i32
        %swap3A_467 = arith.index_cast %swap3A_466 : i32 to index
        %swap3A_468 = arith.index_cast %add3A_78 : i32 to index
        %swap3A_469 = tpu.vector_load %arg11[%swap3A_467, %swap3A_468] {strides = array<i32>} : memref<64x160xf32, #tpu.memory_space<vmem>>, vector<16xf32>,
        tpu.vector_store %arg11[%swap3A_467, %swap3A_468], %gather3A_465 {strides = array<i32>} : memref<64x160xf32, #tpu.memory_space<vmem>>, vector<16xf32>,
        %gather3A_470 = arith.constant 1792 : i32
        %gather3A_471 = tpu.memref_slice %arg5[%gather3A_470] : memref<2048xf32, #tpu.memory_space<vmem>> -> memref<32xf32, #tpu.memory_space<vmem>>
        %gather3A_472 = tpu.vector_load_idx %gather3A_471[%get3A_79] : memref<32xf32, #tpu.memory_space<vmem>>[vector<16xi32>], vector<16xf32>,
        %swap3A_473 = arith.constant 56 : i32
        %swap3A_474 = arith.index_cast %swap3A_473 : i32 to index
        %swap3A_475 = arith.index_cast %add3A_78 : i32 to index
        %swap3A_476 = tpu.vector_load %arg11[%swap3A_474, %swap3A_475] {strides = array<i32>} : memref<64x160xf32, #tpu.memory_space<vmem>>, vector<16xf32>,
        tpu.vector_store %arg11[%swap3A_474, %swap3A_475], %gather3A_472 {strides = array<i32>} : memref<64x160xf32, #tpu.memory_space<vmem>>, vector<16xf32>,
        %gather3A_477 = arith.constant 1824 : i32
        %gather3A_478 = tpu.memref_slice %arg5[%gather3A_477] : memref<2048xf32, #tpu.memory_space<vmem>> -> memref<32xf32, #tpu.memory_space<vmem>>
        %gather3A_479 = tpu.vector_load_idx %gather3A_478[%get3A_79] : memref<32xf32, #tpu.memory_space<vmem>>[vector<16xi32>], vector<16xf32>,
        %swap3A_480 = arith.constant 57 : i32
        %swap3A_481 = arith.index_cast %swap3A_480 : i32 to index
        %swap3A_482 = arith.index_cast %add3A_78 : i32 to index
        %swap3A_483 = tpu.vector_load %arg11[%swap3A_481, %swap3A_482] {strides = array<i32>} : memref<64x160xf32, #tpu.memory_space<vmem>>, vector<16xf32>,
        tpu.vector_store %arg11[%swap3A_481, %swap3A_482], %gather3A_479 {strides = array<i32>} : memref<64x160xf32, #tpu.memory_space<vmem>>, vector<16xf32>,
        %gather3A_484 = arith.constant 1856 : i32
        %gather3A_485 = tpu.memref_slice %arg5[%gather3A_484] : memref<2048xf32, #tpu.memory_space<vmem>> -> memref<32xf32, #tpu.memory_space<vmem>>
        %gather3A_486 = tpu.vector_load_idx %gather3A_485[%get3A_79] : memref<32xf32, #tpu.memory_space<vmem>>[vector<16xi32>], vector<16xf32>,
        %swap3A_487 = arith.constant 58 : i32
        %swap3A_488 = arith.index_cast %swap3A_487 : i32 to index
        %swap3A_489 = arith.index_cast %add3A_78 : i32 to index
        %swap3A_490 = tpu.vector_load %arg11[%swap3A_488, %swap3A_489] {strides = array<i32>} : memref<64x160xf32, #tpu.memory_space<vmem>>, vector<16xf32>,
        tpu.vector_store %arg11[%swap3A_488, %swap3A_489], %gather3A_486 {strides = array<i32>} : memref<64x160xf32, #tpu.memory_space<vmem>>, vector<16xf32>,
        %gather3A_491 = arith.constant 1888 : i32
        %gather3A_492 = tpu.memref_slice %arg5[%gather3A_491] : memref<2048xf32, #tpu.memory_space<vmem>> -> memref<32xf32, #tpu.memory_space<vmem>>
        %gather3A_493 = tpu.vector_load_idx %gather3A_492[%get3A_79] : memref<32xf32, #tpu.memory_space<vmem>>[vector<16xi32>], vector<16xf32>,
        %swap3A_494 = arith.constant 59 : i32
        %swap3A_495 = arith.index_cast %swap3A_494 : i32 to index
        %swap3A_496 = arith.index_cast %add3A_78 : i32 to index
        %swap3A_497 = tpu.vector_load %arg11[%swap3A_495, %swap3A_496] {strides = array<i32>} : memref<64x160xf32, #tpu.memory_space<vmem>>, vector<16xf32>,
        tpu.vector_store %arg11[%swap3A_495, %swap3A_496], %gather3A_493 {strides = array<i32>} : memref<64x160xf32, #tpu.memory_space<vmem>>, vector<16xf32>,
        %gather3A_498 = arith.constant 1920 : i32
        %gather3A_499 = tpu.memref_slice %arg5[%gather3A_498] : memref<2048xf32, #tpu.memory_space<vmem>> -> memref<32xf32, #tpu.memory_space<vmem>>
        %gather3A_500 = tpu.vector_load_idx %gather3A_499[%get3A_79] : memref<32xf32, #tpu.memory_space<vmem>>[vector<16xi32>], vector<16xf32>,
        %swap3A_501 = arith.constant 60 : i32
        %swap3A_502 = arith.index_cast %swap3A_501 : i32 to index
        %swap3A_503 = arith.index_cast %add3A_78 : i32 to index
        %swap3A_504 = tpu.vector_load %arg11[%swap3A_502, %swap3A_503] {strides = array<i32>} : memref<64x160xf32, #tpu.memory_space<vmem>>, vector<16xf32>,
        tpu.vector_store %arg11[%swap3A_502, %swap3A_503], %gather3A_500 {strides = array<i32>} : memref<64x160xf32, #tpu.memory_space<vmem>>, vector<16xf32>,
        %gather3A_505 = arith.constant 1952 : i32
        %gather3A_506 = tpu.memref_slice %arg5[%gather3A_505] : memref<2048xf32, #tpu.memory_space<vmem>> -> memref<32xf32, #tpu.memory_space<vmem>>
        %gather3A_507 = tpu.vector_load_idx %gather3A_506[%get3A_79] : memref<32xf32, #tpu.memory_space<vmem>>[vector<16xi32>], vector<16xf32>,
        %swap3A_508 = arith.constant 61 : i32
        %swap3A_509 = arith.index_cast %swap3A_508 : i32 to index
        %swap3A_510 = arith.index_cast %add3A_78 : i32 to index
        %swap3A_511 = tpu.vector_load %arg11[%swap3A_509, %swap3A_510] {strides = array<i32>} : memref<64x160xf32, #tpu.memory_space<vmem>>, vector<16xf32>,
        tpu.vector_store %arg11[%swap3A_509, %swap3A_510], %gather3A_507 {strides = array<i32>} : memref<64x160xf32, #tpu.memory_space<vmem>>, vector<16xf32>,
        %gather3A_512 = arith.constant 1984 : i32
        %gather3A_513 = tpu.memref_slice %arg5[%gather3A_512] : memref<2048xf32, #tpu.memory_space<vmem>> -> memref<32xf32, #tpu.memory_space<vmem>>
        %gather3A_514 = tpu.vector_load_idx %gather3A_513[%get3A_79] : memref<32xf32, #tpu.memory_space<vmem>>[vector<16xi32>], vector<16xf32>,
        %swap3A_515 = arith.constant 62 : i32
        %swap3A_516 = arith.index_cast %swap3A_515 : i32 to index
        %swap3A_517 = arith.index_cast %add3A_78 : i32 to index
        %swap3A_518 = tpu.vector_load %arg11[%swap3A_516, %swap3A_517] {strides = array<i32>} : memref<64x160xf32, #tpu.memory_space<vmem>>, vector<16xf32>,
        tpu.vector_store %arg11[%swap3A_516, %swap3A_517], %gather3A_514 {strides = array<i32>} : memref<64x160xf32, #tpu.memory_space<vmem>>, vector<16xf32>,
        %gather3A_519 = arith.constant 2016 : i32
        %gather3A_520 = tpu.memref_slice %arg5[%gather3A_519] : memref<2048xf32, #tpu.memory_space<vmem>> -> memref<32xf32, #tpu.memory_space<vmem>>
        %gather3A_521 = tpu.vector_load_idx %gather3A_520[%get3A_79] : memref<32xf32, #tpu.memory_space<vmem>>[vector<16xi32>], vector<16xf32>,
        %swap3A_522 = arith.constant 63 : i32
        %swap3A_523 = arith.index_cast %swap3A_522 : i32 to index
        %swap3A_524 = arith.index_cast %add3A_78 : i32 to index
        %swap3A_525 = tpu.vector_load %arg11[%swap3A_523, %swap3A_524] {strides = array<i32>} : memref<64x160xf32, #tpu.memory_space<vmem>>, vector<16xf32>,
        tpu.vector_store %arg11[%swap3A_523, %swap3A_524], %gather3A_521 {strides = array<i32>} : memref<64x160xf32, #tpu.memory_space<vmem>>, vector<16xf32>,
      }
      %scan3A_73 = arith.constant 10 : i32
      "tpu.region"() ({
        %run_scoped3A = tpu.sem_alloc : memref<!tpu.dma_semaphore, #tpu.memory_space<semaphore_mem>>
        %dma_start3A_74 = arith.constant 0 : i32
        %dma_start3A_75 = arith.constant 99840 : i32
        %dma_start3A_76 = tpu.memref_slice %arg4[%dma_start3A_74, %dma_start3A_75] : memref<64x100000xf32, #tpu.memory_space<hbm>> -> memref<64x160xf32, #tpu.memory_space<hbm>>
        %dma_start3A_77 = arith.constant 0 : i32
        %dma_start3A_78 = arith.constant 99840 : i32
        %dma_start3A_79 = tpu.memref_slice %arg4[%dma_start3A_77, %dma_start3A_78] : memref<64x100000xf32, #tpu.memory_space<hbm>> -> memref<64x160xf32, #tpu.memory_space<hbm>>
        tpu.enqueue_dma source(%arg11 : memref<64x160xf32, #tpu.memory_space<vmem>>) target(%dma_start3A_79 : memref<64x160xf32, #tpu.memory_space<hbm>>) target_semaphore(%run_scoped3A : memref<!tpu.dma_semaphore, #tpu.memory_space<semaphore_mem>>)
        %dma_wait3A_80 = arith.constant 0 : i32
        %dma_wait3A_81 = arith.constant 99840 : i32
        %dma_wait3A_82 = tpu.memref_slice %arg4[%dma_wait3A_80, %dma_wait3A_81] : memref<64x100000xf32, #tpu.memory_space<hbm>> -> memref<64x160xf32, #tpu.memory_space<hbm>>
        %dma_wait3A_83 = arith.constant 0 : i32
        %dma_wait3A_84 = arith.constant 99840 : i32
        %dma_wait3A_85 = tpu.memref_slice %arg4[%dma_wait3A_83, %dma_wait3A_84] : memref<64x100000xf32, #tpu.memory_space<hbm>> -> memref<64x160xf32, #tpu.memory_space<hbm>>
        tpu.wait_dma2 semaphore(%run_scoped3A : memref<!tpu.dma_semaphore, #tpu.memory_space<semaphore_mem>>) src(%arg11 : memref<64x160xf32, #tpu.memory_space<vmem>>) dst(%dma_wait3A_85 : memref<64x160xf32, #tpu.memory_space<hbm>>)
        tpu.yield
      }) : () -> ()
    } else {
    }
    return
  }
}

</mosaic_0001>

<sc_bundles>
// kernel: kernel.3.cloned.1.call-start
scs
__scs_entry_jumppad:
0x0: {  	(pc) =	sbr.rel $0x88, $3  }
0x1: {  	(tag) =	ssettag $0x0;
	lr =	simm.s32 $0x1  }
0x2: {  	[smem:$0x3F9F] =	sst lr;
	_ =	strace $0xD0000000  }
0x3: {  	_ = 	snop  }
0x4: {  	_ = 	snop  }
0x5: {  	_ = 	snop  }
0x6: {  	_ = 	snop  }
0x7: {  	_ = 	snop  }
__scs_overlays_trampoline_lowered:
0x8: {  	[smem:$0x3FAE] =	sst s0  }
0x9: {  	[smem:$0x3FAF] =	sst s1  }
0xa: {  	[smem:$0x3FB0] =	sst s2  }
0xb: {  	[smem:$0x3FB1] =	sst s3  }
0xc: {  	[smem:$0x3FB2] =	sst s4  }
0xd: {  	[smem:$0x3FB3] =	sst s5  }
0xe: {  	[smem:$0x3FB4] =	sst s6  }
0xf: {  	[smem:$0x3FB5] =	sst s7  }
0x10: {  	[smem:$0x3FB6] =	sst s8  }
0x11: {  	[smem:$0x3FB7] =	sst s9;
	s0 =	simm.s32 @!p0 $0x0  }
0x12: {  	s1 =	sld [smem:$0x3F9D];
	s0 =	simm.s32 @p0 $0x1  }
0x13: {  	[smem:$0x3FB8] =	sst s0;
	s0 =	simm.s32 @!p1 $0x0  }
0x14: {  	s2 =	sld [smem:$0x3F9C];
	s0 =	simm.s32 @p1 $0x1  }
0x15: {  	[smem:$0x3FB9] =	sst s0;
	s0 =	simm.s32 @!p2 $0x0  }
0x16: {  	s3 =	sld [smem:$0x3FDB];
	s0 =	simm.s32 @p2 $0x1  }
0x17: {  	s4 =	simm.s32 $0x1BF5;
	[smem:$0x3FBB] =	sst s0  }
0x18: {  	s0 =	sld [smem:$0x3F9E];
	_ =	swait.ge [sflag:s4], $0x0  }
0x19: {  	s7 =	sld [smem:$0x3F9F]  }
0x1a: {  	s8 =	sadd.s32 $0xFFFFE003, lr  }
0x1b: {  	s9 =	sadd.s32 $0xFFFFFEF7, lr;
	s5 =	simm.s32 $0xFFFFFFFF;
	p2 =	slt.u32 s8, $0xFFFFF086  }
0x1c: {  	p1 =	slt.u32 s9, $0xF7A;
	s5 =	simm.s32 @!p2 $0x0  }
0x1d: {  	s5 =	simm.s32 @p1 $0x1;
	p0 =	seq.s32 s7, s2  }
0x1e: {  	s7 =	smul.u32 @!p0 $0xF7A, s2;
	p2 =	seq.s32 @!p0 s5, $0x0  }
0x1f: {  	s9 =	smul.u32 $0xF7A, s1;
	s8 =	simm.s32 @!p0 $0x1BF5;
	p2 =	por !p2, p0  }
0x20: {  	[sflag:s8] =	ssyncset.s32 @!p0 $0xFFFFF086;
	s6 =	sadd.s32 @!p0 s3, s7;
	s7 =	simm.s32 @!p0 $0x108  }
0x21: {  	s3 =	sadd.s32 s3, s9;
	s6 =	sadd.s32 @!p0 $0x88, s6;
	s7 =	simm.s32 @p2 $0x1082  }
0x22: {  	[simem:s7], [sflag:s8] =	dma.local @!p0 [hbm:s6], $0xF7A  }
0x23: {  	s9 =	sor.u32 $0xD0000000, s2;
	s6 =	simm.s32 $0x108;
	_ =	swait.ge @!p0 [sflag:s8], $0x0  }
0x24: {  	s3 =	sadd.s32 $0x88, s3;
	s6 =	simm.s32 @!p1 $0x1082;
	[sflag:s4] =	ssyncset.s32 $0xFFFFF086  }
0x25: {  	[simem:s6], [sflag:s4] =	dma.local [hbm:s3], $0xF7A  }
0x26: {  	[smem:$0x3F9F] =	sst s1;
	(tag) =	ssettag s2;
	_ =	strace s9  }
0x27: {  	s1 =	sld [smem:$0x3FAF]  }
0x28: {  	s2 =	sld [smem:$0x3FB0]  }
0x29: {  	s4 =	sld [smem:$0x3FB2]  }
0x2a: {  	p0 =	seq.s32 s5, $0x0;
	s5 =	sld [smem:$0x3FB3]  }
0x2b: {  	s6 =	sld [smem:$0x3FB4]  }
0x2c: {  	s7 =	sld [smem:$0x3FB5]  }
0x2d: {  	s3 =	simm.s32 $0x108;
	s8 =	sld [smem:$0x3FB6]  }
0x2e: {  	s3 =	simm.s32 @!p0 $0x1082;
	s9 =	sld [smem:$0x3FB7]  }
0x2f: {  	lr =	sadd.s32 s0, s3;
	s0 =	sld [smem:$0x3FAE]  }
0x30: {  	s3 =	sld [smem:$0x3FB1]  }
0x31: {  	[smem:$0x3FBA] =	sst s10  }
0x32: {  	s10 =	sld [smem:$0x3FB8];
	_ =	sdelay $0x3  }
0x33: {  	p0 =	seq.s32 s10, $0x1;
	s10 =	sld [smem:$0x3FBA];
	_ =	sdelay $0x3  }
0x34: {  	[smem:$0x3FBA] =	sst s10  }
0x35: {  	s10 =	sld [smem:$0x3FB9];
	_ =	sdelay $0x3  }
0x36: {  	p1 =	seq.s32 s10, $0x1;
	s10 =	sld [smem:$0x3FBA];
	_ =	sdelay $0x3  }
0x37: {  	[smem:$0x3FBA] =	sst s10  }
0x38: {  	s10 =	sld [smem:$0x3FBB]  }
0x39: {  	_ = 	snop;
	(pc) =	sbr.ind lr, $3  }
0x3a: {  	_ = 	snop  }
0x3b: {  	_ = 	snop  }
0x3c: {  	p2 =	seq.s32 s10, $0x1;
	s10 =	sld [smem:$0x3FBA]  }
0x3d: {  	_ =	shalt  }
0x3e: {  	_ =	shalt  }
0x3f: {  	_ =	shalt  }
0x40: {  	_ =	shalt  }
0x41: {  	_ =	shalt  }
0x42: {  	_ =	shalt  }
0x43: {  	_ =	shalt  }
0x44: {  	_ =	shalt  }
0x45: {  	_ =	shalt  }
0x46: {  	_ =	shalt  }
0x47: {  	_ =	shalt  }
0x48: {  	_ =	shalt  }
0x49: {  	_ =	shalt  }
0x4a: {  	_ =	shalt  }
0x4b: {  	_ =	shalt  }
0x4c: {  	_ =	shalt  }
0x4d: {  	_ =	shalt  }
0x4e: {  	_ =	shalt  }
0x4f: {  	_ =	shalt  }
0x50: {  	_ =	shalt  }
0x51: {  	_ =	shalt  }
0x52: {  	_ =	shalt  }
0x53: {  	_ =	shalt  }
0x54: {  	_ =	shalt  }
0x55: {  	_ =	shalt  }
0x56: {  	_ =	shalt  }
0x57: {  	_ =	shalt  }
0x58: {  	_ =	shalt  }
0x59: {  	_ =	shalt  }
0x5a: {  	_ =	shalt  }
0x5b: {  	_ =	shalt  }
0x5c: {  	_ =	shalt  }
0x5d: {  	_ =	shalt  }
0x5e: {  	_ =	shalt  }
0x5f: {  	_ =	shalt  }
0x60: {  	_ =	shalt  }
0x61: {  	_ =	shalt  }
0x62: {  	_ =	shalt  }
0x63: {  	_ =	shalt  }
0x64: {  	_ =	shalt  }
0x65: {  	_ =	shalt  }
0x66: {  	_ =	shalt  }
0x67: {  	_ =	shalt  }
0x68: {  	_ =	shalt  }
0x69: {  	_ =	shalt  }
0x6a: {  	_ =	shalt  }
0x6b: {  	_ =	shalt  }
0x6c: {  	_ =	shalt  }
0x6d: {  	_ =	shalt  }
0x6e: {  	_ =	shalt  }
0x6f: {  	_ =	shalt  }
0x70: {  	_ =	shalt  }
0x71: {  	_ =	shalt  }
0x72: {  	_ =	shalt  }
0x73: {  	_ =	shalt  }
0x74: {  	_ =	shalt  }
0x75: {  	_ =	shalt  }
0x76: {  	_ =	shalt  }
0x77: {  	_ =	shalt  }
0x78: {  	_ =	shalt  }
0x79: {  	_ =	shalt  }
0x7a: {  	_ =	shalt  }
0x7b: {  	_ =	shalt  }
0x7c: {  	_ =	shalt  }
0x7d: {  	_ =	shalt  }
0x7e: {  	_ =	shalt  }
0x7f: {  	_ =	shalt  }
0x80: {  	_ =	shalt  }
0x81: {  	_ =	shalt  }
0x82: {  	_ =	shalt  }
0x83: {  	_ =	shalt  }
0x84: {  	_ =	shalt  }
0x85: {  	_ =	shalt  }
0x86: {  	_ =	shalt  }
0x87: {  	_ =	shalt  }
.Lfunc_end0:
.L_simem_size_0:
called_computation_lowered:
.L_overlay_start_0:
0x88: {  	s2 =	sld [smem:$0x3FD9]  }
0x89: {  	s3 =	sld [smem:$0x3FFE];
	_ =	sdelay $0x1  }
0x8a: {  	s1 =	srdreg.scid  }
0x8b: {  	s0 =	sand.u32 $0x1, s1  }
0x8c: {  	s17 =	sshll.u32 s0, $0xA;
	s2 =	sadd.s32 s3, s2  }
0x8d: {  	s2 =	sadd.s32 s2, s17  }
0x8e: {  	[smem:$0x3FC6] =	sst s2  }
0x8f: {  	_ = 	snop  }
0x90: {  	s2 =	sld [smem:$0x3FD0];
	(tm) =	ssettm $0x1  }
0x91: {  	s18 =	sld [smem:$0x3FFB];
	_ =	sdelay $0x3  }
0x92: {  	_ =	strace s18  }
0x93: {  	s3 =	sld [smem:$0x3FFC];
	_ =	sdelay $0x3  }
0x94: {  	_ =	strace s3  }
0x95: {  	s3 =	sld [smem:$0x3FFD];
	_ =	sdelay $0x3  }
0x96: {  	_ =	strace s3  }
0x97: {  	_ =	strace $0x8FFFFFFF  }
0x98: {  	s19 =	sld [smem:$0x3FDB];
	_ =	sdelay $0x1  }
0x99: {  	s4 =	simm.s32 $_scs_section_size  }
0x9a: {  	s5 =	simm.s32 $_size__tile_overlayer_lowered;
	s6 =	simm.s32 $_tile_overlayer_lowered  }
0x9b: {  	s22 =	simm.s32 $0x1BFF;
	s21 =	sshll.u32 s6, $0x1;
	s3 =	sadd.s32 s4, s19  }
0x9c: {  	s7 =	simm.s32 $0x0;
	s20 =	sshll.u32 s5, $0x1;
	s5 =	sadd.s32 s21, s3  }
0x9d: {  	[timem:s7], [sflag:s22] =	dma.local [hbm:s5], s20  }
0x9e: {  	_ =	swait.ge [sflag:s22], s20  }
0x9f: {  	s4 =	ssub.s32 $0x0, s20;
	[sflag:s22] =	ssyncset.done $0x0  }
0xa0: {  	[sflag:s22] =	ssyncadd.s32 s4;
	_ =	sdelay $0x1  }
0xa1: {  	s23 =	simm.s32 $0x1B8B  }
0xa2: {  	_ =	swait.ge [sflag:s23], $0x1  }
0xa3: {  	[sflag:s23] =	ssyncset.done $0x0  }
0xa4: {  	s25 =	simm.s32 $0x1B8E;
	s24 =	sld [smem:$0x3FFE];
	[sflag:s23] =	ssyncadd.s32 $0xFFFFFFFF  }
0xa5: {  	s26 =	simm.s32 $execute0_lowered;
	[smem:$0x3FD2] =	sst s25  }
0xa6: {  	s5 =	sshll.u32 s26, $0x1;
	_ =	strace $0x80000046;
	[dreg:$0x1] =	wrdreg $0xFFFFFFFF  }
0xa7: {  	s28 =	simm.s32 $_size_execute0_lowered;
	s3 =	sadd.s32 s3, s5;
	[dreg:$0x0] =	wrdreg $0x0  }
0xa8: {  	s5 =	sshll.u32 s28, $0x1;
	[dreg:$0x2] =	wrdreg s3  }
0xa9: {  	[dreg:$0x3] =	wrdreg s5  }
0xaa: {  	[dreg:$0x4] =	wrdreg $0xC0  }
0xab: {  	_ =	task [dreg:s7], $0x5FFFF  }
0xac: {  	[dreg:$0x1] =	wrdreg $0xFFFFFFFF  }
0xad: {  	[dreg:$0x0] =	wrdreg $0x60  }
0xae: {  	[dreg:$0x2] =	wrdreg s24  }
0xaf: {  	[dreg:$0x3] =	wrdreg s2  }
0xb0: {  	[dreg:$0x4] =	wrdreg $0x9  }
0xb1: {  	_ =	task.clear_ibuf [dreg:s7], $0x5FFFF;
	_ =	strace $0x90000046  }
0xb2: {  	s29 =	simm.s32 $0x9;
	_ =	strace $0x80000048  }
0xb3: {  	_ =	swait.ge [sflag:s29], $0x1  }
0xb4: {  	[sflag:s29] =	ssyncadd.s32 $0xFFFFFFFF  }
0xb5: {  	_ =	strace $0x90000048  }
0xb6: {  	_ =	sfence  }
0xb7: {  	s30 =	sld [smem:$0x0];
	_ =	sdelay $0x2  }
0xb8: {  	s31 =	sshll.u32 s1, $0xD;
	s1 =	sshrl.u32 s1, $0x2  }
0xb9: {  	s3 =	sand.u32 $0x4000, s31;
	s1 =	sadd.s32 s1, s30  }
0xba: {  	s0 =	sor.u32 s3, s0;
	s1 =	sshll.u32 s1, $0x11  }
0xbb: {  	s0 =	sor.u32 s1, s0  }
0xbc: {  	s0 =	sadd.s32 $0x8F2B, s0  }
0xbd: {  	[sflag:s0] =	ssyncadd.remote.s32 $0x1  }
0xbe: {  	_ =	sfence.sel $0xFFFF  }
0xbf: {  	[dreg:$0x0] =	wrdreg $0xFFFFFFFF;
	(pc) =	sbr.abs _section_cstart, $3  }
0xc0: {  	[dreg:$0x1] =	wrdreg $0xFFFFFFFF  }
0xc1: {  	_ =	task.clear_ibuf [dreg:s7], $0x2FFFF;
	_ =	strace $0x9FFFFFFF  }
0xc2: {  	(tm) =	ssettm $0x7FFFFFFF  }
0xc3: {  	_ =	shalt  }
tec
execute0_lowered:
.L_overlay_start_1:
0x0: {  	(tag) =	ssettag $0x1  }
0x1: {  	s4 =	rddreg [dreg:$0x0]  }
0x2: {  	s5 =	rddreg [dreg:$0x1]  }
0x3: {  	s23 =	simm.s32 $0x0;
	s0 =	srdreg.scid;
	s6 =	stileid.u32  }
0x4: {  	[smem:$0x7FF] =	sst s23;
	s0 =	sand.u32 $0x1, s0;
	s2 =	sshll.u32 s6, $0x1  }
0x5: {  	s7 =	sadd.s32 $0x200, s4;
	p0 =	slt.u32 s6, $0x3;
	s30 =	sadd.s32 $0x32C0, s4  }
0x6: {  	s31 =	sadd.s32 $0x18600, s5;
	_ =	strace $0x80000047;
	[dreg:$0x3] =	wrdreg s7  }
0x7: {  	s1 =	ssub.s32 $0x2, s0;
	s22 =	sor.u32 s0, s2;
	[dreg:$0xa] =	wrdreg s30  }
0x8: {  	[dreg:$0xb] =	wrdreg s31;
	s3 =	sshrl.u32 s1, $0x1;
	s24 =	sshll.u32 s22, $0x5  }
0x9: {  	s2 =	sshll.u32 s22, $0x8;
	s26 =	sor.u32 $0x40, s22;
	[dreg:$0x4] =	wrdreg s22  }
0xa: {  	s28 =	sor.u32 $0x60, s22;
	s21 =	ssub.s32 s1, s3;
	[dreg:$0x7] =	wrdreg s26  }
.Ltmp0:
0xb: {  	s25 =	sadd.s32 s7, s24;
	[dreg:$0x8] =	wrdreg s28;
	(pc) =	sbr.rel .LBB2_1-.Ltmp0, $4  }
0xc: {  	s1 =	sor.u32 $0x18000, s2;
	[dreg:$0x5] =	wrdreg s25;
	s3 =	sadd.s32 $0x400, s25  }
0xd: {  	s2 =	smov.u32 @p0 s1;
	s0 =	smax.u32 s21, $0x1;
	[dreg:$0x6] =	wrdreg s3  }
0xe: {  	s1 =	simm.s32 $0x5;
	s29 =	sadd.s32 s5, s2;
	[dreg:$0xc] =	wrdreg s0  }
0xf: {  	p0 =	sne.s32 s22, $0x1F;
	s0 =	simm.s32 $0x0;
	[dreg:$0x9] =	wrdreg s29  }
.LBB2_14:
0x10: {  	s0 =	sadd.s32 $0x1, s0;
	s20 =	rddreg [dreg:$0xc]  }
0x11: {  	p1 =	sne.s32 s0, s20  }
.Ltmp1:
0x12: {  	_ = 	snop;
	(pc) =	sbr.rel @!p1 .LBB2_15-.Ltmp1, $2  }
0x13: {  	_ =	sdelay $0x2  }
0x14: {  	s22 =	rddreg [dreg:$0x4]  }
.LBB2_1:
0x15: {  	[dreg:$0xd] =	wrdreg s0  }
0x16: {  	s20 =	rddreg [dreg:$0x0]  }
0x17: {  	[tilespmem:s23], [sflag:$0x5] =	stream.linear.gather [hbm4b:s20+s23], $0x800, $0x38;
	[tilespmem:$0xCB00] =	vst v63  }
0x18: {  	_ =	swait.ge [sflag:s1], $0x800  }
0x19: {  	[sflag:s1] =	ssyncset.done $0x0  }
0x1a: {  	s21 =	simm.s32 $0x800;
	s29 =	rddreg [dreg:$0x5];
	[sflag:s1] =	ssyncadd.s32 $0xFFFFF800  }
0x1b: {  	[tilespmem:s21], [sflag:$0x3] =	stream.linear.gather [hbm4b:s29+s23], $0x100, $0x38;
	[tilespmem:$0xCB00] =	vst v63  }
0x1c: {  	s31 =	simm.s32 $0x900;
	s0 =	simm.s32 $0x0;
	s30 =	rddreg [dreg:$0x6]  }
0x1d: {  	[tilespmem:s31], [sflag:$0x4] =	stream.linear.gather [hbm4b:s30+s23], $0x100, $0x38;
	[tilespmem:$0xCB00] =	vst v63  }
.LBB2_2:
0x1e: {  	s20 =	simm.s32 $0x3  }
0x1f: {  	p1 =	seq.s32 s0, $0x0;
	s26 =	sshll.u32 s0, $0x6;
	s21 =	simm.s32 $0x800  }
0x20: {  	s28 =	simm.s32 $0x60;
	s29 =	simm.s32 $0x80;
	s30 =	simm.s32 $0xA0  }
0x21: {  	s31 =	simm.s32 $0xC0;
	s3 =	simm.s32 $0x100;
	s1 =	simm.s32 $0x120  }
0x22: {  	s12 =	simm.s32 $0x140;
	s13 =	simm.s32 $0x160;
	s8 =	simm.s32 $0x180  }
0x23: {  	s11 =	simm.s32 $0x1A0;
	s14 =	simm.s32 $0x1C0;
	s7 =	simm.s32 $0x1E0  }
0x24: {  	s15 =	simm.s32 $0x200;
	s17 =	simm.s32 $0x220;
	s10 =	simm.s32 $0x240  }
0x25: {  	s2 =	simm.s32 $0x260;
	s9 =	simm.s32 $0x280;
	s16 =	simm.s32 $0x2A0  }
0x26: {  	s18 =	simm.s32 $0x2C0;
	s5 =	simm.s32 $0x2E0;
	_ =	swait.ge [sflag:s20], $0x100  }
0x27: {  	s6 =	simm.s32 $0x300;
	s4 =	simm.s32 $0x320;
	[sflag:s20] =	ssyncset.done $0x0  }
0x28: {  	s19 =	simm.s32 $0x340;
	[sflag:s20] =	ssyncadd.s32 $0xFFFFFF00;
	s20 =	simm.s32 @!p1 $0x1  }
0x29: {  	s25 =	simm.s32 $0x360;
	_ =	swait.ge @!p1 [sflag:s20], $0x4000;
	[dreg:$0xe] =	wrdreg s0  }
0x2a: {  	[dreg:$0xf] =	wrdreg s26;
	s0 =	sor.u32 s22, s26;
	s22 =	simm.s32 $0x0  }
0x2b: {  	s26 =	simm.s32 $0x40;
	[sflag:s20] =	ssyncset.done @!p1 $0x0;
	[dreg:$0x11] =	wrdreg s0  }
0x2c: {  	s0 =	simm.s32 $0xE0;
	[sflag:s20] =	ssyncadd.s32 @!p1 $0xFFFFC000;
	s20 =	simm.s32 $0x0  }
.LBB2_3:
0x2d: {  	v0 =	vld [tilespmem:s21+$0x0];
	_ =	sdelay $0x7  }
0x2e: {  	v1 =	vld.idx.msk [tilespmem:v0+s23+$0x0], $0xffff;
	_ =	sdelay $0x2  }
0x2f: {  	s24 =	sand.u32 $0x400, s20;
	s23 =	sand.u32 $0x70, s22  }
0x30: {  	s23 =	sor.u32 s23, s24  }
0x31: {  	s24 =	simm.s32 $0x20;
	[tilespmem:s23+$0xA00] =	vst v1  }
0x32: {  	v1 =	vld.idx.msk [tilespmem:v0+s24+$0x0], $0xffff;
	_ =	sdelay $0x4  }
0x33: {  	[tilespmem:s23+$0xA80] =	vst v1  }
0x34: {  	v1 =	vld.idx.msk [tilespmem:v0+s26+$0x0], $0xffff;
	_ =	sdelay $0x4  }
0x35: {  	[tilespmem:s23+$0xB00] =	vst v1  }
0x36: {  	v1 =	vld.idx.msk [tilespmem:v0+s28+$0x0], $0xffff;
	_ =	sdelay $0x4  }
0x37: {  	[tilespmem:s23+$0xB80] =	vst v1  }
0x38: {  	v1 =	vld.idx.msk [tilespmem:v0+s29+$0x0], $0xffff;
	_ =	sdelay $0x4  }
0x39: {  	[tilespmem:s23+$0xC00] =	vst v1  }
0x3a: {  	v1 =	vld.idx.msk [tilespmem:v0+s30+$0x0], $0xffff;
	_ =	sdelay $0x4  }
0x3b: {  	[tilespmem:s23+$0xC80] =	vst v1  }
0x3c: {  	v1 =	vld.idx.msk [tilespmem:v0+s31+$0x0], $0xffff;
	_ =	sdelay $0x4  }
0x3d: {  	[tilespmem:s23+$0xD00] =	vst v1  }
0x3e: {  	v1 =	vld.idx.msk [tilespmem:v0+s0+$0x0], $0xffff;
	_ =	sdelay $0x2  }
0x3f: {  	s24 =	sor.u32 s20, s22  }
0x40: {  	s24 =	sor.u32 $0x380, s24  }
0x41: {  	[tilespmem:s24+$0xA00] =	vst v1  }
0x42: {  	v1 =	vld.idx.msk [tilespmem:v0+s3+$0x0], $0xffff;
	_ =	sdelay $0x4  }
0x43: {  	[tilespmem:s23+$0x1200] =	vst v1  }
0x44: {  	v1 =	vld.idx.msk [tilespmem:v0+s1+$0x0], $0xffff;
	_ =	sdelay $0x4  }
0x45: {  	[tilespmem:s23+$0x1280] =	vst v1  }
0x46: {  	v1 =	vld.idx.msk [tilespmem:v0+s12+$0x0], $0xffff;
	_ =	sdelay $0x4  }
0x47: {  	[tilespmem:s23+$0x1300] =	vst v1  }
0x48: {  	v1 =	vld.idx.msk [tilespmem:v0+s13+$0x0], $0xffff;
	_ =	sdelay $0x4  }
0x49: {  	[tilespmem:s23+$0x1380] =	vst v1  }
0x4a: {  	v1 =	vld.idx.msk [tilespmem:v0+s8+$0x0], $0xffff;
	_ =	sdelay $0x4  }
0x4b: {  	[tilespmem:s23+$0x1400] =	vst v1  }
0x4c: {  	v1 =	vld.idx.msk [tilespmem:v0+s11+$0x0], $0xffff;
	_ =	sdelay $0x4  }
0x4d: {  	[tilespmem:s23+$0x1480] =	vst v1  }
0x4e: {  	v1 =	vld.idx.msk [tilespmem:v0+s14+$0x0], $0xffff;
	_ =	sdelay $0x4  }
0x4f: {  	[tilespmem:s23+$0x1500] =	vst v1  }
0x50: {  	v1 =	vld.idx.msk [tilespmem:v0+s7+$0x0], $0xffff;
	_ =	sdelay $0x4  }
0x51: {  	[tilespmem:s23+$0x1580] =	vst v1  }
0x52: {  	v1 =	vld.idx.msk [tilespmem:v0+s15+$0x0], $0xffff;
	_ =	sdelay $0x4  }
0x53: {  	[tilespmem:s23+$0x1A00] =	vst v1  }
0x54: {  	v1 =	vld.idx.msk [tilespmem:v0+s17+$0x0], $0xffff;
	_ =	sdelay $0x4  }
0x55: {  	[tilespmem:s23+$0x1A80] =	vst v1  }
0x56: {  	v1 =	vld.idx.msk [tilespmem:v0+s10+$0x0], $0xffff;
	_ =	sdelay $0x4  }
0x57: {  	[tilespmem:s23+$0x1B00] =	vst v1  }
0x58: {  	v1 =	vld.idx.msk [tilespmem:v0+s2+$0x0], $0xffff;
	_ =	sdelay $0x4  }
0x59: {  	[tilespmem:s23+$0x1B80] =	vst v1  }
0x5a: {  	v1 =	vld.idx.msk [tilespmem:v0+s9+$0x0], $0xffff;
	_ =	sdelay $0x4  }
0x5b: {  	[tilespmem:s23+$0x1C00] =	vst v1  }
0x5c: {  	v1 =	vld.idx.msk [tilespmem:v0+s16+$0x0], $0xffff;
	_ =	sdelay $0x4  }
0x5d: {  	[tilespmem:s23+$0x1C80] =	vst v1  }
0x5e: {  	v1 =	vld.idx.msk [tilespmem:v0+s18+$0x0], $0xffff;
	_ =	sdelay $0x4  }
0x5f: {  	[tilespmem:s23+$0x1D00] =	vst v1  }
0x60: {  	v1 =	vld.idx.msk [tilespmem:v0+s5+$0x0], $0xffff;
	_ =	sdelay $0x4  }
0x61: {  	[tilespmem:s23+$0x1D80] =	vst v1  }
0x62: {  	v1 =	vld.idx.msk [tilespmem:v0+s6+$0x0], $0xffff;
	_ =	sdelay $0x4  }
0x63: {  	[tilespmem:s23+$0x2200] =	vst v1  }
0x64: {  	v1 =	vld.idx.msk [tilespmem:v0+s4+$0x0], $0xffff;
	_ =	sdelay $0x4  }
0x65: {  	[tilespmem:s23+$0x2280] =	vst v1  }
0x66: {  	v1 =	vld.idx.msk [tilespmem:v0+s19+$0x0], $0xffff;
	_ =	sdelay $0x4  }
0x67: {  	[tilespmem:s23+$0x2300] =	vst v1  }
0x68: {  	v1 =	vld.idx.msk [tilespmem:v0+s25+$0x0], $0xffff;
	_ =	sdelay $0x4  }
0x69: {  	s24 =	simm.s32 $0x380;
	[tilespmem:s23+$0x2380] =	vst v1  }
0x6a: {  	v1 =	vld.idx.msk [tilespmem:v0+s24+$0x0], $0xffff;
	_ =	sdelay $0x4  }
0x6b: {  	s24 =	simm.s32 $0x3A0;
	[tilespmem:s23+$0x2400] =	vst v1  }
0x6c: {  	v1 =	vld.idx.msk [tilespmem:v0+s24+$0x0], $0xffff;
	_ =	sdelay $0x4  }
0x6d: {  	s24 =	simm.s32 $0x3C0;
	[tilespmem:s23+$0x2480] =	vst v1  }
0x6e: {  	v1 =	vld.idx.msk [tilespmem:v0+s24+$0x0], $0xffff;
	_ =	sdelay $0x4  }
0x6f: {  	s24 =	simm.s32 $0x3E0;
	[tilespmem:s23+$0x2500] =	vst v1  }
0x70: {  	v1 =	vld.idx.msk [tilespmem:v0+s24+$0x0], $0xffff;
	_ =	sdelay $0x4  }
0x71: {  	s24 =	simm.s32 $0x400;
	[tilespmem:s23+$0x2580] =	vst v1  }
0x72: {  	v1 =	vld.idx.msk [tilespmem:v0+s24+$0x0], $0xffff;
	_ =	sdelay $0x4  }
0x73: {  	s24 =	simm.s32 $0x420;
	[tilespmem:s23+$0x2A00] =	vst v1  }
0x74: {  	v1 =	vld.idx.msk [tilespmem:v0+s24+$0x0], $0xffff;
	_ =	sdelay $0x4  }
0x75: {  	s24 =	simm.s32 $0x440;
	[tilespmem:s23+$0x2A80] =	vst v1  }
0x76: {  	v1 =	vld.idx.msk [tilespmem:v0+s24+$0x0], $0xffff;
	_ =	sdelay $0x4  }
0x77: {  	s24 =	simm.s32 $0x460;
	[tilespmem:s23+$0x2B00] =	vst v1  }
0x78: {  	v1 =	vld.idx.msk [tilespmem:v0+s24+$0x0], $0xffff;
	_ =	sdelay $0x4  }
0x79: {  	s24 =	simm.s32 $0x480;
	[tilespmem:s23+$0x2B80] =	vst v1  }
0x7a: {  	v1 =	vld.idx.msk [tilespmem:v0+s24+$0x0], $0xffff;
	_ =	sdelay $0x4  }
0x7b: {  	s24 =	simm.s32 $0x4A0;
	[tilespmem:s23+$0x2C00] =	vst v1  }
0x7c: {  	v1 =	vld.idx.msk [tilespmem:v0+s24+$0x0], $0xffff;
	_ =	sdelay $0x4  }
0x7d: {  	s24 =	simm.s32 $0x4C0;
	[tilespmem:s23+$0x2C80] =	vst v1  }
0x7e: {  	v1 =	vld.idx.msk [tilespmem:v0+s24+$0x0], $0xffff;
	_ =	sdelay $0x4  }
0x7f: {  	s24 =	simm.s32 $0x4E0;
	[tilespmem:s23+$0x2D00] =	vst v1  }
0x80: {  	v1 =	vld.idx.msk [tilespmem:v0+s24+$0x0], $0xffff;
	_ =	sdelay $0x4  }
0x81: {  	s24 =	simm.s32 $0x500;
	[tilespmem:s23+$0x2D80] =	vst v1  }
0x82: {  	v1 =	vld.idx.msk [tilespmem:v0+s24+$0x0], $0xffff;
	_ =	sdelay $0x4  }
0x83: {  	s24 =	simm.s32 $0x520;
	[tilespmem:s23+$0x3200] =	vst v1  }
0x84: {  	v1 =	vld.idx.msk [tilespmem:v0+s24+$0x0], $0xffff;
	_ =	sdelay $0x4  }
0x85: {  	s24 =	simm.s32 $0x540;
	[tilespmem:s23+$0x3280] =	vst v1  }
0x86: {  	v1 =	vld.idx.msk [tilespmem:v0+s24+$0x0], $0xffff;
	_ =	sdelay $0x4  }
0x87: {  	s24 =	simm.s32 $0x560;
	[tilespmem:s23+$0x3300] =	vst v1  }
0x88: {  	v1 =	vld.idx.msk [tilespmem:v0+s24+$0x0], $0xffff;
	_ =	sdelay $0x4  }
0x89: {  	s24 =	simm.s32 $0x580;
	[tilespmem:s23+$0x3380] =	vst v1  }
0x8a: {  	v1 =	vld.idx.msk [tilespmem:v0+s24+$0x0], $0xffff;
	_ =	sdelay $0x4  }
0x8b: {  	s24 =	simm.s32 $0x5A0;
	[tilespmem:s23+$0x3400] =	vst v1  }
0x8c: {  	v1 =	vld.idx.msk [tilespmem:v0+s24+$0x0], $0xffff;
	_ =	sdelay $0x4  }
0x8d: {  	s24 =	simm.s32 $0x5C0;
	[tilespmem:s23+$0x3480] =	vst v1  }
0x8e: {  	v1 =	vld.idx.msk [tilespmem:v0+s24+$0x0], $0xffff;
	_ =	sdelay $0x4  }
0x8f: {  	s24 =	simm.s32 $0x5E0;
	[tilespmem:s23+$0x3500] =	vst v1  }
0x90: {  	v1 =	vld.idx.msk [tilespmem:v0+s24+$0x0], $0xffff;
	_ =	sdelay $0x4  }
0x91: {  	s24 =	simm.s32 $0x600;
	[tilespmem:s23+$0x3580] =	vst v1  }
0x92: {  	v1 =	vld.idx.msk [tilespmem:v0+s24+$0x0], $0xffff;
	_ =	sdelay $0x4  }
0x93: {  	s24 =	simm.s32 $0x620;
	[tilespmem:s23+$0x3A00] =	vst v1  }
0x94: {  	v1 =	vld.idx.msk [tilespmem:v0+s24+$0x0], $0xffff;
	_ =	sdelay $0x4  }
0x95: {  	s24 =	simm.s32 $0x640;
	[tilespmem:s23+$0x3A80] =	vst v1  }
0x96: {  	v1 =	vld.idx.msk [tilespmem:v0+s24+$0x0], $0xffff;
	_ =	sdelay $0x4  }
0x97: {  	s24 =	simm.s32 $0x660;
	[tilespmem:s23+$0x3B00] =	vst v1  }
0x98: {  	v1 =	vld.idx.msk [tilespmem:v0+s24+$0x0], $0xffff;
	_ =	sdelay $0x4  }
0x99: {  	s24 =	simm.s32 $0x680;
	[tilespmem:s23+$0x3B80] =	vst v1  }
0x9a: {  	v1 =	vld.idx.msk [tilespmem:v0+s24+$0x0], $0xffff;
	_ =	sdelay $0x4  }
0x9b: {  	s24 =	simm.s32 $0x6A0;
	[tilespmem:s23+$0x3C00] =	vst v1  }
0x9c: {  	v1 =	vld.idx.msk [tilespmem:v0+s24+$0x0], $0xffff;
	_ =	sdelay $0x4  }
0x9d: {  	s24 =	simm.s32 $0x6C0;
	[tilespmem:s23+$0x3C80] =	vst v1  }
0x9e: {  	v1 =	vld.idx.msk [tilespmem:v0+s24+$0x0], $0xffff;
	_ =	sdelay $0x4  }
0x9f: {  	s24 =	simm.s32 $0x6E0;
	[tilespmem:s23+$0x3D00] =	vst v1  }
0xa0: {  	v1 =	vld.idx.msk [tilespmem:v0+s24+$0x0], $0xffff;
	_ =	sdelay $0x4  }
0xa1: {  	s24 =	simm.s32 $0x700;
	[tilespmem:s23+$0x3D80] =	vst v1  }
0xa2: {  	v1 =	vld.idx.msk [tilespmem:v0+s24+$0x0], $0xffff;
	_ =	sdelay $0x4  }
0xa3: {  	s24 =	simm.s32 $0x720;
	[tilespmem:s23+$0x4200] =	vst v1  }
0xa4: {  	v1 =	vld.idx.msk [tilespmem:v0+s24+$0x0], $0xffff;
	_ =	sdelay $0x4  }
0xa5: {  	s24 =	simm.s32 $0x740;
	[tilespmem:s23+$0x4280] =	vst v1  }
0xa6: {  	v1 =	vld.idx.msk [tilespmem:v0+s24+$0x0], $0xffff;
	_ =	sdelay $0x4  }
0xa7: {  	s24 =	simm.s32 $0x760;
	[tilespmem:s23+$0x4300] =	vst v1  }
0xa8: {  	v1 =	vld.idx.msk [tilespmem:v0+s24+$0x0], $0xffff;
	_ =	sdelay $0x4  }
0xa9: {  	s24 =	simm.s32 $0x780;
	[tilespmem:s23+$0x4380] =	vst v1  }
0xaa: {  	v1 =	vld.idx.msk [tilespmem:v0+s24+$0x0], $0xffff;
	_ =	sdelay $0x4  }
0xab: {  	s24 =	simm.s32 $0x7A0;
	[tilespmem:s23+$0x4400] =	vst v1  }
0xac: {  	v1 =	vld.idx.msk [tilespmem:v0+s24+$0x0], $0xffff;
	_ =	sdelay $0x4  }
0xad: {  	s24 =	simm.s32 $0x7C0;
	[tilespmem:s23+$0x4480] =	vst v1  }
0xae: {  	v1 =	vld.idx.msk [tilespmem:v0+s24+$0x0], $0xffff;
	_ =	sdelay $0x4  }
0xaf: {  	s24 =	simm.s32 $0x7E0;
	[tilespmem:s23+$0x4500] =	vst v1  }
0xb0: {  	p2 =	sne.s32 s22, $0xF0;
	v0 =	vld.idx.msk [tilespmem:v0+s24+$0x0], $0xffff  }
.Ltmp2:
0xb1: {  	_ = 	snop;
	(pc) =	sbr.rel @p2 .LBB2_3-.Ltmp2, $3  }
0xb2: {  	_ =	sdelay $0x1  }
0xb3: {  	s21 =	sadd.s32 $0x10, s21  }
0xb4: {  	s20 =	sadd.s32 $0x80, s20;
	s22 =	sadd.s32 $0x10, s22;
	[tilespmem:s23+$0x4580] =	vst v0;
	s23 =	simm.s32 $0x0  }
0xb5: {  	s20 =	rddreg [dreg:$0x11]  }
0xb6: {  	s20 =	sshll.u32 s20, $0x8  }
0xb7: {  	s24 =	rddreg [dreg:$0x1];
	s21 =	sand.u32 $0x1FFFDF00, s20  }
0xb8: {  	s22 =	simm.s32 $0x800;
	[dreg:$0x10] =	wrdreg s21  }
0xb9: {  	s20 =	sadd.s32 s24, s21;
	s21 =	simm.s32 $0xC3800;
	s24 =	simm.s32 $0xA00  }
0xba: {  	[hbm4b:s20+s22] =	stream.strided.scatter [tilespmem:s24], [sflag:$0x1], $0x4000, s21, s22, $0x38;
	[tilespmem:$0xCB00] =	vst v63  }
0xbb: {  	s21 =	rddreg [dreg:$0x7]  }
0xbc: {  	s24 =	rddreg [dreg:$0xf]  }
0xbd: {  	s20 =	sadd.s32 s21, s24  }
0xbe: {  	s21 =	rddreg [dreg:$0x4];
	p2 =	slt.u32 s20, $0x186  }
0xbf: {  	s21 =	smov.u32 @p2 s20  }
0xc0: {  	s20 =	sshll.u32 s21, $0x5  }
0xc1: {  	s24 =	rddreg [dreg:$0x3];
	s20 =	sand.u32 $0x1FFFFFE0, s20  }
0xc2: {  	s20 =	sadd.s32 s24, s20;
	s24 =	simm.s32 $0x4  }
0xc3: {  	[tilespmem:s22], [sflag:$0x3] =	stream.linear.gather [hbm4b:s20+s23], $0x100, $0x38;
	[tilespmem:$0xCB00] =	vst v63  }
0xc4: {  	_ =	swait.ge [sflag:s24], $0x100  }
0xc5: {  	[sflag:s24] =	ssyncset.done $0x0  }
0xc6: {  	s20 =	simm.s32 @!p1 $0x2;
	[sflag:s24] =	ssyncadd.s32 $0xFFFFFF00  }
0xc7: {  	_ =	swait.ge @!p1 [sflag:s20], $0x4000  }
0xc8: {  	s21 =	simm.s32 $0x900;
	[sflag:s20] =	ssyncset.done @!p1 $0x0  }
0xc9: {  	s22 =	simm.s32 $0x0;
	[sflag:s20] =	ssyncadd.s32 @!p1 $0xFFFFC000;
	s20 =	simm.s32 $0x0  }
.LBB2_5:
0xca: {  	v0 =	vld [tilespmem:s21+$0x0];
	_ =	sdelay $0x7  }
0xcb: {  	v1 =	vld.idx.msk [tilespmem:v0+s23+$0x0], $0xffff;
	_ =	sdelay $0x2  }
0xcc: {  	s24 =	sand.u32 $0x400, s20;
	s23 =	sand.u32 $0x70, s22  }
0xcd: {  	s23 =	sor.u32 s23, s24  }
0xce: {  	s24 =	simm.s32 $0x20;
	[tilespmem:s23+$0x4A00] =	vst v1  }
0xcf: {  	v1 =	vld.idx.msk [tilespmem:v0+s24+$0x0], $0xffff;
	_ =	sdelay $0x4  }
0xd0: {  	[tilespmem:s23+$0x4A80] =	vst v1  }
0xd1: {  	v1 =	vld.idx.msk [tilespmem:v0+s26+$0x0], $0xffff;
	_ =	sdelay $0x4  }
0xd2: {  	[tilespmem:s23+$0x4B00] =	vst v1  }
0xd3: {  	v1 =	vld.idx.msk [tilespmem:v0+s28+$0x0], $0xffff;
	_ =	sdelay $0x4  }
0xd4: {  	[tilespmem:s23+$0x4B80] =	vst v1  }
0xd5: {  	v1 =	vld.idx.msk [tilespmem:v0+s29+$0x0], $0xffff;
	_ =	sdelay $0x4  }
0xd6: {  	[tilespmem:s23+$0x4C00] =	vst v1  }
0xd7: {  	v1 =	vld.idx.msk [tilespmem:v0+s30+$0x0], $0xffff;
	_ =	sdelay $0x4  }
0xd8: {  	[tilespmem:s23+$0x4C80] =	vst v1  }
0xd9: {  	v1 =	vld.idx.msk [tilespmem:v0+s31+$0x0], $0xffff;
	_ =	sdelay $0x4  }
0xda: {  	[tilespmem:s23+$0x4D00] =	vst v1  }
0xdb: {  	v1 =	vld.idx.msk [tilespmem:v0+s0+$0x0], $0xffff;
	_ =	sdelay $0x2  }
0xdc: {  	s24 =	sor.u32 s20, s22  }
0xdd: {  	s24 =	sor.u32 $0x380, s24  }
0xde: {  	[tilespmem:s24+$0x4A00] =	vst v1  }
0xdf: {  	v1 =	vld.idx.msk [tilespmem:v0+s3+$0x0], $0xffff;
	_ =	sdelay $0x4  }
0xe0: {  	[tilespmem:s23+$0x5200] =	vst v1  }
0xe1: {  	v1 =	vld.idx.msk [tilespmem:v0+s1+$0x0], $0xffff;
	_ =	sdelay $0x4  }
0xe2: {  	[tilespmem:s23+$0x5280] =	vst v1  }
0xe3: {  	v1 =	vld.idx.msk [tilespmem:v0+s12+$0x0], $0xffff;
	_ =	sdelay $0x4  }
0xe4: {  	[tilespmem:s23+$0x5300] =	vst v1  }
0xe5: {  	v1 =	vld.idx.msk [tilespmem:v0+s13+$0x0], $0xffff;
	_ =	sdelay $0x4  }
0xe6: {  	[tilespmem:s23+$0x5380] =	vst v1  }
0xe7: {  	v1 =	vld.idx.msk [tilespmem:v0+s8+$0x0], $0xffff;
	_ =	sdelay $0x4  }
0xe8: {  	[tilespmem:s23+$0x5400] =	vst v1  }
0xe9: {  	v1 =	vld.idx.msk [tilespmem:v0+s11+$0x0], $0xffff;
	_ =	sdelay $0x4  }
0xea: {  	[tilespmem:s23+$0x5480] =	vst v1  }
0xeb: {  	v1 =	vld.idx.msk [tilespmem:v0+s14+$0x0], $0xffff;
	_ =	sdelay $0x4  }
0xec: {  	[tilespmem:s23+$0x5500] =	vst v1  }
0xed: {  	v1 =	vld.idx.msk [tilespmem:v0+s7+$0x0], $0xffff;
	_ =	sdelay $0x4  }
0xee: {  	[tilespmem:s23+$0x5580] =	vst v1  }
0xef: {  	v1 =	vld.idx.msk [tilespmem:v0+s15+$0x0], $0xffff;
	_ =	sdelay $0x4  }
0xf0: {  	[tilespmem:s23+$0x5A00] =	vst v1  }
0xf1: {  	v1 =	vld.idx.msk [tilespmem:v0+s17+$0x0], $0xffff;
	_ =	sdelay $0x4  }
0xf2: {  	[tilespmem:s23+$0x5A80] =	vst v1  }
0xf3: {  	v1 =	vld.idx.msk [tilespmem:v0+s10+$0x0], $0xffff;
	_ =	sdelay $0x4  }
0xf4: {  	[tilespmem:s23+$0x5B00] =	vst v1  }
0xf5: {  	v1 =	vld.idx.msk [tilespmem:v0+s2+$0x0], $0xffff;
	_ =	sdelay $0x4  }
0xf6: {  	[tilespmem:s23+$0x5B80] =	vst v1  }
0xf7: {  	v1 =	vld.idx.msk [tilespmem:v0+s9+$0x0], $0xffff;
	_ =	sdelay $0x4  }
0xf8: {  	[tilespmem:s23+$0x5C00] =	vst v1  }
0xf9: {  	v1 =	vld.idx.msk [tilespmem:v0+s16+$0x0], $0xffff;
	_ =	sdelay $0x4  }
0xfa: {  	[tilespmem:s23+$0x5C80] =	vst v1  }
0xfb: {  	v1 =	vld.idx.msk [tilespmem:v0+s18+$0x0], $0xffff;
	_ =	sdelay $0x4  }
0xfc: {  	[tilespmem:s23+$0x5D00] =	vst v1  }
0xfd: {  	v1 =	vld.idx.msk [tilespmem:v0+s5+$0x0], $0xffff;
	_ =	sdelay $0x4  }
0xfe: {  	[tilespmem:s23+$0x5D80] =	vst v1  }
0xff: {  	v1 =	vld.idx.msk [tilespmem:v0+s6+$0x0], $0xffff;
	_ =	sdelay $0x4  }
0x100: {  	[tilespmem:s23+$0x6200] =	vst v1  }
0x101: {  	v1 =	vld.idx.msk [tilespmem:v0+s4+$0x0], $0xffff;
	_ =	sdelay $0x4  }
0x102: {  	[tilespmem:s23+$0x6280] =	vst v1  }
0x103: {  	v1 =	vld.idx.msk [tilespmem:v0+s19+$0x0], $0xffff;
	_ =	sdelay $0x4  }
0x104: {  	[tilespmem:s23+$0x6300] =	vst v1  }
0x105: {  	v1 =	vld.idx.msk [tilespmem:v0+s25+$0x0], $0xffff;
	_ =	sdelay $0x4  }
0x106: {  	s24 =	simm.s32 $0x380;
	[tilespmem:s23+$0x6380] =	vst v1  }
0x107: {  	v1 =	vld.idx.msk [tilespmem:v0+s24+$0x0], $0xffff;
	_ =	sdelay $0x4  }
0x108: {  	s24 =	simm.s32 $0x3A0;
	[tilespmem:s23+$0x6400] =	vst v1  }
0x109: {  	v1 =	vld.idx.msk [tilespmem:v0+s24+$0x0], $0xffff;
	_ =	sdelay $0x4  }
0x10a: {  	s24 =	simm.s32 $0x3C0;
	[tilespmem:s23+$0x6480] =	vst v1  }
0x10b: {  	v1 =	vld.idx.msk [tilespmem:v0+s24+$0x0], $0xffff;
	_ =	sdelay $0x4  }
0x10c: {  	s24 =	simm.s32 $0x3E0;
	[tilespmem:s23+$0x6500] =	vst v1  }
0x10d: {  	v1 =	vld.idx.msk [tilespmem:v0+s24+$0x0], $0xffff;
	_ =	sdelay $0x4  }
0x10e: {  	s24 =	simm.s32 $0x400;
	[tilespmem:s23+$0x6580] =	vst v1  }
0x10f: {  	v1 =	vld.idx.msk [tilespmem:v0+s24+$0x0], $0xffff;
	_ =	sdelay $0x4  }
0x110: {  	s24 =	simm.s32 $0x420;
	[tilespmem:s23+$0x6A00] =	vst v1  }
0x111: {  	v1 =	vld.idx.msk [tilespmem:v0+s24+$0x0], $0xffff;
	_ =	sdelay $0x4  }
0x112: {  	s24 =	simm.s32 $0x440;
	[tilespmem:s23+$0x6A80] =	vst v1  }
0x113: {  	v1 =	vld.idx.msk [tilespmem:v0+s24+$0x0], $0xffff;
	_ =	sdelay $0x4  }
0x114: {  	s24 =	simm.s32 $0x460;
	[tilespmem:s23+$0x6B00] =	vst v1  }
0x115: {  	v1 =	vld.idx.msk [tilespmem:v0+s24+$0x0], $0xffff;
	_ =	sdelay $0x4  }
0x116: {  	s24 =	simm.s32 $0x480;
	[tilespmem:s23+$0x6B80] =	vst v1  }
0x117: {  	v1 =	vld.idx.msk [tilespmem:v0+s24+$0x0], $0xffff;
	_ =	sdelay $0x4  }
0x118: {  	s24 =	simm.s32 $0x4A0;
	[tilespmem:s23+$0x6C00] =	vst v1  }
0x119: {  	v1 =	vld.idx.msk [tilespmem:v0+s24+$0x0], $0xffff;
	_ =	sdelay $0x4  }
0x11a: {  	s24 =	simm.s32 $0x4C0;
	[tilespmem:s23+$0x6C80] =	vst v1  }
0x11b: {  	v1 =	vld.idx.msk [tilespmem:v0+s24+$0x0], $0xffff;
	_ =	sdelay $0x4  }
0x11c: {  	s24 =	simm.s32 $0x4E0;
	[tilespmem:s23+$0x6D00] =	vst v1  }
0x11d: {  	v1 =	vld.idx.msk [tilespmem:v0+s24+$0x0], $0xffff;
	_ =	sdelay $0x4  }
0x11e: {  	s24 =	simm.s32 $0x500;
	[tilespmem:s23+$0x6D80] =	vst v1  }
0x11f: {  	v1 =	vld.idx.msk [tilespmem:v0+s24+$0x0], $0xffff;
	_ =	sdelay $0x4  }
0x120: {  	s24 =	simm.s32 $0x520;
	[tilespmem:s23+$0x7200] =	vst v1  }
0x121: {  	v1 =	vld.idx.msk [tilespmem:v0+s24+$0x0], $0xffff;
	_ =	sdelay $0x4  }
0x122: {  	s24 =	simm.s32 $0x540;
	[tilespmem:s23+$0x7280] =	vst v1  }
0x123: {  	v1 =	vld.idx.msk [tilespmem:v0+s24+$0x0], $0xffff;
	_ =	sdelay $0x4  }
0x124: {  	s24 =	simm.s32 $0x560;
	[tilespmem:s23+$0x7300] =	vst v1  }
0x125: {  	v1 =	vld.idx.msk [tilespmem:v0+s24+$0x0], $0xffff;
	_ =	sdelay $0x4  }
0x126: {  	s24 =	simm.s32 $0x580;
	[tilespmem:s23+$0x7380] =	vst v1  }
0x127: {  	v1 =	vld.idx.msk [tilespmem:v0+s24+$0x0], $0xffff;
	_ =	sdelay $0x4  }
0x128: {  	s24 =	simm.s32 $0x5A0;
	[tilespmem:s23+$0x7400] =	vst v1  }
0x129: {  	v1 =	vld.idx.msk [tilespmem:v0+s24+$0x0], $0xffff;
	_ =	sdelay $0x4  }
0x12a: {  	s24 =	simm.s32 $0x5C0;
	[tilespmem:s23+$0x7480] =	vst v1  }
0x12b: {  	v1 =	vld.idx.msk [tilespmem:v0+s24+$0x0], $0xffff;
	_ =	sdelay $0x4  }
0x12c: {  	s24 =	simm.s32 $0x5E0;
	[tilespmem:s23+$0x7500] =	vst v1  }
0x12d: {  	v1 =	vld.idx.msk [tilespmem:v0+s24+$0x0], $0xffff;
	_ =	sdelay $0x4  }
0x12e: {  	s24 =	simm.s32 $0x600;
	[tilespmem:s23+$0x7580] =	vst v1  }
0x12f: {  	v1 =	vld.idx.msk [tilespmem:v0+s24+$0x0], $0xffff;
	_ =	sdelay $0x4  }
0x130: {  	s24 =	simm.s32 $0x620;
	[tilespmem:s23+$0x7A00] =	vst v1  }
0x131: {  	v1 =	vld.idx.msk [tilespmem:v0+s24+$0x0], $0xffff;
	_ =	sdelay $0x4  }
0x132: {  	s24 =	simm.s32 $0x640;
	[tilespmem:s23+$0x7A80] =	vst v1  }
0x133: {  	v1 =	vld.idx.msk [tilespmem:v0+s24+$0x0], $0xffff;
	_ =	sdelay $0x4  }
0x134: {  	s24 =	simm.s32 $0x660;
	[tilespmem:s23+$0x7B00] =	vst v1  }
0x135: {  	v1 =	vld.idx.msk [tilespmem:v0+s24+$0x0], $0xffff;
	_ =	sdelay $0x4  }
0x136: {  	s24 =	simm.s32 $0x680;
	[tilespmem:s23+$0x7B80] =	vst v1  }
0x137: {  	v1 =	vld.idx.msk [tilespmem:v0+s24+$0x0], $0xffff;
	_ =	sdelay $0x4  }
0x138: {  	s24 =	simm.s32 $0x6A0;
	[tilespmem:s23+$0x7C00] =	vst v1  }
0x139: {  	v1 =	vld.idx.msk [tilespmem:v0+s24+$0x0], $0xffff;
	_ =	sdelay $0x4  }
0x13a: {  	s24 =	simm.s32 $0x6C0;
	[tilespmem:s23+$0x7C80] =	vst v1  }
0x13b: {  	v1 =	vld.idx.msk [tilespmem:v0+s24+$0x0], $0xffff;
	_ =	sdelay $0x4  }
0x13c: {  	s24 =	simm.s32 $0x6E0;
	[tilespmem:s23+$0x7D00] =	vst v1  }
0x13d: {  	v1 =	vld.idx.msk [tilespmem:v0+s24+$0x0], $0xffff;
	_ =	sdelay $0x4  }
0x13e: {  	s24 =	simm.s32 $0x700;
	[tilespmem:s23+$0x7D80] =	vst v1  }
0x13f: {  	v1 =	vld.idx.msk [tilespmem:v0+s24+$0x0], $0xffff;
	_ =	sdelay $0x4  }
0x140: {  	s24 =	simm.s32 $0x720;
	[tilespmem:s23+$0x8200] =	vst v1  }
0x141: {  	v1 =	vld.idx.msk [tilespmem:v0+s24+$0x0], $0xffff;
	_ =	sdelay $0x4  }
0x142: {  	s24 =	simm.s32 $0x740;
	[tilespmem:s23+$0x8280] =	vst v1  }
0x143: {  	v1 =	vld.idx.msk [tilespmem:v0+s24+$0x0], $0xffff;
	_ =	sdelay $0x4  }
0x144: {  	s24 =	simm.s32 $0x760;
	[tilespmem:s23+$0x8300] =	vst v1  }
0x145: {  	v1 =	vld.idx.msk [tilespmem:v0+s24+$0x0], $0xffff;
	_ =	sdelay $0x4  }
0x146: {  	s24 =	simm.s32 $0x780;
	[tilespmem:s23+$0x8380] =	vst v1  }
0x147: {  	v1 =	vld.idx.msk [tilespmem:v0+s24+$0x0], $0xffff;
	_ =	sdelay $0x4  }
0x148: {  	s24 =	simm.s32 $0x7A0;
	[tilespmem:s23+$0x8400] =	vst v1  }
0x149: {  	v1 =	vld.idx.msk [tilespmem:v0+s24+$0x0], $0xffff;
	_ =	sdelay $0x4  }
0x14a: {  	s24 =	simm.s32 $0x7C0;
	[tilespmem:s23+$0x8480] =	vst v1  }
0x14b: {  	v1 =	vld.idx.msk [tilespmem:v0+s24+$0x0], $0xffff;
	_ =	sdelay $0x4  }
0x14c: {  	s24 =	simm.s32 $0x7E0;
	[tilespmem:s23+$0x8500] =	vst v1  }
0x14d: {  	p1 =	sne.s32 s22, $0xF0;
	v0 =	vld.idx.msk [tilespmem:v0+s24+$0x0], $0xffff  }
.Ltmp3:
0x14e: {  	_ = 	snop;
	(pc) =	sbr.rel @p1 .LBB2_5-.Ltmp3, $3  }
0x14f: {  	_ =	sdelay $0x1  }
0x150: {  	s21 =	sadd.s32 $0x10, s21  }
0x151: {  	s20 =	sadd.s32 $0x80, s20;
	s22 =	sadd.s32 $0x10, s22;
	[tilespmem:s23+$0x8580] =	vst v0;
	s23 =	simm.s32 $0x0  }
0x152: {  	s20 =	rddreg [dreg:$0x1]  }
0x153: {  	s0 =	rddreg [dreg:$0x10]  }
0x154: {  	s20 =	sadd.s32 s0, s20;
	s0 =	rddreg [dreg:$0xe]  }
0x155: {  	p1 =	seq.s32 s0, $0x5  }
.Ltmp4:
0x156: {  	_ = 	snop;
	(pc) =	sbr.rel @p1 .LBB2_8-.Ltmp4, $4  }
0x157: {  	_ = 	snop  }
0x158: {  	s21 =	simm.s32 $0x800  }
0x159: {  	s31 =	simm.s32 $0xC3800;
	s1 =	simm.s32 $0x4A00;
	s20 =	sadd.s32 $0x2000, s20  }
0x15a: {  	[hbm4b:s20+s21] =	stream.strided.scatter [tilespmem:s1], [sflag:$0x2], $0x4000, s31, s21, $0x38;
	[tilespmem:$0xCB00] =	vst v63  }
0x15b: {  	s20 =	rddreg [dreg:$0x8]  }
0x15c: {  	s1 =	rddreg [dreg:$0xf]  }
0x15d: {  	s22 =	rddreg [dreg:$0x4];
	s20 =	sadd.s32 s20, s1  }
0x15e: {  	s21 =	smov.u32 s22;
	p1 =	slt.u32 s20, $0x186  }
.Ltmp5:
0x15f: {  	s21 =	smov.u32 @p1 s20;
	(pc) =	sbr.rel .LBB2_2-.Ltmp5, $4  }
0x160: {  	s20 =	sshll.u32 s21, $0x5  }
0x161: {  	s30 =	rddreg [dreg:$0x3];
	s20 =	sand.u32 $0x1FFFFFE0, s20  }
0x162: {  	s31 =	simm.s32 $0x900;
	s0 =	sadd.s32 $0x1, s0;
	s20 =	sadd.s32 s30, s20  }
0x163: {  	[tilespmem:s31], [sflag:$0x4] =	stream.linear.gather [hbm4b:s20+s23], $0x100, $0x38;
	[tilespmem:$0xCB00] =	vst v63  }
.LBB2_8:
0x164: {  	s20 =	simm.s32 $0x3  }
0x165: {  	s0 =	simm.s32 $0x1;
	s21 =	simm.s32 $0x800;
	s22 =	simm.s32 $0x0  }
0x166: {  	s26 =	simm.s32 $0x40;
	s28 =	simm.s32 $0x60;
	s29 =	simm.s32 $0x80  }
0x167: {  	s30 =	simm.s32 $0xA0;
	s31 =	simm.s32 $0xC0;
	s3 =	simm.s32 $0x100  }
0x168: {  	s1 =	simm.s32 $0x120;
	s12 =	simm.s32 $0x140;
	s13 =	simm.s32 $0x160  }
0x169: {  	s8 =	simm.s32 $0x180;
	s11 =	simm.s32 $0x1A0;
	s14 =	simm.s32 $0x1C0  }
0x16a: {  	s7 =	simm.s32 $0x1E0;
	s15 =	simm.s32 $0x200;
	s17 =	simm.s32 $0x220  }
0x16b: {  	s10 =	simm.s32 $0x240;
	s2 =	simm.s32 $0x260;
	_ =	swait.ge [sflag:s20], $0x100  }
0x16c: {  	s9 =	simm.s32 $0x280;
	s16 =	simm.s32 $0x2A0;
	[sflag:s20] =	ssyncset.done $0x0  }
0x16d: {  	s18 =	simm.s32 $0x2C0;
	s5 =	simm.s32 $0x2E0;
	[sflag:s20] =	ssyncadd.s32 $0xFFFFFF00  }
0x16e: {  	s6 =	simm.s32 $0x300;
	s4 =	simm.s32 $0x320;
	_ =	swait.ge [sflag:s0], $0x4000  }
0x16f: {  	s19 =	simm.s32 $0x340;
	s25 =	simm.s32 $0x360;
	[sflag:s0] =	ssyncset.done $0x0  }
0x170: {  	s20 =	simm.s32 $0x0;
	[sflag:s0] =	ssyncadd.s32 $0xFFFFC000;
	s0 =	simm.s32 $0xE0  }
.LBB2_9:
0x171: {  	v0 =	vld [tilespmem:s21+$0x0];
	_ =	sdelay $0x7  }
0x172: {  	v1 =	vld.idx.msk [tilespmem:v0+s23+$0x0], $0xffff;
	_ =	sdelay $0x2  }
0x173: {  	s24 =	sand.u32 $0x400, s20;
	s23 =	sand.u32 $0x70, s22  }
0x174: {  	s23 =	sor.u32 s23, s24  }
0x175: {  	s24 =	simm.s32 $0x20;
	[tilespmem:s23+$0xA00] =	vst v1  }
0x176: {  	v1 =	vld.idx.msk [tilespmem:v0+s24+$0x0], $0xffff;
	_ =	sdelay $0x4  }
0x177: {  	[tilespmem:s23+$0xA80] =	vst v1  }
0x178: {  	v1 =	vld.idx.msk [tilespmem:v0+s26+$0x0], $0xffff;
	_ =	sdelay $0x4  }
0x179: {  	[tilespmem:s23+$0xB00] =	vst v1  }
0x17a: {  	v1 =	vld.idx.msk [tilespmem:v0+s28+$0x0], $0xffff;
	_ =	sdelay $0x4  }
0x17b: {  	[tilespmem:s23+$0xB80] =	vst v1  }
0x17c: {  	v1 =	vld.idx.msk [tilespmem:v0+s29+$0x0], $0xffff;
	_ =	sdelay $0x4  }
0x17d: {  	[tilespmem:s23+$0xC00] =	vst v1  }
0x17e: {  	v1 =	vld.idx.msk [tilespmem:v0+s30+$0x0], $0xffff;
	_ =	sdelay $0x4  }
0x17f: {  	[tilespmem:s23+$0xC80] =	vst v1  }
0x180: {  	v1 =	vld.idx.msk [tilespmem:v0+s31+$0x0], $0xffff;
	_ =	sdelay $0x4  }
0x181: {  	[tilespmem:s23+$0xD00] =	vst v1  }
0x182: {  	v1 =	vld.idx.msk [tilespmem:v0+s0+$0x0], $0xffff;
	_ =	sdelay $0x2  }
0x183: {  	s24 =	sor.u32 s20, s22  }
0x184: {  	s24 =	sor.u32 $0x380, s24  }
0x185: {  	[tilespmem:s24+$0xA00] =	vst v1  }
0x186: {  	v1 =	vld.idx.msk [tilespmem:v0+s3+$0x0], $0xffff;
	_ =	sdelay $0x4  }
0x187: {  	[tilespmem:s23+$0x1200] =	vst v1  }
0x188: {  	v1 =	vld.idx.msk [tilespmem:v0+s1+$0x0], $0xffff;
	_ =	sdelay $0x4  }
0x189: {  	[tilespmem:s23+$0x1280] =	vst v1  }
0x18a: {  	v1 =	vld.idx.msk [tilespmem:v0+s12+$0x0], $0xffff;
	_ =	sdelay $0x4  }
0x18b: {  	[tilespmem:s23+$0x1300] =	vst v1  }
0x18c: {  	v1 =	vld.idx.msk [tilespmem:v0+s13+$0x0], $0xffff;
	_ =	sdelay $0x4  }
0x18d: {  	[tilespmem:s23+$0x1380] =	vst v1  }
0x18e: {  	v1 =	vld.idx.msk [tilespmem:v0+s8+$0x0], $0xffff;
	_ =	sdelay $0x4  }
0x18f: {  	[tilespmem:s23+$0x1400] =	vst v1  }
0x190: {  	v1 =	vld.idx.msk [tilespmem:v0+s11+$0x0], $0xffff;
	_ =	sdelay $0x4  }
0x191: {  	[tilespmem:s23+$0x1480] =	vst v1  }
0x192: {  	v1 =	vld.idx.msk [tilespmem:v0+s14+$0x0], $0xffff;
	_ =	sdelay $0x4  }
0x193: {  	[tilespmem:s23+$0x1500] =	vst v1  }
0x194: {  	v1 =	vld.idx.msk [tilespmem:v0+s7+$0x0], $0xffff;
	_ =	sdelay $0x4  }
0x195: {  	[tilespmem:s23+$0x1580] =	vst v1  }
0x196: {  	v1 =	vld.idx.msk [tilespmem:v0+s15+$0x0], $0xffff;
	_ =	sdelay $0x4  }
0x197: {  	[tilespmem:s23+$0x1A00] =	vst v1  }
0x198: {  	v1 =	vld.idx.msk [tilespmem:v0+s17+$0x0], $0xffff;
	_ =	sdelay $0x4  }
0x199: {  	[tilespmem:s23+$0x1A80] =	vst v1  }
0x19a: {  	v1 =	vld.idx.msk [tilespmem:v0+s10+$0x0], $0xffff;
	_ =	sdelay $0x4  }
0x19b: {  	[tilespmem:s23+$0x1B00] =	vst v1  }
0x19c: {  	v1 =	vld.idx.msk [tilespmem:v0+s2+$0x0], $0xffff;
	_ =	sdelay $0x4  }
0x19d: {  	[tilespmem:s23+$0x1B80] =	vst v1  }
0x19e: {  	v1 =	vld.idx.msk [tilespmem:v0+s9+$0x0], $0xffff;
	_ =	sdelay $0x4  }
0x19f: {  	[tilespmem:s23+$0x1C00] =	vst v1  }
0x1a0: {  	v1 =	vld.idx.msk [tilespmem:v0+s16+$0x0], $0xffff;
	_ =	sdelay $0x4  }
0x1a1: {  	[tilespmem:s23+$0x1C80] =	vst v1  }
0x1a2: {  	v1 =	vld.idx.msk [tilespmem:v0+s18+$0x0], $0xffff;
	_ =	sdelay $0x4  }
0x1a3: {  	[tilespmem:s23+$0x1D00] =	vst v1  }
0x1a4: {  	v1 =	vld.idx.msk [tilespmem:v0+s5+$0x0], $0xffff;
	_ =	sdelay $0x4  }
0x1a5: {  	[tilespmem:s23+$0x1D80] =	vst v1  }
0x1a6: {  	v1 =	vld.idx.msk [tilespmem:v0+s6+$0x0], $0xffff;
	_ =	sdelay $0x4  }
0x1a7: {  	[tilespmem:s23+$0x2200] =	vst v1  }
0x1a8: {  	v1 =	vld.idx.msk [tilespmem:v0+s4+$0x0], $0xffff;
	_ =	sdelay $0x4  }
0x1a9: {  	[tilespmem:s23+$0x2280] =	vst v1  }
0x1aa: {  	v1 =	vld.idx.msk [tilespmem:v0+s19+$0x0], $0xffff;
	_ =	sdelay $0x4  }
0x1ab: {  	[tilespmem:s23+$0x2300] =	vst v1  }
0x1ac: {  	v1 =	vld.idx.msk [tilespmem:v0+s25+$0x0], $0xffff;
	_ =	sdelay $0x4  }
0x1ad: {  	s24 =	simm.s32 $0x380;
	[tilespmem:s23+$0x2380] =	vst v1  }
0x1ae: {  	v1 =	vld.idx.msk [tilespmem:v0+s24+$0x0], $0xffff;
	_ =	sdelay $0x4  }
0x1af: {  	s24 =	simm.s32 $0x3A0;
	[tilespmem:s23+$0x2400] =	vst v1  }
0x1b0: {  	v1 =	vld.idx.msk [tilespmem:v0+s24+$0x0], $0xffff;
	_ =	sdelay $0x4  }
0x1b1: {  	s24 =	simm.s32 $0x3C0;
	[tilespmem:s23+$0x2480] =	vst v1  }
0x1b2: {  	v1 =	vld.idx.msk [tilespmem:v0+s24+$0x0], $0xffff;
	_ =	sdelay $0x4  }
0x1b3: {  	s24 =	simm.s32 $0x3E0;
	[tilespmem:s23+$0x2500] =	vst v1  }
0x1b4: {  	v1 =	vld.idx.msk [tilespmem:v0+s24+$0x0], $0xffff;
	_ =	sdelay $0x4  }
0x1b5: {  	s24 =	simm.s32 $0x400;
	[tilespmem:s23+$0x2580] =	vst v1  }
0x1b6: {  	v1 =	vld.idx.msk [tilespmem:v0+s24+$0x0], $0xffff;
	_ =	sdelay $0x4  }
0x1b7: {  	s24 =	simm.s32 $0x420;
	[tilespmem:s23+$0x2A00] =	vst v1  }
0x1b8: {  	v1 =	vld.idx.msk [tilespmem:v0+s24+$0x0], $0xffff;
	_ =	sdelay $0x4  }
0x1b9: {  	s24 =	simm.s32 $0x440;
	[tilespmem:s23+$0x2A80] =	vst v1  }
0x1ba: {  	v1 =	vld.idx.msk [tilespmem:v0+s24+$0x0], $0xffff;
	_ =	sdelay $0x4  }
0x1bb: {  	s24 =	simm.s32 $0x460;
	[tilespmem:s23+$0x2B00] =	vst v1  }
0x1bc: {  	v1 =	vld.idx.msk [tilespmem:v0+s24+$0x0], $0xffff;
	_ =	sdelay $0x4  }
0x1bd: {  	s24 =	simm.s32 $0x480;
	[tilespmem:s23+$0x2B80] =	vst v1  }
0x1be: {  	v1 =	vld.idx.msk [tilespmem:v0+s24+$0x0], $0xffff;
	_ =	sdelay $0x4  }
0x1bf: {  	s24 =	simm.s32 $0x4A0;
	[tilespmem:s23+$0x2C00] =	vst v1  }
0x1c0: {  	v1 =	vld.idx.msk [tilespmem:v0+s24+$0x0], $0xffff;
	_ =	sdelay $0x4  }
0x1c1: {  	s24 =	simm.s32 $0x4C0;
	[tilespmem:s23+$0x2C80] =	vst v1  }
0x1c2: {  	v1 =	vld.idx.msk [tilespmem:v0+s24+$0x0], $0xffff;
	_ =	sdelay $0x4  }
0x1c3: {  	s24 =	simm.s32 $0x4E0;
	[tilespmem:s23+$0x2D00] =	vst v1  }
0x1c4: {  	v1 =	vld.idx.msk [tilespmem:v0+s24+$0x0], $0xffff;
	_ =	sdelay $0x4  }
0x1c5: {  	s24 =	simm.s32 $0x500;
	[tilespmem:s23+$0x2D80] =	vst v1  }
0x1c6: {  	v1 =	vld.idx.msk [tilespmem:v0+s24+$0x0], $0xffff;
	_ =	sdelay $0x4  }
0x1c7: {  	s24 =	simm.s32 $0x520;
	[tilespmem:s23+$0x3200] =	vst v1  }
0x1c8: {  	v1 =	vld.idx.msk [tilespmem:v0+s24+$0x0], $0xffff;
	_ =	sdelay $0x4  }
0x1c9: {  	s24 =	simm.s32 $0x540;
	[tilespmem:s23+$0x3280] =	vst v1  }
0x1ca: {  	v1 =	vld.idx.msk [tilespmem:v0+s24+$0x0], $0xffff;
	_ =	sdelay $0x4  }
0x1cb: {  	s24 =	simm.s32 $0x560;
	[tilespmem:s23+$0x3300] =	vst v1  }
0x1cc: {  	v1 =	vld.idx.msk [tilespmem:v0+s24+$0x0], $0xffff;
	_ =	sdelay $0x4  }
0x1cd: {  	s24 =	simm.s32 $0x580;
	[tilespmem:s23+$0x3380] =	vst v1  }
0x1ce: {  	v1 =	vld.idx.msk [tilespmem:v0+s24+$0x0], $0xffff;
	_ =	sdelay $0x4  }
0x1cf: {  	s24 =	simm.s32 $0x5A0;
	[tilespmem:s23+$0x3400] =	vst v1  }
0x1d0: {  	v1 =	vld.idx.msk [tilespmem:v0+s24+$0x0], $0xffff;
	_ =	sdelay $0x4  }
0x1d1: {  	s24 =	simm.s32 $0x5C0;
	[tilespmem:s23+$0x3480] =	vst v1  }
0x1d2: {  	v1 =	vld.idx.msk [tilespmem:v0+s24+$0x0], $0xffff;
	_ =	sdelay $0x4  }
0x1d3: {  	s24 =	simm.s32 $0x5E0;
	[tilespmem:s23+$0x3500] =	vst v1  }
0x1d4: {  	v1 =	vld.idx.msk [tilespmem:v0+s24+$0x0], $0xffff;
	_ =	sdelay $0x4  }
0x1d5: {  	s24 =	simm.s32 $0x600;
	[tilespmem:s23+$0x3580] =	vst v1  }
0x1d6: {  	v1 =	vld.idx.msk [tilespmem:v0+s24+$0x0], $0xffff;
	_ =	sdelay $0x4  }
0x1d7: {  	s24 =	simm.s32 $0x620;
	[tilespmem:s23+$0x3A00] =	vst v1  }
0x1d8: {  	v1 =	vld.idx.msk [tilespmem:v0+s24+$0x0], $0xffff;
	_ =	sdelay $0x4  }
0x1d9: {  	s24 =	simm.s32 $0x640;
	[tilespmem:s23+$0x3A80] =	vst v1  }
0x1da: {  	v1 =	vld.idx.msk [tilespmem:v0+s24+$0x0], $0xffff;
	_ =	sdelay $0x4  }
0x1db: {  	s24 =	simm.s32 $0x660;
	[tilespmem:s23+$0x3B00] =	vst v1  }
0x1dc: {  	v1 =	vld.idx.msk [tilespmem:v0+s24+$0x0], $0xffff;
	_ =	sdelay $0x4  }
0x1dd: {  	s24 =	simm.s32 $0x680;
	[tilespmem:s23+$0x3B80] =	vst v1  }
0x1de: {  	v1 =	vld.idx.msk [tilespmem:v0+s24+$0x0], $0xffff;
	_ =	sdelay $0x4  }
0x1df: {  	s24 =	simm.s32 $0x6A0;
	[tilespmem:s23+$0x3C00] =	vst v1  }
0x1e0: {  	v1 =	vld.idx.msk [tilespmem:v0+s24+$0x0], $0xffff;
	_ =	sdelay $0x4  }
0x1e1: {  	s24 =	simm.s32 $0x6C0;
	[tilespmem:s23+$0x3C80] =	vst v1  }
0x1e2: {  	v1 =	vld.idx.msk [tilespmem:v0+s24+$0x0], $0xffff;
	_ =	sdelay $0x4  }
0x1e3: {  	s24 =	simm.s32 $0x6E0;
	[tilespmem:s23+$0x3D00] =	vst v1  }
0x1e4: {  	v1 =	vld.idx.msk [tilespmem:v0+s24+$0x0], $0xffff;
	_ =	sdelay $0x4  }
0x1e5: {  	s24 =	simm.s32 $0x700;
	[tilespmem:s23+$0x3D80] =	vst v1  }
0x1e6: {  	v1 =	vld.idx.msk [tilespmem:v0+s24+$0x0], $0xffff;
	_ =	sdelay $0x4  }
0x1e7: {  	s24 =	simm.s32 $0x720;
	[tilespmem:s23+$0x4200] =	vst v1  }
0x1e8: {  	v1 =	vld.idx.msk [tilespmem:v0+s24+$0x0], $0xffff;
	_ =	sdelay $0x4  }
0x1e9: {  	s24 =	simm.s32 $0x740;
	[tilespmem:s23+$0x4280] =	vst v1  }
0x1ea: {  	v1 =	vld.idx.msk [tilespmem:v0+s24+$0x0], $0xffff;
	_ =	sdelay $0x4  }
0x1eb: {  	s24 =	simm.s32 $0x760;
	[tilespmem:s23+$0x4300] =	vst v1  }
0x1ec: {  	v1 =	vld.idx.msk [tilespmem:v0+s24+$0x0], $0xffff;
	_ =	sdelay $0x4  }
0x1ed: {  	s24 =	simm.s32 $0x780;
	[tilespmem:s23+$0x4380] =	vst v1  }
0x1ee: {  	v1 =	vld.idx.msk [tilespmem:v0+s24+$0x0], $0xffff;
	_ =	sdelay $0x4  }
0x1ef: {  	s24 =	simm.s32 $0x7A0;
	[tilespmem:s23+$0x4400] =	vst v1  }
0x1f0: {  	v1 =	vld.idx.msk [tilespmem:v0+s24+$0x0], $0xffff;
	_ =	sdelay $0x4  }
0x1f1: {  	s24 =	simm.s32 $0x7C0;
	[tilespmem:s23+$0x4480] =	vst v1  }
0x1f2: {  	v1 =	vld.idx.msk [tilespmem:v0+s24+$0x0], $0xffff;
	_ =	sdelay $0x4  }
0x1f3: {  	s24 =	simm.s32 $0x7E0;
	[tilespmem:s23+$0x4500] =	vst v1  }
0x1f4: {  	p1 =	sne.s32 s22, $0xF0;
	v0 =	vld.idx.msk [tilespmem:v0+s24+$0x0], $0xffff  }
.Ltmp6:
0x1f5: {  	_ = 	snop;
	(pc) =	sbr.rel @p1 .LBB2_9-.Ltmp6, $3  }
0x1f6: {  	_ =	sdelay $0x1  }
0x1f7: {  	s21 =	sadd.s32 $0x10, s21  }
0x1f8: {  	s20 =	sadd.s32 $0x80, s20;
	s22 =	sadd.s32 $0x10, s22;
	[tilespmem:s23+$0x4580] =	vst v0;
	s23 =	simm.s32 $0x0  }
0x1f9: {  	s20 =	rddreg [dreg:$0x9];
	s21 =	simm.s32 $0x800  }
0x1fa: {  	s0 =	simm.s32 $0xC3800;
	s1 =	simm.s32 $0xA00;
	s30 =	simm.s32 $0x1  }
0x1fb: {  	[hbm4b:s20+s21] =	stream.strided.scatter [tilespmem:s1], [sflag:$0x1], $0x4000, s0, s21, $0x38;
	[tilespmem:$0xCB00] =	vst v63  }
0x1fc: {  	_ =	swait.ge [sflag:s30], $0x4000  }
.Ltmp7:
0x1fd: {  	[sflag:s30] =	ssyncset.done $0x0;
	(pc) =	sbr.rel @p0 .LBB2_14-.Ltmp7, $4  }
0x1fe: {  	s31 =	simm.s32 $0x2;
	[sflag:s30] =	ssyncadd.s32 $0xFFFFC000  }
0x1ff: {  	_ =	swait.ge [sflag:s31], $0x4000  }
0x200: {  	[sflag:s31] =	ssyncset.done $0x0  }
0x201: {  	s1 =	simm.s32 $0x5;
	s0 =	rddreg [dreg:$0xd];
	[sflag:s31] =	ssyncadd.s32 $0xFFFFC000  }
0x202: {  	s22 =	simm.s32 $0x0;
	s12 =	simm.s32 $0x8A00  }
0x203: {  	s20 =	rddreg [dreg:$0xa];
	s8 =	simm.s32 $0x4E0;
	s11 =	simm.s32 $0x500  }
0x204: {  	s14 =	simm.s32 $0x520;
	s7 =	simm.s32 $0x540;
	s15 =	simm.s32 $0x560  }
0x205: {  	s17 =	simm.s32 $0x580;
	s10 =	simm.s32 $0x5A0;
	s2 =	simm.s32 $0x5C0  }
0x206: {  	s9 =	simm.s32 $0x5E0;
	s16 =	simm.s32 $0x600;
	s18 =	simm.s32 $0x620  }
0x207: {  	s5 =	simm.s32 $0x640;
	s6 =	simm.s32 $0x660;
	s4 =	simm.s32 $0x680  }
0x208: {  	s19 =	simm.s32 $0x6A0;
	s25 =	simm.s32 $0x6C0;
	s26 =	simm.s32 $0x700  }
0x209: {  	s28 =	simm.s32 $0x720;
	s29 =	simm.s32 $0x740;
	s30 =	simm.s32 $0x760  }
0x20a: {  	[tilespmem:s12], [sflag:$0x5] =	stream.linear.gather [hbm4b:s20+s22], $0xA0, $0x38;
	[tilespmem:$0xCB00] =	vst v63  }
0x20b: {  	s31 =	simm.s32 $0x780;
	s0 =	simm.s32 $0x7A0;
	_ =	swait.ge [sflag:s1], $0xA0  }
0x20c: {  	s3 =	simm.s32 $0x7C0;
	s24 =	simm.s32 $0x6E0;
	[sflag:s1] =	ssyncset.done $0x0  }
0x20d: {  	s20 =	simm.s32 $0x0;
	[sflag:s1] =	ssyncadd.s32 $0xFFFFFF60;
	s1 =	simm.s32 $0x7E0  }
.LBB2_12:
0x20e: {  	v0 =	vld [tilespmem:s12+$0x0];
	_ =	sdelay $0x7  }
0x20f: {  	v1 =	vld.idx.msk [tilespmem:v0+s23+$0x0], $0xffff;
	_ =	sdelay $0x1  }
0x210: {  	s21 =	sand.u32 $0x70, s20  }
0x211: {  	s13 =	smov.u32 s12;
	s12 =	smov.u32 s22;
	s22 =	sand.u32 $0x400, s22  }
0x212: {  	s21 =	sor.u32 s21, s22  }
0x213: {  	s22 =	simm.s32 $0x20;
	[tilespmem:s21+$0x8B00] =	vst v1  }
0x214: {  	v1 =	vld.idx.msk [tilespmem:v0+s22+$0x0], $0xffff;
	_ =	sdelay $0x4  }
0x215: {  	s22 =	simm.s32 $0x40;
	[tilespmem:s21+$0x8B80] =	vst v1  }
0x216: {  	v1 =	vld.idx.msk [tilespmem:v0+s22+$0x0], $0xffff;
	_ =	sdelay $0x4  }
0x217: {  	s22 =	simm.s32 $0x60;
	[tilespmem:s21+$0x8C00] =	vst v1  }
0x218: {  	v1 =	vld.idx.msk [tilespmem:v0+s22+$0x0], $0xffff;
	_ =	sdelay $0x4  }
0x219: {  	s22 =	simm.s32 $0x80;
	[tilespmem:s21+$0x8C80] =	vst v1  }
0x21a: {  	v1 =	vld.idx.msk [tilespmem:v0+s22+$0x0], $0xffff;
	_ =	sdelay $0x4  }
0x21b: {  	s22 =	simm.s32 $0xA0;
	[tilespmem:s21+$0x8D00] =	vst v1  }
0x21c: {  	v1 =	vld.idx.msk [tilespmem:v0+s22+$0x0], $0xffff;
	_ =	sdelay $0x4  }
0x21d: {  	s22 =	simm.s32 $0xC0;
	[tilespmem:s21+$0x8D80] =	vst v1  }
0x21e: {  	v1 =	vld.idx.msk [tilespmem:v0+s22+$0x0], $0xffff;
	_ =	sdelay $0x4  }
0x21f: {  	s22 =	simm.s32 $0xE0;
	[tilespmem:s21+$0x8E00] =	vst v1  }
0x220: {  	v1 =	vld.idx.msk [tilespmem:v0+s22+$0x0], $0xffff;
	_ =	sdelay $0x2  }
0x221: {  	s22 =	sor.u32 s12, s20  }
0x222: {  	s22 =	sor.u32 $0x380, s22  }
0x223: {  	[tilespmem:s22+$0x8B00] =	vst v1;
	s22 =	smov.u32 s12;
	s12 =	smov.u32 s13;
	s13 =	simm.s32 $0x100  }
0x224: {  	v1 =	vld.idx.msk [tilespmem:v0+s13+$0x0], $0xffff;
	_ =	sdelay $0x4  }
0x225: {  	s13 =	simm.s32 $0x120;
	[tilespmem:s21+$0x9300] =	vst v1  }
0x226: {  	v1 =	vld.idx.msk [tilespmem:v0+s13+$0x0], $0xffff;
	_ =	sdelay $0x4  }
0x227: {  	s13 =	simm.s32 $0x140;
	[tilespmem:s21+$0x9380] =	vst v1  }
0x228: {  	v1 =	vld.idx.msk [tilespmem:v0+s13+$0x0], $0xffff;
	_ =	sdelay $0x4  }
0x229: {  	s13 =	simm.s32 $0x160;
	[tilespmem:s21+$0x9400] =	vst v1  }
0x22a: {  	v1 =	vld.idx.msk [tilespmem:v0+s13+$0x0], $0xffff;
	_ =	sdelay $0x4  }
0x22b: {  	s13 =	simm.s32 $0x180;
	[tilespmem:s21+$0x9480] =	vst v1  }
0x22c: {  	v1 =	vld.idx.msk [tilespmem:v0+s13+$0x0], $0xffff;
	_ =	sdelay $0x4  }
0x22d: {  	s13 =	simm.s32 $0x1A0;
	[tilespmem:s21+$0x9500] =	vst v1  }
0x22e: {  	v1 =	vld.idx.msk [tilespmem:v0+s13+$0x0], $0xffff;
	_ =	sdelay $0x4  }
0x22f: {  	s13 =	simm.s32 $0x1C0;
	[tilespmem:s21+$0x9580] =	vst v1  }
0x230: {  	v1 =	vld.idx.msk [tilespmem:v0+s13+$0x0], $0xffff;
	_ =	sdelay $0x4  }
0x231: {  	s13 =	simm.s32 $0x1E0;
	[tilespmem:s21+$0x9600] =	vst v1  }
0x232: {  	v1 =	vld.idx.msk [tilespmem:v0+s13+$0x0], $0xffff;
	_ =	sdelay $0x4  }
0x233: {  	s13 =	simm.s32 $0x200;
	[tilespmem:s21+$0x9680] =	vst v1  }
0x234: {  	v1 =	vld.idx.msk [tilespmem:v0+s13+$0x0], $0xffff;
	_ =	sdelay $0x4  }
0x235: {  	s13 =	simm.s32 $0x220;
	[tilespmem:s21+$0x9B00] =	vst v1  }
0x236: {  	v1 =	vld.idx.msk [tilespmem:v0+s13+$0x0], $0xffff;
	_ =	sdelay $0x4  }
0x237: {  	s13 =	simm.s32 $0x240;
	[tilespmem:s21+$0x9B80] =	vst v1  }
0x238: {  	v1 =	vld.idx.msk [tilespmem:v0+s13+$0x0], $0xffff;
	_ =	sdelay $0x4  }
0x239: {  	s13 =	simm.s32 $0x260;
	[tilespmem:s21+$0x9C00] =	vst v1  }
0x23a: {  	v1 =	vld.idx.msk [tilespmem:v0+s13+$0x0], $0xffff;
	_ =	sdelay $0x4  }
0x23b: {  	s13 =	simm.s32 $0x280;
	[tilespmem:s21+$0x9C80] =	vst v1  }
0x23c: {  	v1 =	vld.idx.msk [tilespmem:v0+s13+$0x0], $0xffff;
	_ =	sdelay $0x4  }
0x23d: {  	s13 =	simm.s32 $0x2A0;
	[tilespmem:s21+$0x9D00] =	vst v1  }
0x23e: {  	v1 =	vld.idx.msk [tilespmem:v0+s13+$0x0], $0xffff;
	_ =	sdelay $0x4  }
0x23f: {  	s13 =	simm.s32 $0x2C0;
	[tilespmem:s21+$0x9D80] =	vst v1  }
0x240: {  	v1 =	vld.idx.msk [tilespmem:v0+s13+$0x0], $0xffff;
	_ =	sdelay $0x4  }
0x241: {  	s13 =	simm.s32 $0x2E0;
	[tilespmem:s21+$0x9E00] =	vst v1  }
0x242: {  	v1 =	vld.idx.msk [tilespmem:v0+s13+$0x0], $0xffff;
	_ =	sdelay $0x4  }
0x243: {  	s13 =	simm.s32 $0x300;
	[tilespmem:s21+$0x9E80] =	vst v1  }
0x244: {  	v1 =	vld.idx.msk [tilespmem:v0+s13+$0x0], $0xffff;
	_ =	sdelay $0x4  }
0x245: {  	s13 =	simm.s32 $0x320;
	[tilespmem:s21+$0xA300] =	vst v1  }
0x246: {  	v1 =	vld.idx.msk [tilespmem:v0+s13+$0x0], $0xffff;
	_ =	sdelay $0x4  }
0x247: {  	s13 =	simm.s32 $0x340;
	[tilespmem:s21+$0xA380] =	vst v1  }
0x248: {  	v1 =	vld.idx.msk [tilespmem:v0+s13+$0x0], $0xffff;
	_ =	sdelay $0x4  }
0x249: {  	s13 =	simm.s32 $0x360;
	[tilespmem:s21+$0xA400] =	vst v1  }
0x24a: {  	v1 =	vld.idx.msk [tilespmem:v0+s13+$0x0], $0xffff;
	_ =	sdelay $0x4  }
0x24b: {  	s13 =	simm.s32 $0x380;
	[tilespmem:s21+$0xA480] =	vst v1  }
0x24c: {  	v1 =	vld.idx.msk [tilespmem:v0+s13+$0x0], $0xffff;
	_ =	sdelay $0x4  }
0x24d: {  	s13 =	simm.s32 $0x3A0;
	[tilespmem:s21+$0xA500] =	vst v1  }
0x24e: {  	v1 =	vld.idx.msk [tilespmem:v0+s13+$0x0], $0xffff;
	_ =	sdelay $0x4  }
0x24f: {  	s13 =	simm.s32 $0x3C0;
	[tilespmem:s21+$0xA580] =	vst v1  }
0x250: {  	v1 =	vld.idx.msk [tilespmem:v0+s13+$0x0], $0xffff;
	_ =	sdelay $0x4  }
0x251: {  	s13 =	simm.s32 $0x3E0;
	[tilespmem:s21+$0xA600] =	vst v1  }
0x252: {  	v1 =	vld.idx.msk [tilespmem:v0+s13+$0x0], $0xffff;
	_ =	sdelay $0x4  }
0x253: {  	s13 =	simm.s32 $0x400;
	[tilespmem:s21+$0xA680] =	vst v1  }
0x254: {  	v1 =	vld.idx.msk [tilespmem:v0+s13+$0x0], $0xffff;
	_ =	sdelay $0x4  }
0x255: {  	s13 =	simm.s32 $0x420;
	[tilespmem:s21+$0xAB00] =	vst v1  }
0x256: {  	v1 =	vld.idx.msk [tilespmem:v0+s13+$0x0], $0xffff;
	_ =	sdelay $0x4  }
0x257: {  	s13 =	simm.s32 $0x440;
	[tilespmem:s21+$0xAB80] =	vst v1  }
0x258: {  	v1 =	vld.idx.msk [tilespmem:v0+s13+$0x0], $0xffff;
	_ =	sdelay $0x4  }
0x259: {  	s13 =	simm.s32 $0x460;
	[tilespmem:s21+$0xAC00] =	vst v1  }
0x25a: {  	v1 =	vld.idx.msk [tilespmem:v0+s13+$0x0], $0xffff;
	_ =	sdelay $0x4  }
0x25b: {  	s13 =	simm.s32 $0x480;
	[tilespmem:s21+$0xAC80] =	vst v1  }
0x25c: {  	v1 =	vld.idx.msk [tilespmem:v0+s13+$0x0], $0xffff;
	_ =	sdelay $0x4  }
0x25d: {  	s13 =	simm.s32 $0x4A0;
	[tilespmem:s21+$0xAD00] =	vst v1  }
0x25e: {  	v1 =	vld.idx.msk [tilespmem:v0+s13+$0x0], $0xffff;
	_ =	sdelay $0x4  }
0x25f: {  	s13 =	simm.s32 $0x4C0;
	[tilespmem:s21+$0xAD80] =	vst v1  }
0x260: {  	v1 =	vld.idx.msk [tilespmem:v0+s13+$0x0], $0xffff;
	_ =	sdelay $0x4  }
0x261: {  	[tilespmem:s21+$0xAE00] =	vst v1  }
0x262: {  	v1 =	vld.idx.msk [tilespmem:v0+s8+$0x0], $0xffff;
	_ =	sdelay $0x4  }
0x263: {  	[tilespmem:s21+$0xAE80] =	vst v1  }
0x264: {  	v1 =	vld.idx.msk [tilespmem:v0+s11+$0x0], $0xffff;
	_ =	sdelay $0x4  }
0x265: {  	[tilespmem:s21+$0xB300] =	vst v1  }
0x266: {  	v1 =	vld.idx.msk [tilespmem:v0+s14+$0x0], $0xffff;
	_ =	sdelay $0x4  }
0x267: {  	[tilespmem:s21+$0xB380] =	vst v1  }
0x268: {  	v1 =	vld.idx.msk [tilespmem:v0+s7+$0x0], $0xffff;
	_ =	sdelay $0x4  }
0x269: {  	[tilespmem:s21+$0xB400] =	vst v1  }
0x26a: {  	v1 =	vld.idx.msk [tilespmem:v0+s15+$0x0], $0xffff;
	_ =	sdelay $0x4  }
0x26b: {  	[tilespmem:s21+$0xB480] =	vst v1  }
0x26c: {  	v1 =	vld.idx.msk [tilespmem:v0+s17+$0x0], $0xffff;
	_ =	sdelay $0x4  }
0x26d: {  	[tilespmem:s21+$0xB500] =	vst v1  }
0x26e: {  	v1 =	vld.idx.msk [tilespmem:v0+s10+$0x0], $0xffff;
	_ =	sdelay $0x4  }
0x26f: {  	[tilespmem:s21+$0xB580] =	vst v1  }
0x270: {  	v1 =	vld.idx.msk [tilespmem:v0+s2+$0x0], $0xffff;
	_ =	sdelay $0x4  }
0x271: {  	[tilespmem:s21+$0xB600] =	vst v1  }
0x272: {  	v1 =	vld.idx.msk [tilespmem:v0+s9+$0x0], $0xffff;
	_ =	sdelay $0x4  }
0x273: {  	[tilespmem:s21+$0xB680] =	vst v1  }
0x274: {  	v1 =	vld.idx.msk [tilespmem:v0+s16+$0x0], $0xffff;
	_ =	sdelay $0x4  }
0x275: {  	[tilespmem:s21+$0xBB00] =	vst v1  }
0x276: {  	v1 =	vld.idx.msk [tilespmem:v0+s18+$0x0], $0xffff;
	_ =	sdelay $0x4  }
0x277: {  	[tilespmem:s21+$0xBB80] =	vst v1  }
0x278: {  	v1 =	vld.idx.msk [tilespmem:v0+s5+$0x0], $0xffff;
	_ =	sdelay $0x4  }
0x279: {  	[tilespmem:s21+$0xBC00] =	vst v1  }
0x27a: {  	v1 =	vld.idx.msk [tilespmem:v0+s6+$0x0], $0xffff;
	_ =	sdelay $0x4  }
0x27b: {  	[tilespmem:s21+$0xBC80] =	vst v1  }
0x27c: {  	v1 =	vld.idx.msk [tilespmem:v0+s4+$0x0], $0xffff;
	_ =	sdelay $0x4  }
0x27d: {  	[tilespmem:s21+$0xBD00] =	vst v1  }
0x27e: {  	v1 =	vld.idx.msk [tilespmem:v0+s19+$0x0], $0xffff;
	_ =	sdelay $0x4  }
0x27f: {  	[tilespmem:s21+$0xBD80] =	vst v1  }
0x280: {  	v1 =	vld.idx.msk [tilespmem:v0+s25+$0x0], $0xffff;
	_ =	sdelay $0x4  }
0x281: {  	[tilespmem:s21+$0xBE00] =	vst v1  }
0x282: {  	v1 =	vld.idx.msk [tilespmem:v0+s24+$0x0], $0xffff;
	_ =	sdelay $0x4  }
0x283: {  	[tilespmem:s21+$0xBE80] =	vst v1  }
0x284: {  	v1 =	vld.idx.msk [tilespmem:v0+s26+$0x0], $0xffff;
	_ =	sdelay $0x4  }
0x285: {  	[tilespmem:s21+$0xC300] =	vst v1  }
0x286: {  	v1 =	vld.idx.msk [tilespmem:v0+s28+$0x0], $0xffff;
	_ =	sdelay $0x4  }
0x287: {  	[tilespmem:s21+$0xC380] =	vst v1  }
0x288: {  	v1 =	vld.idx.msk [tilespmem:v0+s29+$0x0], $0xffff;
	_ =	sdelay $0x4  }
0x289: {  	[tilespmem:s21+$0xC400] =	vst v1  }
0x28a: {  	v1 =	vld.idx.msk [tilespmem:v0+s30+$0x0], $0xffff;
	_ =	sdelay $0x4  }
0x28b: {  	[tilespmem:s21+$0xC480] =	vst v1  }
0x28c: {  	v1 =	vld.idx.msk [tilespmem:v0+s31+$0x0], $0xffff;
	_ =	sdelay $0x4  }
0x28d: {  	[tilespmem:s21+$0xC500] =	vst v1  }
0x28e: {  	v1 =	vld.idx.msk [tilespmem:v0+s0+$0x0], $0xffff;
	_ =	sdelay $0x4  }
0x28f: {  	[tilespmem:s21+$0xC580] =	vst v1  }
0x290: {  	v1 =	vld.idx.msk [tilespmem:v0+s3+$0x0], $0xffff;
	_ =	sdelay $0x4  }
0x291: {  	[tilespmem:s21+$0xC600] =	vst v1  }
0x292: {  	p1 =	sne.s32 s20, $0x90;
	v0 =	vld.idx.msk [tilespmem:v0+s1+$0x0], $0xffff  }
.Ltmp8:
0x293: {  	_ = 	snop;
	(pc) =	sbr.rel @p1 .LBB2_12-.Ltmp8, $2  }
0x294: {  	_ =	sdelay $0x2  }
0x295: {  	s20 =	sadd.s32 $0x10, s20;
	s22 =	sadd.s32 $0x80, s22;
	s12 =	sadd.s32 $0x10, s12;
	[tilespmem:s21+$0xC680] =	vst v0  }
0x296: {  	s20 =	rddreg [dreg:$0xb]  }
0x297: {  	s21 =	simm.s32 $0x800;
	s0 =	simm.s32 $0xC3800;
	s1 =	simm.s32 $0x8B00  }
0x298: {  	[hbm4b:s20+s21] =	stream.strided.scatter [tilespmem:s1], [sflag:$0x5], $0x4000, s0, s21, $0x38;
	[tilespmem:$0xCB00] =	vst v63  }
.Ltmp9:
0x299: {  	_ = 	snop;
	(pc) =	sbr.rel .LBB2_14-.Ltmp9, $4  }
0x29a: {  	s1 =	simm.s32 $0x5  }
0x29b: {  	_ =	swait.ge [sflag:s1], $0x4000  }
0x29c: {  	[sflag:s1] =	ssyncset.done $0x0  }
0x29d: {  	s0 =	rddreg [dreg:$0xd];
	[sflag:s1] =	ssyncadd.s32 $0xFFFFC000  }
.LBB2_15:
0x29e: {  	_ =	sfence.sel $0x180000  }
0x29f: {  	[bflag:$0x0] =	sbarrier.arrive $0xFFFF  }
0x2a0: {  	_ =	strace $0x90000047  }
0x2a1: {  	s0 =	stileid.u32;
	[bflag:$0x2] =	sbarrier.arrive $0xFFFF  }
0x2a2: {  	p0 =	sne.s32 s0, $0x0;
	s0 =	rddreg [dreg:$0x2]  }
0x2a3: {  	s0 =	sadd.s32 @!p0 $0x100000, s0  }
0x2a4: {  	[sflag:s0] =	ssyncadd.tile.s32 @!p0 $0x1;
	_ =	shalt  }
.Lfunc_end2:
_tile_overlayer_lowered:
.L_overlay_start_2:
0x2a5: {  	(tag) =	ssettag $0x2  }
0x2a6: {  	s0 =	rddreg [dreg:$0x0];
	s2 =	stileid.u32  }
0x2a7: {  	s1 =	rddreg [dreg:$0x1];
	p0 =	sne.s32 s2, $0x0  }
0x2a8: {  	s3 =	rddreg [dreg:$0x2];
	[bflag:$0x3] =	sbarrier.arrive $0xFFFF;
	s2 =	simm.s32 @!p0 $0x1C05  }
0x2a9: {  	[timem:s3], [sflag:s2] =	dma.local @!p0 [hbm:s0], s1  }
0x2aa: {  	s0 =	simm.s32 @!p0 $0x5  }
0x2ab: {  	_ =	swait.ge @!p0 [sflag:s0], s1  }
0x2ac: {  	s1 =	ssub.s32 @!p0 $0x0, s1;
	[sflag:s0] =	ssyncset.done @!p0 $0x0  }
0x2ad: {  	[sflag:s0] =	ssyncadd.s32 @!p0 s1  }
0x2ae: {  	[bflag:$0x3] =	sbarrier.arrive $0xFFFF  }
0x2af: {  	_ =	shalt  }

</sc_bundles>
